<compile_context>
chip_gen: v7x
topology: tpu7x:2x2x1
jax: 0.10.2.dev20260603
libtpu: 0.0.44.dev20260713+nightly
codegen_flags: <defaults>
</compile_context>

<pallas_src>
import jax
import jax.numpy as jnp
from jax import lax
from jax.experimental import pallas as pl
from jax.experimental.pallas import tpu as pltpu
from jax.experimental.pallas import tpu_sc as plsc

N = 10000
NP = 10240
D = 128
E_RAW = 320000
E_AUG = E_RAW + N
NT = 32
CH = 128
NCHUNK = -(-E_AUG // (NT * CH))
EW_T = NCHUNK * CH
EA = EW_T * NT
ROWS_T = NP // 16
EPS = 1e-5

_mesh = plsc.VectorSubcoreMesh(core_axis_name="c", subcore_axis_name="s")
_sc_params = pltpu.CompilerParams(needs_layout_passes=False)


def _sc_pre_body(dst_hbm, ew_hbm, ids_hbm, emb_hbm, degp_hbm, draw_hbm,
                 idx_v, ew_v, acc_v, ids_v, erows_v, sem):
    c = lax.axis_index("c")
    s = lax.axis_index("s")
    w = c * 16 + s

    def zbody(i, _):
        acc_v[pl.ds(i * 16, 16)] = jnp.zeros((16,), jnp.float32)
        return 0

    lax.fori_loop(0, NP // 16, zbody, 0)

    base = w * EW_T

    def chunk(g, _):
        e0 = base + g * CH
        pltpu.sync_copy(dst_hbm.at[pl.ds(e0, CH)], idx_v)
        pltpu.sync_copy(ew_hbm.at[pl.ds(e0, CH)], ew_v)
        for j in range(CH // 16):
            dv = idx_v[pl.ds(j * 16, 16)]
            wv = ew_v[pl.ds(j * 16, 16)]
            plsc.addupdate_scatter(acc_v, [dv], wv)
        return 0

    lax.fori_loop(0, NCHUNK, chunk, 0)
    pltpu.sync_copy(acc_v, degp_hbm.at[w])

    nb = w * (NP // NT)

    def echunk(k, _):
        pltpu.sync_copy(ids_hbm.at[pl.ds(nb + k * 80, 80)], ids_v)
        pltpu.async_copy(emb_hbm.at[ids_v], erows_v, sem).wait()
        pltpu.sync_copy(erows_v, draw_hbm.at[pl.ds(nb + k * 80, 80)])
        return 0

    lax.fori_loop(0, 4, echunk, 0)


_sc_pre = pl.kernel(
    _sc_pre_body,
    out_type=(jax.ShapeDtypeStruct((NT, NP), jnp.float32),
              jax.ShapeDtypeStruct((NP, D), jnp.float32)),
    mesh=_mesh,
    compiler_params=_sc_params,
    scratch_types=[
        pltpu.VMEM((CH,), jnp.int32),
        pltpu.VMEM((CH,), jnp.float32),
        pltpu.VMEM((NP,), jnp.float32),
        pltpu.VMEM((80,), jnp.int32),
        pltpu.VMEM((80, D), jnp.float32),
        pltpu.SemaphoreType.DMA,
    ],
)


def _sc_conv_body(xw_hbm, edata_hbm, dis_hbm,
                  out_hbm, dis_v, cf_v, ib, rows_v, acc_sh, sem):
    c = lax.axis_index("c")
    s = lax.axis_index("s")
    w = c * 16 + s

    pltpu.sync_copy(dis_hbm, dis_v)

    def zrow(e, _):
        for jj in range(D // 16):
            rows_v[e, pl.ds(jj * 16, 16)] = jnp.zeros((16,), jnp.float32)
        return 0

    lax.fori_loop(0, CH, zrow, 0)
    for k in range(ROWS_T // CH):
        pltpu.sync_copy(rows_v, acc_sh.at[pl.ds(s * ROWS_T + k * CH, CH)])
    plsc.subcore_barrier()

    def chunk(g, _):
        pltpu.sync_copy(edata_hbm.at[w, g], ib)
        pltpu.async_copy(xw_hbm.at[ib.at[0]], rows_v, sem).wait()
        for j in range(CH // 16):
            sj = ib[0, pl.ds(j * 16, 16)]
            dj = ib[1, pl.ds(j * 16, 16)]
            wj = plsc.bitcast(ib[2, pl.ds(j * 16, 16)], jnp.float32)
            cf_v[pl.ds(j * 16, 16)] = (
                plsc.load_gather(dis_v, [sj]) * wj
                * plsc.load_gather(dis_v, [dj]))

        def scale(e4, _):
            for t in range(4):
                e = e4 * 4 + t
                fv = plsc.load_gather(cf_v, [jnp.broadcast_to(e, (16,))])
                for jj in range(D // 16):
                    rows_v[e, pl.ds(jj * 16, 16)] = (
                        rows_v[e, pl.ds(jj * 16, 16)] * fv)
            return 0

        lax.fori_loop(0, CH // 4, scale, 0)
        pltpu.sync_copy(rows_v, acc_sh.at[ib.at[1]], add=True)
        return 0

    lax.fori_loop(0, NCHUNK, chunk, 0)
    plsc.subcore_barrier()
    pltpu.sync_copy(acc_sh.at[pl.ds(s * ROWS_T, ROWS_T)],
                    out_hbm.at[c, pl.ds(s * ROWS_T, ROWS_T)])


_sc_conv = pl.kernel(
    _sc_conv_body,
    out_type=jax.ShapeDtypeStruct((2, NP, D), jnp.float32),
    mesh=_mesh,
    compiler_params=_sc_params,
    scratch_types=[
        pltpu.VMEM((NP,), jnp.float32),
        pltpu.VMEM((CH,), jnp.float32),
        pltpu.VMEM((3, CH), jnp.int32),
        pltpu.VMEM((CH, D), jnp.float32),
        pltpu.VMEM_SHARED((NP, D), jnp.float32),
        pltpu.SemaphoreType.DMA,
    ],
)


def _tc1_body(degp_ref, x_ref, W1_ref, dis_ref, xw1_ref):
    deg = jnp.sum(degp_ref[...], axis=0, keepdims=True)
    dis_ref[...] = jnp.where(deg > 0, jax.lax.rsqrt(deg), 0.0)
    xw1_ref[...] = jnp.dot(x_ref[...], W1_ref[...],
                           preferred_element_type=jnp.float32)


def _tc2_body(part_ref, b1_ref, W2_ref, xw2_ref):
    h = part_ref[0, 0:N, :] + part_ref[1, 0:N, :] + b1_ref[...]
    h = jax.nn.relu(h)
    xw2_ref[...] = jnp.dot(h, W2_ref[...],
                           preferred_element_type=jnp.float32)


def _bn_relu(v, g, b):
    mu = jnp.sum(v, axis=0, keepdims=True) * (1.0 / N)
    var = jnp.sum((v - mu) ** 2, axis=0, keepdims=True) * (1.0 / N)
    return jax.nn.relu(g * (v - mu) * jax.lax.rsqrt(var + EPS) + b)


def _tc3_body(part_ref, b2_ref, draw_ref, edges_ref, W0_ref, b0_ref,
              bn_g_ref, bn_b_ref, be_g_ref, be_b_ref, bd_g_ref, bd_b_ref,
              Wf_ref, bf_ref, out_ref):
    h = part_ref[0, 0:N, :] + part_ref[1, 0:N, :] + b2_ref[...]
    h = _bn_relu(h, bn_g_ref[...], bn_b_ref[...])
    e = edges_ref[...] * W0_ref[...] + b0_ref[...]
    e = _bn_relu(e, be_g_ref[...], be_b_ref[...])
    d = _bn_relu(draw_ref[0:N, :], bd_g_ref[...], bd_b_ref[...])
    Wf = Wf_ref[...]
    acc = jnp.dot(h, Wf[0:D], preferred_element_type=jnp.float32)
    acc += jnp.dot(e, Wf[D:2 * D], preferred_element_type=jnp.float32)
    acc += jnp.dot(d, Wf[2 * D:3 * D], preferred_element_type=jnp.float32)
    out_ref[...] = acc + bf_ref[...]


def kernel(x, edge_index, edge_weight, edges, degree, W1, b1, W2, b2, bn_g,
           bn_b, be_g, be_b, bd_g, bd_b, W0, b0, emb, Wf, bf):
    src, dst = edge_index[0], edge_index[1]
    idt = src.dtype
    pad = EA - E_AUG
    loop = jnp.arange(N, dtype=idt)
    pad_dst = (N + jnp.arange(pad, dtype=idt) % (NP - N)).astype(idt)
    srcA = jnp.concatenate([src, loop, jnp.zeros((pad,), idt)])
    dstA = jnp.concatenate([dst, loop, pad_dst])
    ewA = jnp.concatenate([edge_weight, jnp.ones((N,), jnp.float32),
                           jnp.zeros((pad,), jnp.float32)])
    ids_p = jnp.concatenate([degree, jnp.zeros((NP - N,), degree.dtype)])
    edata = jnp.stack(
        [srcA.reshape(NT, NCHUNK, CH),
         dstA.reshape(NT, NCHUNK, CH),
         jax.lax.bitcast_convert_type(ewA, jnp.int32).reshape(NT, NCHUNK, CH)],
        axis=2)

    degp, d_raw = _sc_pre(dstA, ewA, ids_p, emb)

    dis2d, xw1 = pl.pallas_call(
        _tc1_body,
        out_shape=(jax.ShapeDtypeStruct((1, NP), jnp.float32),
                   jax.ShapeDtypeStruct((N, D), jnp.float32)),
    )(degp, x, W1)
    dis = dis2d.reshape(NP)

    part1 = _sc_conv(xw1, edata, dis)

    xw2 = pl.pallas_call(
        _tc2_body,
        out_shape=jax.ShapeDtypeStruct((N, D), jnp.float32),
    )(part1, b1.reshape(1, D), W2)

    part2 = _sc_conv(xw2, edata, dis)

    return pl.pallas_call(
        _tc3_body,
        out_shape=jax.ShapeDtypeStruct((N, D), jnp.float32),
    )(part2, b2.reshape(1, D), d_raw, edges, W0, b0.reshape(1, D),
      bn_g.reshape(1, D), bn_b.reshape(1, D), be_g.reshape(1, D),
      be_b.reshape(1, D), bd_g.reshape(1, D), bd_b.reshape(1, D),
      Wf, bf.reshape(1, D))

# --- scband reference (transcript-rebuilt; emitter-appended) ---
"""Pipeline reference for scband-gcn-3032246911263 (READ-ONLY COPY).

The authoritative reference and input builder live on the scoring server;
editing this copy changes nothing except your own understanding.
"""

import jax, jax.numpy as jnp
import numpy as np

N_NODES = 10000
N_EDGES = 320000
D = 128
VOCAB_DEG = 500
EPS = 1e-5


def _gcn_conv(x, src, dst, ew, W, b, n):
    # torch_geometric GCNConv with add_self_loops=True, normalize=True
    loop = jnp.arange(n, dtype=src.dtype)
    src2 = jnp.concatenate([src, loop])
    dst2 = jnp.concatenate([dst, loop])
    ew2 = jnp.concatenate([ew, jnp.ones((n,), ew.dtype)])
    deg = jax.ops.segment_sum(ew2, dst2, num_segments=n)
    dis = jnp.where(deg > 0, jax.lax.rsqrt(deg), 0.0)
    norm = dis[src2] * ew2 * dis[dst2]
    xW = x @ W
    msgs = jnp.take(xW, src2, axis=0) * norm[:, None]
    out = jax.ops.segment_sum(msgs, dst2, num_segments=n)
    return out + b


def _bn(x, g, b):
    # BatchNorm1d in training mode: batch stats, biased variance
    mu = jnp.mean(x, axis=0)
    var = jnp.var(x, axis=0)
    return g * (x - mu) * jax.lax.rsqrt(var + EPS) + b


def setup_inputs(seed: int = 0):
    key = jax.random.key(seed)
    ks = jax.random.split(key, 20)
    s = 1.0 / np.sqrt(D)
    inp = {}
    inp['x'] = jax.random.normal(ks[0], (N_NODES, D), jnp.float32)
    inp['edge_index'] = jax.random.randint(ks[1], (2, N_EDGES), 0, N_NODES, dtype=jnp.int32)
    inp['edge_weight'] = jax.random.uniform(ks[2], (N_EDGES,), jnp.float32)
    inp['edges'] = jax.random.normal(ks[3], (N_NODES, 1), jnp.float32)
    inp['degree'] = jax.random.randint(ks[4], (N_NODES,), 0, VOCAB_DEG, dtype=jnp.int32)
    # params
    inp['W1'] = jax.random.normal(ks[5], (D, D), jnp.float32) * s
    inp['b1'] = jnp.zeros((D,), jnp.float32)
    inp['W2'] = jax.random.normal(ks[6], (D, D), jnp.float32) * s
    inp['b2'] = jnp.zeros((D,), jnp.float32)
    inp['bn_g'] = jnp.ones((D,), jnp.float32)
    inp['bn_b'] = jnp.zeros((D,), jnp.float32)
    inp['be_g'] = jnp.ones((D,), jnp.float32)
    inp['be_b'] = jnp.zeros((D,), jnp.float32)
    inp['bd_g'] = jnp.ones((D,), jnp.float32)
    inp['bd_b'] = jnp.zeros((D,), jnp.float32)
    inp['W0'] = jax.random.normal(ks[7], (1, D), jnp.float32)
    inp['b0'] = jnp.zeros((D,), jnp.float32)
    inp['emb'] = jax.random.normal(ks[8], (VOCAB_DEG, D), jnp.float32)
    inp['Wf'] = jax.random.normal(ks[9], (3 * D, D), jnp.float32) * (1.0 / np.sqrt(3 * D))
    inp['bf'] = jnp.zeros((D,), jnp.float32)
    return inp


def reference(x, edge_index, edge_weight, edges, degree, W1, b1, W2, b2, bn_g, bn_b, be_g, be_b, bd_g, bd_b, W0, b0, emb, Wf, bf):
    src, dst = edge_index[0], edge_index[1]
    h = _gcn_conv(x, src, dst, edge_weight, W1, b1, N_NODES)
    h = jax.nn.relu(h)
    # dropout p=0 -> identity
    h = _gcn_conv(h, src, dst, edge_weight, W2, b2, N_NODES)
    h = _bn(h, bn_g, bn_b)
    h = jax.nn.relu(h)
    e = edges @ W0 + b0
    e = _bn(e, be_g, be_b)
    e = jax.nn.relu(e)
    d = jnp.take(emb, degree, axis=0)
    d = _bn(d, bd_g, bd_b)
    d = jax.nn.relu(d)
    cat = jnp.concatenate([h, e, d], axis=1)
    return cat @ Wf + bf

if __name__ == "__main__":
    import jax
    _d = setup_inputs()
    print(jax.jit(kernel)(*tuple(_d.values())))

</pallas_src>

<mosaic_0001>
#map = affine_map<(d0, d1) -> (0)>
#map1 = affine_map<(d0, d1) -> (0, 0)>
module attributes {stable_mosaic.version = 14 : i64} {
  func.func @_sc_pre_body(%arg0: i32, %arg1: i32, %arg2: memref<331776xi32, #tpu.memory_space<hbm>>, %arg3: memref<331776xf32, #tpu.memory_space<hbm>>, %arg4: memref<10240xi32, #tpu.memory_space<hbm>>, %arg5: memref<500x128xf32, #tpu.memory_space<hbm>>, %arg6: memref<32x10240xf32, #tpu.memory_space<hbm>>, %arg7: memref<10240x128xf32, #tpu.memory_space<hbm>>, %arg8: memref<128xi32, #tpu.memory_space<vmem>>, %arg9: memref<128xf32, #tpu.memory_space<vmem>>, %arg10: memref<10240xf32, #tpu.memory_space<vmem>>, %arg11: memref<80xi32, #tpu.memory_space<vmem>>, %arg12: memref<80x128xf32, #tpu.memory_space<vmem>>, %arg13: memref<!tpu.dma_semaphore, #tpu.memory_space<semaphore_mem>>) attributes {dimension_semantics = [#tpu.dimension_semantics<core_parallel>, #tpu.dimension_semantics<subcore_parallel>], iteration_bounds = array<i64: 2, 16>, scalar_prefetch = 0 : i64, scratch_operands = 6 : i64, tpu.core_type = #tpu.core_type<sc_vector_subcore>, window_params = [{transform_indices = #map}, {transform_indices = #map}, {transform_indices = #map}, {transform_indices = #map1}, {transform_indices = #map1}, {transform_indices = #map1}]} {
    %mul3A = arith.constant 16 : i32
    %mul3A_0 = arith.muli %arg0, %mul3A : i32
    %add3A = arith.addi %mul3A_0, %arg1 : i32
    %scan3A = arith.constant 0 : i32
    %scan3A_1 = arith.constant 0 : i32
    %scan3A_2 = arith.constant 640 : i32
    %scan3A_3 = arith.addi %scan3A_1, %scan3A_2 : i32
    %scan3A_4 = arith.constant 1 : i32
    %scan3A_5 = scf.for %scan3A_25 = %scan3A_1 to %scan3A_3 step %scan3A_4 iter_args(%scan3A_26 = %scan3A) -> (i32)  : i32 {
      %broadcast_in_dim3A = arith.constant 0.000000e+00 : f32
      %broadcast_in_dim3A_27 = vector.broadcast %broadcast_in_dim3A : f32 to vector<16xf32>
      %mul3A_28 = arith.constant 16 : i32
      %mul3A_29 = arith.muli %scan3A_25, %mul3A_28 : i32
      %swap3A = arith.index_cast %mul3A_29 : i32 to index
      %swap3A_30 = tpu.vector_load %arg10[%swap3A] {strides = array<i32>} : memref<10240xf32, #tpu.memory_space<vmem>>, vector<16xf32>,
      tpu.vector_store %arg10[%swap3A], %broadcast_in_dim3A_27 {strides = array<i32>} : memref<10240xf32, #tpu.memory_space<vmem>>, vector<16xf32>,
      %scan3A_31 = arith.constant 0 : i32
      scf.yield %scan3A_31 : i32
    }
    %scan3A_6 = arith.constant 640 : i32
    %mul3A_7 = arith.constant 10368 : i32
    %mul3A_8 = arith.muli %add3A, %mul3A_7 : i32
    %scan3A_9 = arith.constant 0 : i32
    %scan3A_10 = arith.constant 0 : i32
    %scan3A_11 = arith.constant 81 : i32
    %scan3A_12 = arith.addi %scan3A_10, %scan3A_11 : i32
    %scan3A_13 = arith.constant 1 : i32
    %scan3A_14 = scf.for %scan3A_25 = %scan3A_10 to %scan3A_12 step %scan3A_13 iter_args(%scan3A_26 = %scan3A_9) -> (i32)  : i32 {
      %mul3A_27 = arith.constant 128 : i32
      %mul3A_28 = arith.muli %scan3A_25, %mul3A_27 : i32
      %add3A_29 = arith.addi %mul3A_8, %mul3A_28 : i32
      "tpu.region"() ({
        %run_scoped3A = tpu.sem_alloc : memref<!tpu.dma_semaphore, #tpu.memory_space<semaphore_mem>>
        %dma_start3A = tpu.memref_slice %arg2[%add3A_29] : memref<331776xi32, #tpu.memory_space<hbm>> -> memref<128xi32, #tpu.memory_space<hbm>>
        %dma_start3A_62 = tpu.memref_slice %arg2[%add3A_29] : memref<331776xi32, #tpu.memory_space<hbm>> -> memref<128xi32, #tpu.memory_space<hbm>>
        tpu.enqueue_dma source(%dma_start3A_62 : memref<128xi32, #tpu.memory_space<hbm>>) target(%arg8 : memref<128xi32, #tpu.memory_space<vmem>>) target_semaphore(%run_scoped3A : memref<!tpu.dma_semaphore, #tpu.memory_space<semaphore_mem>>)
        %dma_wait3A = tpu.memref_slice %arg2[%add3A_29] : memref<331776xi32, #tpu.memory_space<hbm>> -> memref<128xi32, #tpu.memory_space<hbm>>
        %dma_wait3A_63 = tpu.memref_slice %arg2[%add3A_29] : memref<331776xi32, #tpu.memory_space<hbm>> -> memref<128xi32, #tpu.memory_space<hbm>>
        tpu.wait_dma2 semaphore(%run_scoped3A : memref<!tpu.dma_semaphore, #tpu.memory_space<semaphore_mem>>) src(%dma_wait3A_63 : memref<128xi32, #tpu.memory_space<hbm>>) dst(%arg8 : memref<128xi32, #tpu.memory_space<vmem>>)
        tpu.yield
      }) : () -> ()
      "tpu.region"() ({
        %run_scoped3A = tpu.sem_alloc : memref<!tpu.dma_semaphore, #tpu.memory_space<semaphore_mem>>
        %dma_start3A = tpu.memref_slice %arg3[%add3A_29] : memref<331776xf32, #tpu.memory_space<hbm>> -> memref<128xf32, #tpu.memory_space<hbm>>
        %dma_start3A_62 = tpu.memref_slice %arg3[%add3A_29] : memref<331776xf32, #tpu.memory_space<hbm>> -> memref<128xf32, #tpu.memory_space<hbm>>
        tpu.enqueue_dma source(%dma_start3A_62 : memref<128xf32, #tpu.memory_space<hbm>>) target(%arg9 : memref<128xf32, #tpu.memory_space<vmem>>) target_semaphore(%run_scoped3A : memref<!tpu.dma_semaphore, #tpu.memory_space<semaphore_mem>>)
        %dma_wait3A = tpu.memref_slice %arg3[%add3A_29] : memref<331776xf32, #tpu.memory_space<hbm>> -> memref<128xf32, #tpu.memory_space<hbm>>
        %dma_wait3A_63 = tpu.memref_slice %arg3[%add3A_29] : memref<331776xf32, #tpu.memory_space<hbm>> -> memref<128xf32, #tpu.memory_space<hbm>>
        tpu.wait_dma2 semaphore(%run_scoped3A : memref<!tpu.dma_semaphore, #tpu.memory_space<semaphore_mem>>) src(%dma_wait3A_63 : memref<128xf32, #tpu.memory_space<hbm>>) dst(%arg9 : memref<128xf32, #tpu.memory_space<vmem>>)
        tpu.yield
      }) : () -> ()
      %get3A = arith.constant 0 : index
      %get3A_30 = tpu.vector_load %arg8[%get3A] {strides = array<i32>} : memref<128xi32, #tpu.memory_space<vmem>>, vector<16xi32>,
      %get3A_31 = arith.constant 0 : index
      %get3A_32 = tpu.vector_load %arg9[%get3A_31] {strides = array<i32>} : memref<128xf32, #tpu.memory_space<vmem>>, vector<16xf32>,
      tpu.vector_store_idx %arg10[%get3A_30], %get3A_32 {add = true} : memref<10240xf32, #tpu.memory_space<vmem>>[vector<16xi32>], vector<16xf32>,
      %get3A_33 = arith.constant 16 : index
      %get3A_34 = tpu.vector_load %arg8[%get3A_33] {strides = array<i32>} : memref<128xi32, #tpu.memory_space<vmem>>, vector<16xi32>,
      %get3A_35 = arith.constant 16 : index
      %get3A_36 = tpu.vector_load %arg9[%get3A_35] {strides = array<i32>} : memref<128xf32, #tpu.memory_space<vmem>>, vector<16xf32>,
      tpu.vector_store_idx %arg10[%get3A_34], %get3A_36 {add = true} : memref<10240xf32, #tpu.memory_space<vmem>>[vector<16xi32>], vector<16xf32>,
      %get3A_37 = arith.constant 32 : index
      %get3A_38 = tpu.vector_load %arg8[%get3A_37] {strides = array<i32>} : memref<128xi32, #tpu.memory_space<vmem>>, vector<16xi32>,
      %get3A_39 = arith.constant 32 : index
      %get3A_40 = tpu.vector_load %arg9[%get3A_39] {strides = array<i32>} : memref<128xf32, #tpu.memory_space<vmem>>, vector<16xf32>,
      tpu.vector_store_idx %arg10[%get3A_38], %get3A_40 {add = true} : memref<10240xf32, #tpu.memory_space<vmem>>[vector<16xi32>], vector<16xf32>,
      %get3A_41 = arith.constant 48 : index
      %get3A_42 = tpu.vector_load %arg8[%get3A_41] {strides = array<i32>} : memref<128xi32, #tpu.memory_space<vmem>>, vector<16xi32>,
      %get3A_43 = arith.constant 48 : index
      %get3A_44 = tpu.vector_load %arg9[%get3A_43] {strides = array<i32>} : memref<128xf32, #tpu.memory_space<vmem>>, vector<16xf32>,
      tpu.vector_store_idx %arg10[%get3A_42], %get3A_44 {add = true} : memref<10240xf32, #tpu.memory_space<vmem>>[vector<16xi32>], vector<16xf32>,
      %get3A_45 = arith.constant 64 : index
      %get3A_46 = tpu.vector_load %arg8[%get3A_45] {strides = array<i32>} : memref<128xi32, #tpu.memory_space<vmem>>, vector<16xi32>,
      %get3A_47 = arith.constant 64 : index
      %get3A_48 = tpu.vector_load %arg9[%get3A_47] {strides = array<i32>} : memref<128xf32, #tpu.memory_space<vmem>>, vector<16xf32>,
      tpu.vector_store_idx %arg10[%get3A_46], %get3A_48 {add = true} : memref<10240xf32, #tpu.memory_space<vmem>>[vector<16xi32>], vector<16xf32>,
      %get3A_49 = arith.constant 80 : index
      %get3A_50 = tpu.vector_load %arg8[%get3A_49] {strides = array<i32>} : memref<128xi32, #tpu.memory_space<vmem>>, vector<16xi32>,
      %get3A_51 = arith.constant 80 : index
      %get3A_52 = tpu.vector_load %arg9[%get3A_51] {strides = array<i32>} : memref<128xf32, #tpu.memory_space<vmem>>, vector<16xf32>,
      tpu.vector_store_idx %arg10[%get3A_50], %get3A_52 {add = true} : memref<10240xf32, #tpu.memory_space<vmem>>[vector<16xi32>], vector<16xf32>,
      %get3A_53 = arith.constant 96 : index
      %get3A_54 = tpu.vector_load %arg8[%get3A_53] {strides = array<i32>} : memref<128xi32, #tpu.memory_space<vmem>>, vector<16xi32>,
      %get3A_55 = arith.constant 96 : index
      %get3A_56 = tpu.vector_load %arg9[%get3A_55] {strides = array<i32>} : memref<128xf32, #tpu.memory_space<vmem>>, vector<16xf32>,
      tpu.vector_store_idx %arg10[%get3A_54], %get3A_56 {add = true} : memref<10240xf32, #tpu.memory_space<vmem>>[vector<16xi32>], vector<16xf32>,
      %get3A_57 = arith.constant 112 : index
      %get3A_58 = tpu.vector_load %arg8[%get3A_57] {strides = array<i32>} : memref<128xi32, #tpu.memory_space<vmem>>, vector<16xi32>,
      %get3A_59 = arith.constant 112 : index
      %get3A_60 = tpu.vector_load %arg9[%get3A_59] {strides = array<i32>} : memref<128xf32, #tpu.memory_space<vmem>>, vector<16xf32>,
      tpu.vector_store_idx %arg10[%get3A_58], %get3A_60 {add = true} : memref<10240xf32, #tpu.memory_space<vmem>>[vector<16xi32>], vector<16xf32>,
      %scan3A_61 = arith.constant 0 : i32
      scf.yield %scan3A_61 : i32
    }
    %scan3A_15 = arith.constant 81 : i32
    "tpu.region"() ({
      %run_scoped3A = tpu.sem_alloc : memref<!tpu.dma_semaphore, #tpu.memory_space<semaphore_mem>>
      %dma_start3A = arith.constant 0 : i32
      %dma_start3A_25 = tpu.memref_slice %arg6[%add3A, %dma_start3A] : memref<32x10240xf32, #tpu.memory_space<hbm>> -> memref<1x10240xf32, #tpu.memory_space<hbm>>
      %dma_start3A_26 = tpu.memref_squeeze %dma_start3A_25 : memref<1x10240xf32, #tpu.memory_space<hbm>> -> memref<10240xf32, #tpu.memory_space<hbm>>
      %dma_start3A_27 = arith.constant 0 : i32
      %dma_start3A_28 = tpu.memref_slice %arg6[%add3A, %dma_start3A_27] : memref<32x10240xf32, #tpu.memory_space<hbm>> -> memref<1x10240xf32, #tpu.memory_space<hbm>>
      %dma_start3A_29 = tpu.memref_squeeze %dma_start3A_28 : memref<1x10240xf32, #tpu.memory_space<hbm>> -> memref<10240xf32, #tpu.memory_space<hbm>>
      tpu.enqueue_dma source(%arg10 : memref<10240xf32, #tpu.memory_space<vmem>>) target(%dma_start3A_29 : memref<10240xf32, #tpu.memory_space<hbm>>) target_semaphore(%run_scoped3A : memref<!tpu.dma_semaphore, #tpu.memory_space<semaphore_mem>>)
      %dma_wait3A = arith.constant 0 : i32
      %dma_wait3A_30 = tpu.memref_slice %arg6[%add3A, %dma_wait3A] : memref<32x10240xf32, #tpu.memory_space<hbm>> -> memref<1x10240xf32, #tpu.memory_space<hbm>>
      %dma_wait3A_31 = tpu.memref_squeeze %dma_wait3A_30 : memref<1x10240xf32, #tpu.memory_space<hbm>> -> memref<10240xf32, #tpu.memory_space<hbm>>
      %dma_wait3A_32 = arith.constant 0 : i32
      %dma_wait3A_33 = tpu.memref_slice %arg6[%add3A, %dma_wait3A_32] : memref<32x10240xf32, #tpu.memory_space<hbm>> -> memref<1x10240xf32, #tpu.memory_space<hbm>>
      %dma_wait3A_34 = tpu.memref_squeeze %dma_wait3A_33 : memref<1x10240xf32, #tpu.memory_space<hbm>> -> memref<10240xf32, #tpu.memory_space<hbm>>
      tpu.wait_dma2 semaphore(%run_scoped3A : memref<!tpu.dma_semaphore, #tpu.memory_space<semaphore_mem>>) src(%arg10 : memref<10240xf32, #tpu.memory_space<vmem>>) dst(%dma_wait3A_34 : memref<10240xf32, #tpu.memory_space<hbm>>)
      tpu.yield
    }) : () -> ()
    %mul3A_16 = arith.constant 320 : i32
    %mul3A_17 = arith.muli %add3A, %mul3A_16 : i32
    %scan3A_18 = arith.constant 0 : i32
    %scan3A_19 = arith.constant 0 : i32
    %scan3A_20 = arith.constant 4 : i32
    %scan3A_21 = arith.addi %scan3A_19, %scan3A_20 : i32
    %scan3A_22 = arith.constant 1 : i32
    %scan3A_23 = scf.for %scan3A_25 = %scan3A_19 to %scan3A_21 step %scan3A_22 iter_args(%scan3A_26 = %scan3A_18) -> (i32)  : i32 {
      %mul3A_27 = arith.constant 80 : i32
      %mul3A_28 = arith.muli %scan3A_25, %mul3A_27 : i32
      %add3A_29 = arith.addi %mul3A_17, %mul3A_28 : i32
      "tpu.region"() ({
        %run_scoped3A = tpu.sem_alloc : memref<!tpu.dma_semaphore, #tpu.memory_space<semaphore_mem>>
        %dma_start3A_38 = tpu.memref_slice %arg4[%add3A_29] : memref<10240xi32, #tpu.memory_space<hbm>> -> memref<80xi32, #tpu.memory_space<hbm>>
        %dma_start3A_39 = tpu.memref_slice %arg4[%add3A_29] : memref<10240xi32, #tpu.memory_space<hbm>> -> memref<80xi32, #tpu.memory_space<hbm>>
        tpu.enqueue_dma source(%dma_start3A_39 : memref<80xi32, #tpu.memory_space<hbm>>) target(%arg11 : memref<80xi32, #tpu.memory_space<vmem>>) target_semaphore(%run_scoped3A : memref<!tpu.dma_semaphore, #tpu.memory_space<semaphore_mem>>)
        %dma_wait3A_40 = tpu.memref_slice %arg4[%add3A_29] : memref<10240xi32, #tpu.memory_space<hbm>> -> memref<80xi32, #tpu.memory_space<hbm>>
        %dma_wait3A_41 = tpu.memref_slice %arg4[%add3A_29] : memref<10240xi32, #tpu.memory_space<hbm>> -> memref<80xi32, #tpu.memory_space<hbm>>
        tpu.wait_dma2 semaphore(%run_scoped3A : memref<!tpu.dma_semaphore, #tpu.memory_space<semaphore_mem>>) src(%dma_wait3A_41 : memref<80xi32, #tpu.memory_space<hbm>>) dst(%arg11 : memref<80xi32, #tpu.memory_space<vmem>>)
        tpu.yield
      }) : () -> ()
      %dma_start3A = arith.constant 0 : i32
      %dma_start3A_30 = arith.constant 0 : i32
      %dma_start3A_31 = tpu.memref_slice %arg5[%dma_start3A, %dma_start3A_30] : memref<500x128xf32, #tpu.memory_space<hbm>> -> memref<500x128xf32, #tpu.memory_space<hbm>>
      tpu.enqueue_indirect_dma source(%dma_start3A_31 : memref<500x128xf32, #tpu.memory_space<hbm>>) target(%arg12 : memref<80x128xf32, #tpu.memory_space<vmem>>) offsets(%arg11 : memref<80xi32, #tpu.memory_space<vmem>>) semaphore(%arg13 : memref<!tpu.dma_semaphore, #tpu.memory_space<semaphore_mem>>)
      %dma_wait3A = arith.constant 0 : i32
      %dma_wait3A_32 = arith.constant 0 : i32
      %dma_wait3A_33 = tpu.memref_slice %arg5[%dma_wait3A, %dma_wait3A_32] : memref<500x128xf32, #tpu.memory_space<hbm>> -> memref<500x128xf32, #tpu.memory_space<hbm>>
      tpu.wait_indirect_dma semaphore(%arg13 : memref<!tpu.dma_semaphore, #tpu.memory_space<semaphore_mem>>) src(%dma_wait3A_33 : memref<500x128xf32, #tpu.memory_space<hbm>>) dst(%arg12 : memref<80x128xf32, #tpu.memory_space<vmem>>)
      %mul3A_34 = arith.constant 80 : i32
      %mul3A_35 = arith.muli %scan3A_25, %mul3A_34 : i32
      %add3A_36 = arith.addi %mul3A_17, %mul3A_35 : i32
      "tpu.region"() ({
        %run_scoped3A = tpu.sem_alloc : memref<!tpu.dma_semaphore, #tpu.memory_space<semaphore_mem>>
        %dma_start3A_38 = arith.constant 0 : i32
        %dma_start3A_39 = tpu.memref_slice %arg7[%add3A_36, %dma_start3A_38] : memref<10240x128xf32, #tpu.memory_space<hbm>> -> memref<80x128xf32, #tpu.memory_space<hbm>>
        %dma_start3A_40 = arith.constant 0 : i32
        %dma_start3A_41 = tpu.memref_slice %arg7[%add3A_36, %dma_start3A_40] : memref<10240x128xf32, #tpu.memory_space<hbm>> -> memref<80x128xf32, #tpu.memory_space<hbm>>
        tpu.enqueue_dma source(%arg12 : memref<80x128xf32, #tpu.memory_space<vmem>>) target(%dma_start3A_41 : memref<80x128xf32, #tpu.memory_space<hbm>>) target_semaphore(%run_scoped3A : memref<!tpu.dma_semaphore, #tpu.memory_space<semaphore_mem>>)
        %dma_wait3A_42 = arith.constant 0 : i32
        %dma_wait3A_43 = tpu.memref_slice %arg7[%add3A_36, %dma_wait3A_42] : memref<10240x128xf32, #tpu.memory_space<hbm>> -> memref<80x128xf32, #tpu.memory_space<hbm>>
        %dma_wait3A_44 = arith.constant 0 : i32
        %dma_wait3A_45 = tpu.memref_slice %arg7[%add3A_36, %dma_wait3A_44] : memref<10240x128xf32, #tpu.memory_space<hbm>> -> memref<80x128xf32, #tpu.memory_space<hbm>>
        tpu.wait_dma2 semaphore(%run_scoped3A : memref<!tpu.dma_semaphore, #tpu.memory_space<semaphore_mem>>) src(%arg12 : memref<80x128xf32, #tpu.memory_space<vmem>>) dst(%dma_wait3A_45 : memref<80x128xf32, #tpu.memory_space<hbm>>)
        tpu.yield
      }) : () -> ()
      %scan3A_37 = arith.constant 0 : i32
      scf.yield %scan3A_37 : i32
    }
    %scan3A_24 = arith.constant 4 : i32
    return
  }
}

#map = affine_map<(d0, d1) -> (0, 0)>
#map1 = affine_map<(d0, d1) -> (0, 0, 0, 0)>
#map2 = affine_map<(d0, d1) -> (0)>
#map3 = affine_map<(d0, d1) -> (0, 0, 0)>
module attributes {stable_mosaic.version = 14 : i64} {
  func.func @_sc_conv_body(%arg0: i32, %arg1: i32, %arg2: memref<10000x128xf32, #tpu.memory_space<hbm>>, %arg3: memref<32x81x3x128xi32, #tpu.memory_space<hbm>>, %arg4: memref<10240xf32, #tpu.memory_space<hbm>>, %arg5: memref<2x10240x128xf32, #tpu.memory_space<hbm>>, %arg6: memref<10240xf32, #tpu.memory_space<vmem>>, %arg7: memref<128xf32, #tpu.memory_space<vmem>>, %arg8: memref<3x128xi32, #tpu.memory_space<vmem>>, %arg9: memref<128x128xf32, #tpu.memory_space<vmem>>, %arg10: memref<10240x128xf32, #tpu.memory_space<vmem_shared>>, %arg11: memref<!tpu.dma_semaphore, #tpu.memory_space<semaphore_mem>>) attributes {dimension_semantics = [#tpu.dimension_semantics<core_parallel>, #tpu.dimension_semantics<subcore_parallel>], iteration_bounds = array<i64: 2, 16>, scalar_prefetch = 0 : i64, scratch_operands = 6 : i64, tpu.core_type = #tpu.core_type<sc_vector_subcore>, window_params = [{transform_indices = #map}, {transform_indices = #map1}, {transform_indices = #map2}, {transform_indices = #map3}]} {
    %mul3A = arith.constant 16 : i32
    %mul3A_0 = arith.muli %arg0, %mul3A : i32
    %add3A = arith.addi %mul3A_0, %arg1 : i32
    "tpu.region"() ({
      %run_scoped3A = tpu.sem_alloc : memref<!tpu.dma_semaphore, #tpu.memory_space<semaphore_mem>>
      tpu.enqueue_dma source(%arg4 : memref<10240xf32, #tpu.memory_space<hbm>>) target(%arg6 : memref<10240xf32, #tpu.memory_space<vmem>>) target_semaphore(%run_scoped3A : memref<!tpu.dma_semaphore, #tpu.memory_space<semaphore_mem>>)
      tpu.wait_dma2 semaphore(%run_scoped3A : memref<!tpu.dma_semaphore, #tpu.memory_space<semaphore_mem>>) src(%arg4 : memref<10240xf32, #tpu.memory_space<hbm>>) dst(%arg6 : memref<10240xf32, #tpu.memory_space<vmem>>)
      tpu.yield
    }) : () -> ()
    %scan3A = arith.constant 0 : i32
    %scan3A_1 = arith.constant 0 : i32
    %scan3A_2 = arith.constant 128 : i32
    %scan3A_3 = arith.addi %scan3A_1, %scan3A_2 : i32
    %scan3A_4 = arith.constant 1 : i32
    %scan3A_5 = scf.for %scan3A_39 = %scan3A_1 to %scan3A_3 step %scan3A_4 iter_args(%scan3A_40 = %scan3A) -> (i32)  : i32 {
      %broadcast_in_dim3A = arith.constant 0.000000e+00 : f32
      %broadcast_in_dim3A_41 = vector.broadcast %broadcast_in_dim3A : f32 to vector<16xf32>
      %swap3A = arith.index_cast %scan3A_39 : i32 to index
      %swap3A_42 = arith.constant 0 : index
      %swap3A_43 = tpu.vector_load %arg9[%swap3A, %swap3A_42] {strides = array<i32>} : memref<128x128xf32, #tpu.memory_space<vmem>>, vector<16xf32>,
      tpu.vector_store %arg9[%swap3A, %swap3A_42], %broadcast_in_dim3A_41 {strides = array<i32>} : memref<128x128xf32, #tpu.memory_space<vmem>>, vector<16xf32>,
      %broadcast_in_dim3A_44 = arith.constant 0.000000e+00 : f32
      %broadcast_in_dim3A_45 = vector.broadcast %broadcast_in_dim3A_44 : f32 to vector<16xf32>
      %swap3A_46 = arith.index_cast %scan3A_39 : i32 to index
      %swap3A_47 = arith.constant 16 : index
      %swap3A_48 = tpu.vector_load %arg9[%swap3A_46, %swap3A_47] {strides = array<i32>} : memref<128x128xf32, #tpu.memory_space<vmem>>, vector<16xf32>,
      tpu.vector_store %arg9[%swap3A_46, %swap3A_47], %broadcast_in_dim3A_45 {strides = array<i32>} : memref<128x128xf32, #tpu.memory_space<vmem>>, vector<16xf32>,
      %broadcast_in_dim3A_49 = arith.constant 0.000000e+00 : f32
      %broadcast_in_dim3A_50 = vector.broadcast %broadcast_in_dim3A_49 : f32 to vector<16xf32>
      %swap3A_51 = arith.index_cast %scan3A_39 : i32 to index
      %swap3A_52 = arith.constant 32 : index
      %swap3A_53 = tpu.vector_load %arg9[%swap3A_51, %swap3A_52] {strides = array<i32>} : memref<128x128xf32, #tpu.memory_space<vmem>>, vector<16xf32>,
      tpu.vector_store %arg9[%swap3A_51, %swap3A_52], %broadcast_in_dim3A_50 {strides = array<i32>} : memref<128x128xf32, #tpu.memory_space<vmem>>, vector<16xf32>,
      %broadcast_in_dim3A_54 = arith.constant 0.000000e+00 : f32
      %broadcast_in_dim3A_55 = vector.broadcast %broadcast_in_dim3A_54 : f32 to vector<16xf32>
      %swap3A_56 = arith.index_cast %scan3A_39 : i32 to index
      %swap3A_57 = arith.constant 48 : index
      %swap3A_58 = tpu.vector_load %arg9[%swap3A_56, %swap3A_57] {strides = array<i32>} : memref<128x128xf32, #tpu.memory_space<vmem>>, vector<16xf32>,
      tpu.vector_store %arg9[%swap3A_56, %swap3A_57], %broadcast_in_dim3A_55 {strides = array<i32>} : memref<128x128xf32, #tpu.memory_space<vmem>>, vector<16xf32>,
      %broadcast_in_dim3A_59 = arith.constant 0.000000e+00 : f32
      %broadcast_in_dim3A_60 = vector.broadcast %broadcast_in_dim3A_59 : f32 to vector<16xf32>
      %swap3A_61 = arith.index_cast %scan3A_39 : i32 to index
      %swap3A_62 = arith.constant 64 : index
      %swap3A_63 = tpu.vector_load %arg9[%swap3A_61, %swap3A_62] {strides = array<i32>} : memref<128x128xf32, #tpu.memory_space<vmem>>, vector<16xf32>,
      tpu.vector_store %arg9[%swap3A_61, %swap3A_62], %broadcast_in_dim3A_60 {strides = array<i32>} : memref<128x128xf32, #tpu.memory_space<vmem>>, vector<16xf32>,
      %broadcast_in_dim3A_64 = arith.constant 0.000000e+00 : f32
      %broadcast_in_dim3A_65 = vector.broadcast %broadcast_in_dim3A_64 : f32 to vector<16xf32>
      %swap3A_66 = arith.index_cast %scan3A_39 : i32 to index
      %swap3A_67 = arith.constant 80 : index
      %swap3A_68 = tpu.vector_load %arg9[%swap3A_66, %swap3A_67] {strides = array<i32>} : memref<128x128xf32, #tpu.memory_space<vmem>>, vector<16xf32>,
      tpu.vector_store %arg9[%swap3A_66, %swap3A_67], %broadcast_in_dim3A_65 {strides = array<i32>} : memref<128x128xf32, #tpu.memory_space<vmem>>, vector<16xf32>,
      %broadcast_in_dim3A_69 = arith.constant 0.000000e+00 : f32
      %broadcast_in_dim3A_70 = vector.broadcast %broadcast_in_dim3A_69 : f32 to vector<16xf32>
      %swap3A_71 = arith.index_cast %scan3A_39 : i32 to index
      %swap3A_72 = arith.constant 96 : index
      %swap3A_73 = tpu.vector_load %arg9[%swap3A_71, %swap3A_72] {strides = array<i32>} : memref<128x128xf32, #tpu.memory_space<vmem>>, vector<16xf32>,
      tpu.vector_store %arg9[%swap3A_71, %swap3A_72], %broadcast_in_dim3A_70 {strides = array<i32>} : memref<128x128xf32, #tpu.memory_space<vmem>>, vector<16xf32>,
      %broadcast_in_dim3A_74 = arith.constant 0.000000e+00 : f32
      %broadcast_in_dim3A_75 = vector.broadcast %broadcast_in_dim3A_74 : f32 to vector<16xf32>
      %swap3A_76 = arith.index_cast %scan3A_39 : i32 to index
      %swap3A_77 = arith.constant 112 : index
      %swap3A_78 = tpu.vector_load %arg9[%swap3A_76, %swap3A_77] {strides = array<i32>} : memref<128x128xf32, #tpu.memory_space<vmem>>, vector<16xf32>,
      tpu.vector_store %arg9[%swap3A_76, %swap3A_77], %broadcast_in_dim3A_75 {strides = array<i32>} : memref<128x128xf32, #tpu.memory_space<vmem>>, vector<16xf32>,
      %scan3A_79 = arith.constant 0 : i32
      scf.yield %scan3A_79 : i32
    }
    %scan3A_6 = arith.constant 128 : i32
    %mul3A_7 = arith.constant 640 : i32
    %mul3A_8 = arith.muli %arg1, %mul3A_7 : i32
    %add3A_9 = arith.constant 0 : i32
    %add3A_10 = arith.addi %mul3A_8, %add3A_9 : i32
    "tpu.region"() ({
      %run_scoped3A = tpu.sem_alloc : memref<!tpu.dma_semaphore, #tpu.memory_space<semaphore_mem>>
      %dma_start3A = arith.constant 0 : i32
      %dma_start3A_39 = tpu.memref_slice %arg10[%add3A_10, %dma_start3A] : memref<10240x128xf32, #tpu.memory_space<vmem_shared>> -> memref<128x128xf32, #tpu.memory_space<vmem_shared>>
      %dma_start3A_40 = arith.constant 0 : i32
      %dma_start3A_41 = tpu.memref_slice %arg10[%add3A_10, %dma_start3A_40] : memref<10240x128xf32, #tpu.memory_space<vmem_shared>> -> memref<128x128xf32, #tpu.memory_space<vmem_shared>>
      tpu.enqueue_dma source(%arg9 : memref<128x128xf32, #tpu.memory_space<vmem>>) target(%dma_start3A_41 : memref<128x128xf32, #tpu.memory_space<vmem_shared>>) target_semaphore(%run_scoped3A : memref<!tpu.dma_semaphore, #tpu.memory_space<semaphore_mem>>)
      %dma_wait3A = arith.constant 0 : i32
      %dma_wait3A_42 = tpu.memref_slice %arg10[%add3A_10, %dma_wait3A] : memref<10240x128xf32, #tpu.memory_space<vmem_shared>> -> memref<128x128xf32, #tpu.memory_space<vmem_shared>>
      %dma_wait3A_43 = arith.constant 0 : i32
      %dma_wait3A_44 = tpu.memref_slice %arg10[%add3A_10, %dma_wait3A_43] : memref<10240x128xf32, #tpu.memory_space<vmem_shared>> -> memref<128x128xf32, #tpu.memory_space<vmem_shared>>
      tpu.wait_dma2 semaphore(%run_scoped3A : memref<!tpu.dma_semaphore, #tpu.memory_space<semaphore_mem>>) src(%arg9 : memref<128x128xf32, #tpu.memory_space<vmem>>) dst(%dma_wait3A_44 : memref<128x128xf32, #tpu.memory_space<vmem_shared>>)
      tpu.yield
    }) : () -> ()
    %mul3A_11 = arith.constant 640 : i32
    %mul3A_12 = arith.muli %arg1, %mul3A_11 : i32
    %add3A_13 = arith.constant 128 : i32
    %add3A_14 = arith.addi %mul3A_12, %add3A_13 : i32
    "tpu.region"() ({
      %run_scoped3A = tpu.sem_alloc : memref<!tpu.dma_semaphore, #tpu.memory_space<semaphore_mem>>
      %dma_start3A = arith.constant 0 : i32
      %dma_start3A_39 = tpu.memref_slice %arg10[%add3A_14, %dma_start3A] : memref<10240x128xf32, #tpu.memory_space<vmem_shared>> -> memref<128x128xf32, #tpu.memory_space<vmem_shared>>
      %dma_start3A_40 = arith.constant 0 : i32
      %dma_start3A_41 = tpu.memref_slice %arg10[%add3A_14, %dma_start3A_40] : memref<10240x128xf32, #tpu.memory_space<vmem_shared>> -> memref<128x128xf32, #tpu.memory_space<vmem_shared>>
      tpu.enqueue_dma source(%arg9 : memref<128x128xf32, #tpu.memory_space<vmem>>) target(%dma_start3A_41 : memref<128x128xf32, #tpu.memory_space<vmem_shared>>) target_semaphore(%run_scoped3A : memref<!tpu.dma_semaphore, #tpu.memory_space<semaphore_mem>>)
      %dma_wait3A = arith.constant 0 : i32
      %dma_wait3A_42 = tpu.memref_slice %arg10[%add3A_14, %dma_wait3A] : memref<10240x128xf32, #tpu.memory_space<vmem_shared>> -> memref<128x128xf32, #tpu.memory_space<vmem_shared>>
      %dma_wait3A_43 = arith.constant 0 : i32
      %dma_wait3A_44 = tpu.memref_slice %arg10[%add3A_14, %dma_wait3A_43] : memref<10240x128xf32, #tpu.memory_space<vmem_shared>> -> memref<128x128xf32, #tpu.memory_space<vmem_shared>>
      tpu.wait_dma2 semaphore(%run_scoped3A : memref<!tpu.dma_semaphore, #tpu.memory_space<semaphore_mem>>) src(%arg9 : memref<128x128xf32, #tpu.memory_space<vmem>>) dst(%dma_wait3A_44 : memref<128x128xf32, #tpu.memory_space<vmem_shared>>)
      tpu.yield
    }) : () -> ()
    %mul3A_15 = arith.constant 640 : i32
    %mul3A_16 = arith.muli %arg1, %mul3A_15 : i32
    %add3A_17 = arith.constant 256 : i32
    %add3A_18 = arith.addi %mul3A_16, %add3A_17 : i32
    "tpu.region"() ({
      %run_scoped3A = tpu.sem_alloc : memref<!tpu.dma_semaphore, #tpu.memory_space<semaphore_mem>>
      %dma_start3A = arith.constant 0 : i32
      %dma_start3A_39 = tpu.memref_slice %arg10[%add3A_18, %dma_start3A] : memref<10240x128xf32, #tpu.memory_space<vmem_shared>> -> memref<128x128xf32, #tpu.memory_space<vmem_shared>>
      %dma_start3A_40 = arith.constant 0 : i32
      %dma_start3A_41 = tpu.memref_slice %arg10[%add3A_18, %dma_start3A_40] : memref<10240x128xf32, #tpu.memory_space<vmem_shared>> -> memref<128x128xf32, #tpu.memory_space<vmem_shared>>
      tpu.enqueue_dma source(%arg9 : memref<128x128xf32, #tpu.memory_space<vmem>>) target(%dma_start3A_41 : memref<128x128xf32, #tpu.memory_space<vmem_shared>>) target_semaphore(%run_scoped3A : memref<!tpu.dma_semaphore, #tpu.memory_space<semaphore_mem>>)
      %dma_wait3A = arith.constant 0 : i32
      %dma_wait3A_42 = tpu.memref_slice %arg10[%add3A_18, %dma_wait3A] : memref<10240x128xf32, #tpu.memory_space<vmem_shared>> -> memref<128x128xf32, #tpu.memory_space<vmem_shared>>
      %dma_wait3A_43 = arith.constant 0 : i32
      %dma_wait3A_44 = tpu.memref_slice %arg10[%add3A_18, %dma_wait3A_43] : memref<10240x128xf32, #tpu.memory_space<vmem_shared>> -> memref<128x128xf32, #tpu.memory_space<vmem_shared>>
      tpu.wait_dma2 semaphore(%run_scoped3A : memref<!tpu.dma_semaphore, #tpu.memory_space<semaphore_mem>>) src(%arg9 : memref<128x128xf32, #tpu.memory_space<vmem>>) dst(%dma_wait3A_44 : memref<128x128xf32, #tpu.memory_space<vmem_shared>>)
      tpu.yield
    }) : () -> ()
    %mul3A_19 = arith.constant 640 : i32
    %mul3A_20 = arith.muli %arg1, %mul3A_19 : i32
    %add3A_21 = arith.constant 384 : i32
    %add3A_22 = arith.addi %mul3A_20, %add3A_21 : i32
    "tpu.region"() ({
      %run_scoped3A = tpu.sem_alloc : memref<!tpu.dma_semaphore, #tpu.memory_space<semaphore_mem>>
      %dma_start3A = arith.constant 0 : i32
      %dma_start3A_39 = tpu.memref_slice %arg10[%add3A_22, %dma_start3A] : memref<10240x128xf32, #tpu.memory_space<vmem_shared>> -> memref<128x128xf32, #tpu.memory_space<vmem_shared>>
      %dma_start3A_40 = arith.constant 0 : i32
      %dma_start3A_41 = tpu.memref_slice %arg10[%add3A_22, %dma_start3A_40] : memref<10240x128xf32, #tpu.memory_space<vmem_shared>> -> memref<128x128xf32, #tpu.memory_space<vmem_shared>>
      tpu.enqueue_dma source(%arg9 : memref<128x128xf32, #tpu.memory_space<vmem>>) target(%dma_start3A_41 : memref<128x128xf32, #tpu.memory_space<vmem_shared>>) target_semaphore(%run_scoped3A : memref<!tpu.dma_semaphore, #tpu.memory_space<semaphore_mem>>)
      %dma_wait3A = arith.constant 0 : i32
      %dma_wait3A_42 = tpu.memref_slice %arg10[%add3A_22, %dma_wait3A] : memref<10240x128xf32, #tpu.memory_space<vmem_shared>> -> memref<128x128xf32, #tpu.memory_space<vmem_shared>>
      %dma_wait3A_43 = arith.constant 0 : i32
      %dma_wait3A_44 = tpu.memref_slice %arg10[%add3A_22, %dma_wait3A_43] : memref<10240x128xf32, #tpu.memory_space<vmem_shared>> -> memref<128x128xf32, #tpu.memory_space<vmem_shared>>
      tpu.wait_dma2 semaphore(%run_scoped3A : memref<!tpu.dma_semaphore, #tpu.memory_space<semaphore_mem>>) src(%arg9 : memref<128x128xf32, #tpu.memory_space<vmem>>) dst(%dma_wait3A_44 : memref<128x128xf32, #tpu.memory_space<vmem_shared>>)
      tpu.yield
    }) : () -> ()
    %mul3A_23 = arith.constant 640 : i32
    %mul3A_24 = arith.muli %arg1, %mul3A_23 : i32
    %add3A_25 = arith.constant 512 : i32
    %add3A_26 = arith.addi %mul3A_24, %add3A_25 : i32
    "tpu.region"() ({
      %run_scoped3A = tpu.sem_alloc : memref<!tpu.dma_semaphore, #tpu.memory_space<semaphore_mem>>
      %dma_start3A = arith.constant 0 : i32
      %dma_start3A_39 = tpu.memref_slice %arg10[%add3A_26, %dma_start3A] : memref<10240x128xf32, #tpu.memory_space<vmem_shared>> -> memref<128x128xf32, #tpu.memory_space<vmem_shared>>
      %dma_start3A_40 = arith.constant 0 : i32
      %dma_start3A_41 = tpu.memref_slice %arg10[%add3A_26, %dma_start3A_40] : memref<10240x128xf32, #tpu.memory_space<vmem_shared>> -> memref<128x128xf32, #tpu.memory_space<vmem_shared>>
      tpu.enqueue_dma source(%arg9 : memref<128x128xf32, #tpu.memory_space<vmem>>) target(%dma_start3A_41 : memref<128x128xf32, #tpu.memory_space<vmem_shared>>) target_semaphore(%run_scoped3A : memref<!tpu.dma_semaphore, #tpu.memory_space<semaphore_mem>>)
      %dma_wait3A = arith.constant 0 : i32
      %dma_wait3A_42 = tpu.memref_slice %arg10[%add3A_26, %dma_wait3A] : memref<10240x128xf32, #tpu.memory_space<vmem_shared>> -> memref<128x128xf32, #tpu.memory_space<vmem_shared>>
      %dma_wait3A_43 = arith.constant 0 : i32
      %dma_wait3A_44 = tpu.memref_slice %arg10[%add3A_26, %dma_wait3A_43] : memref<10240x128xf32, #tpu.memory_space<vmem_shared>> -> memref<128x128xf32, #tpu.memory_space<vmem_shared>>
      tpu.wait_dma2 semaphore(%run_scoped3A : memref<!tpu.dma_semaphore, #tpu.memory_space<semaphore_mem>>) src(%arg9 : memref<128x128xf32, #tpu.memory_space<vmem>>) dst(%dma_wait3A_44 : memref<128x128xf32, #tpu.memory_space<vmem_shared>>)
      tpu.yield
    }) : () -> ()
    %barrier3A = arith.constant 0 : index
    tpu.barrier barrier_id(%barrier3A)
    %scan3A_27 = arith.constant 0 : i32
    %scan3A_28 = arith.constant 0 : i32
    %scan3A_29 = arith.constant 81 : i32
    %scan3A_30 = arith.addi %scan3A_28, %scan3A_29 : i32
    %scan3A_31 = arith.constant 1 : i32
    %scan3A_32 = scf.for %scan3A_39 = %scan3A_28 to %scan3A_30 step %scan3A_31 iter_args(%scan3A_40 = %scan3A_27) -> (i32)  : i32 {
      "tpu.region"() ({
        %run_scoped3A_209 = tpu.sem_alloc : memref<!tpu.dma_semaphore, #tpu.memory_space<semaphore_mem>>
        %dma_start3A_210 = arith.constant 0 : i32
        %dma_start3A_211 = arith.constant 0 : i32
        %dma_start3A_212 = tpu.memref_slice %arg3[%add3A, %scan3A_39, %dma_start3A_210, %dma_start3A_211] : memref<32x81x3x128xi32, #tpu.memory_space<hbm>> -> memref<1x1x3x128xi32, #tpu.memory_space<hbm>>
        %dma_start3A_213 = tpu.memref_squeeze %dma_start3A_212 : memref<1x1x3x128xi32, #tpu.memory_space<hbm>> -> memref<3x128xi32, #tpu.memory_space<hbm>>
        %dma_start3A_214 = arith.constant 0 : i32
        %dma_start3A_215 = arith.constant 0 : i32
        %dma_start3A_216 = tpu.memref_slice %arg3[%add3A, %scan3A_39, %dma_start3A_214, %dma_start3A_215] : memref<32x81x3x128xi32, #tpu.memory_space<hbm>> -> memref<1x1x3x128xi32, #tpu.memory_space<hbm>>
        %dma_start3A_217 = tpu.memref_squeeze %dma_start3A_216 : memref<1x1x3x128xi32, #tpu.memory_space<hbm>> -> memref<3x128xi32, #tpu.memory_space<hbm>>
        tpu.enqueue_dma source(%dma_start3A_217 : memref<3x128xi32, #tpu.memory_space<hbm>>) target(%arg8 : memref<3x128xi32, #tpu.memory_space<vmem>>) target_semaphore(%run_scoped3A_209 : memref<!tpu.dma_semaphore, #tpu.memory_space<semaphore_mem>>)
        %dma_wait3A_218 = arith.constant 0 : i32
        %dma_wait3A_219 = arith.constant 0 : i32
        %dma_wait3A_220 = tpu.memref_slice %arg3[%add3A, %scan3A_39, %dma_wait3A_218, %dma_wait3A_219] : memref<32x81x3x128xi32, #tpu.memory_space<hbm>> -> memref<1x1x3x128xi32, #tpu.memory_space<hbm>>
        %dma_wait3A_221 = tpu.memref_squeeze %dma_wait3A_220 : memref<1x1x3x128xi32, #tpu.memory_space<hbm>> -> memref<3x128xi32, #tpu.memory_space<hbm>>
        %dma_wait3A_222 = arith.constant 0 : i32
        %dma_wait3A_223 = arith.constant 0 : i32
        %dma_wait3A_224 = tpu.memref_slice %arg3[%add3A, %scan3A_39, %dma_wait3A_222, %dma_wait3A_223] : memref<32x81x3x128xi32, #tpu.memory_space<hbm>> -> memref<1x1x3x128xi32, #tpu.memory_space<hbm>>
        %dma_wait3A_225 = tpu.memref_squeeze %dma_wait3A_224 : memref<1x1x3x128xi32, #tpu.memory_space<hbm>> -> memref<3x128xi32, #tpu.memory_space<hbm>>
        tpu.wait_dma2 semaphore(%run_scoped3A_209 : memref<!tpu.dma_semaphore, #tpu.memory_space<semaphore_mem>>) src(%dma_wait3A_225 : memref<3x128xi32, #tpu.memory_space<hbm>>) dst(%arg8 : memref<3x128xi32, #tpu.memory_space<vmem>>)
        tpu.yield
      }) : () -> ()
      %dma_start3A = arith.constant 0 : i32
      %dma_start3A_41 = arith.constant 0 : i32
      %dma_start3A_42 = tpu.memref_slice %arg8[%dma_start3A, %dma_start3A_41] : memref<3x128xi32, #tpu.memory_space<vmem>> -> memref<1x128xi32, #tpu.memory_space<vmem>>
      %dma_start3A_43 = tpu.memref_squeeze %dma_start3A_42 : memref<1x128xi32, #tpu.memory_space<vmem>> -> memref<128xi32, #tpu.memory_space<vmem>>
      %dma_start3A_44 = arith.constant 0 : i32
      %dma_start3A_45 = arith.constant 0 : i32
      %dma_start3A_46 = tpu.memref_slice %arg2[%dma_start3A_44, %dma_start3A_45] : memref<10000x128xf32, #tpu.memory_space<hbm>> -> memref<10000x128xf32, #tpu.memory_space<hbm>>
      tpu.enqueue_indirect_dma source(%dma_start3A_46 : memref<10000x128xf32, #tpu.memory_space<hbm>>) target(%arg9 : memref<128x128xf32, #tpu.memory_space<vmem>>) offsets(%dma_start3A_43 : memref<128xi32, #tpu.memory_space<vmem>>) semaphore(%arg11 : memref<!tpu.dma_semaphore, #tpu.memory_space<semaphore_mem>>)
      %dma_wait3A = arith.constant 0 : i32
      %dma_wait3A_47 = arith.constant 0 : i32
      %dma_wait3A_48 = tpu.memref_slice %arg8[%dma_wait3A, %dma_wait3A_47] : memref<3x128xi32, #tpu.memory_space<vmem>> -> memref<1x128xi32, #tpu.memory_space<vmem>>
      %dma_wait3A_49 = tpu.memref_squeeze %dma_wait3A_48 : memref<1x128xi32, #tpu.memory_space<vmem>> -> memref<128xi32, #tpu.memory_space<vmem>>
      %dma_wait3A_50 = arith.constant 0 : i32
      %dma_wait3A_51 = arith.constant 0 : i32
      %dma_wait3A_52 = tpu.memref_slice %arg2[%dma_wait3A_50, %dma_wait3A_51] : memref<10000x128xf32, #tpu.memory_space<hbm>> -> memref<10000x128xf32, #tpu.memory_space<hbm>>
      tpu.wait_indirect_dma semaphore(%arg11 : memref<!tpu.dma_semaphore, #tpu.memory_space<semaphore_mem>>) src(%dma_wait3A_52 : memref<10000x128xf32, #tpu.memory_space<hbm>>) dst(%arg9 : memref<128x128xf32, #tpu.memory_space<vmem>>)
      %get3A = arith.constant 0 : i32
      %get3A_53 = arith.index_cast %get3A : i32 to index
      %get3A_54 = arith.constant 0 : index
      %get3A_55 = tpu.vector_load %arg8[%get3A_53, %get3A_54] {strides = array<i32>} : memref<3x128xi32, #tpu.memory_space<vmem>>, vector<16xi32>,
      %get3A_56 = arith.constant 1 : i32
      %get3A_57 = arith.index_cast %get3A_56 : i32 to index
      %get3A_58 = arith.constant 0 : index
      %get3A_59 = tpu.vector_load %arg8[%get3A_57, %get3A_58] {strides = array<i32>} : memref<3x128xi32, #tpu.memory_space<vmem>>, vector<16xi32>,
      %get3A_60 = arith.constant 2 : i32
      %get3A_61 = arith.index_cast %get3A_60 : i32 to index
      %get3A_62 = arith.constant 0 : index
      %get3A_63 = tpu.vector_load %arg8[%get3A_61, %get3A_62] {strides = array<i32>} : memref<3x128xi32, #tpu.memory_space<vmem>>, vector<16xi32>,
      %bitcast3A = vector.bitcast %get3A_63 : vector<16xi32> to vector<16xf32>
      %gather3A = tpu.vector_load_idx %arg6[%get3A_55] : memref<10240xf32, #tpu.memory_space<vmem>>[vector<16xi32>], vector<16xf32>,
      %mul3A_64 = arith.mulf %gather3A, %bitcast3A : vector<16xf32>
      %gather3A_65 = tpu.vector_load_idx %arg6[%get3A_59] : memref<10240xf32, #tpu.memory_space<vmem>>[vector<16xi32>], vector<16xf32>,
      %mul3A_66 = arith.mulf %mul3A_64, %gather3A_65 : vector<16xf32>
      %swap3A = arith.constant 0 : index
      %swap3A_67 = tpu.vector_load %arg7[%swap3A] {strides = array<i32>} : memref<128xf32, #tpu.memory_space<vmem>>, vector<16xf32>,
      tpu.vector_store %arg7[%swap3A], %mul3A_66 {strides = array<i32>} : memref<128xf32, #tpu.memory_space<vmem>>, vector<16xf32>,
      %get3A_68 = arith.constant 0 : i32
      %get3A_69 = arith.index_cast %get3A_68 : i32 to index
      %get3A_70 = arith.constant 16 : index
      %get3A_71 = tpu.vector_load %arg8[%get3A_69, %get3A_70] {strides = array<i32>} : memref<3x128xi32, #tpu.memory_space<vmem>>, vector<16xi32>,
      %get3A_72 = arith.constant 1 : i32
      %get3A_73 = arith.index_cast %get3A_72 : i32 to index
      %get3A_74 = arith.constant 16 : index
      %get3A_75 = tpu.vector_load %arg8[%get3A_73, %get3A_74] {strides = array<i32>} : memref<3x128xi32, #tpu.memory_space<vmem>>, vector<16xi32>,
      %get3A_76 = arith.constant 2 : i32
      %get3A_77 = arith.index_cast %get3A_76 : i32 to index
      %get3A_78 = arith.constant 16 : index
      %get3A_79 = tpu.vector_load %arg8[%get3A_77, %get3A_78] {strides = array<i32>} : memref<3x128xi32, #tpu.memory_space<vmem>>, vector<16xi32>,
      %bitcast3A_80 = vector.bitcast %get3A_79 : vector<16xi32> to vector<16xf32>
      %gather3A_81 = tpu.vector_load_idx %arg6[%get3A_71] : memref<10240xf32, #tpu.memory_space<vmem>>[vector<16xi32>], vector<16xf32>,
      %mul3A_82 = arith.mulf %gather3A_81, %bitcast3A_80 : vector<16xf32>
      %gather3A_83 = tpu.vector_load_idx %arg6[%get3A_75] : memref<10240xf32, #tpu.memory_space<vmem>>[vector<16xi32>], vector<16xf32>,
      %mul3A_84 = arith.mulf %mul3A_82, %gather3A_83 : vector<16xf32>
      %swap3A_85 = arith.constant 16 : index
      %swap3A_86 = tpu.vector_load %arg7[%swap3A_85] {strides = array<i32>} : memref<128xf32, #tpu.memory_space<vmem>>, vector<16xf32>,
      tpu.vector_store %arg7[%swap3A_85], %mul3A_84 {strides = array<i32>} : memref<128xf32, #tpu.memory_space<vmem>>, vector<16xf32>,
      %get3A_87 = arith.constant 0 : i32
      %get3A_88 = arith.index_cast %get3A_87 : i32 to index
      %get3A_89 = arith.constant 32 : index
      %get3A_90 = tpu.vector_load %arg8[%get3A_88, %get3A_89] {strides = array<i32>} : memref<3x128xi32, #tpu.memory_space<vmem>>, vector<16xi32>,
      %get3A_91 = arith.constant 1 : i32
      %get3A_92 = arith.index_cast %get3A_91 : i32 to index
      %get3A_93 = arith.constant 32 : index
      %get3A_94 = tpu.vector_load %arg8[%get3A_92, %get3A_93] {strides = array<i32>} : memref<3x128xi32, #tpu.memory_space<vmem>>, vector<16xi32>,
      %get3A_95 = arith.constant 2 : i32
      %get3A_96 = arith.index_cast %get3A_95 : i32 to index
      %get3A_97 = arith.constant 32 : index
      %get3A_98 = tpu.vector_load %arg8[%get3A_96, %get3A_97] {strides = array<i32>} : memref<3x128xi32, #tpu.memory_space<vmem>>, vector<16xi32>,
      %bitcast3A_99 = vector.bitcast %get3A_98 : vector<16xi32> to vector<16xf32>
      %gather3A_100 = tpu.vector_load_idx %arg6[%get3A_90] : memref<10240xf32, #tpu.memory_space<vmem>>[vector<16xi32>], vector<16xf32>,
      %mul3A_101 = arith.mulf %gather3A_100, %bitcast3A_99 : vector<16xf32>
      %gather3A_102 = tpu.vector_load_idx %arg6[%get3A_94] : memref<10240xf32, #tpu.memory_space<vmem>>[vector<16xi32>], vector<16xf32>,
      %mul3A_103 = arith.mulf %mul3A_101, %gather3A_102 : vector<16xf32>
      %swap3A_104 = arith.constant 32 : index
      %swap3A_105 = tpu.vector_load %arg7[%swap3A_104] {strides = array<i32>} : memref<128xf32, #tpu.memory_space<vmem>>, vector<16xf32>,
      tpu.vector_store %arg7[%swap3A_104], %mul3A_103 {strides = array<i32>} : memref<128xf32, #tpu.memory_space<vmem>>, vector<16xf32>,
      %get3A_106 = arith.constant 0 : i32
      %get3A_107 = arith.index_cast %get3A_106 : i32 to index
      %get3A_108 = arith.constant 48 : index
      %get3A_109 = tpu.vector_load %arg8[%get3A_107, %get3A_108] {strides = array<i32>} : memref<3x128xi32, #tpu.memory_space<vmem>>, vector<16xi32>,
      %get3A_110 = arith.constant 1 : i32
      %get3A_111 = arith.index_cast %get3A_110 : i32 to index
      %get3A_112 = arith.constant 48 : index
      %get3A_113 = tpu.vector_load %arg8[%get3A_111, %get3A_112] {strides = array<i32>} : memref<3x128xi32, #tpu.memory_space<vmem>>, vector<16xi32>,
      %get3A_114 = arith.constant 2 : i32
      %get3A_115 = arith.index_cast %get3A_114 : i32 to index
      %get3A_116 = arith.constant 48 : index
      %get3A_117 = tpu.vector_load %arg8[%get3A_115, %get3A_116] {strides = array<i32>} : memref<3x128xi32, #tpu.memory_space<vmem>>, vector<16xi32>,
      %bitcast3A_118 = vector.bitcast %get3A_117 : vector<16xi32> to vector<16xf32>
      %gather3A_119 = tpu.vector_load_idx %arg6[%get3A_109] : memref<10240xf32, #tpu.memory_space<vmem>>[vector<16xi32>], vector<16xf32>,
      %mul3A_120 = arith.mulf %gather3A_119, %bitcast3A_118 : vector<16xf32>
      %gather3A_121 = tpu.vector_load_idx %arg6[%get3A_113] : memref<10240xf32, #tpu.memory_space<vmem>>[vector<16xi32>], vector<16xf32>,
      %mul3A_122 = arith.mulf %mul3A_120, %gather3A_121 : vector<16xf32>
      %swap3A_123 = arith.constant 48 : index
      %swap3A_124 = tpu.vector_load %arg7[%swap3A_123] {strides = array<i32>} : memref<128xf32, #tpu.memory_space<vmem>>, vector<16xf32>,
      tpu.vector_store %arg7[%swap3A_123], %mul3A_122 {strides = array<i32>} : memref<128xf32, #tpu.memory_space<vmem>>, vector<16xf32>,
      %get3A_125 = arith.constant 0 : i32
      %get3A_126 = arith.index_cast %get3A_125 : i32 to index
      %get3A_127 = arith.constant 64 : index
      %get3A_128 = tpu.vector_load %arg8[%get3A_126, %get3A_127] {strides = array<i32>} : memref<3x128xi32, #tpu.memory_space<vmem>>, vector<16xi32>,
      %get3A_129 = arith.constant 1 : i32
      %get3A_130 = arith.index_cast %get3A_129 : i32 to index
      %get3A_131 = arith.constant 64 : index
      %get3A_132 = tpu.vector_load %arg8[%get3A_130, %get3A_131] {strides = array<i32>} : memref<3x128xi32, #tpu.memory_space<vmem>>, vector<16xi32>,
      %get3A_133 = arith.constant 2 : i32
      %get3A_134 = arith.index_cast %get3A_133 : i32 to index
      %get3A_135 = arith.constant 64 : index
      %get3A_136 = tpu.vector_load %arg8[%get3A_134, %get3A_135] {strides = array<i32>} : memref<3x128xi32, #tpu.memory_space<vmem>>, vector<16xi32>,
      %bitcast3A_137 = vector.bitcast %get3A_136 : vector<16xi32> to vector<16xf32>
      %gather3A_138 = tpu.vector_load_idx %arg6[%get3A_128] : memref<10240xf32, #tpu.memory_space<vmem>>[vector<16xi32>], vector<16xf32>,
      %mul3A_139 = arith.mulf %gather3A_138, %bitcast3A_137 : vector<16xf32>
      %gather3A_140 = tpu.vector_load_idx %arg6[%get3A_132] : memref<10240xf32, #tpu.memory_space<vmem>>[vector<16xi32>], vector<16xf32>,
      %mul3A_141 = arith.mulf %mul3A_139, %gather3A_140 : vector<16xf32>
      %swap3A_142 = arith.constant 64 : index
      %swap3A_143 = tpu.vector_load %arg7[%swap3A_142] {strides = array<i32>} : memref<128xf32, #tpu.memory_space<vmem>>, vector<16xf32>,
      tpu.vector_store %arg7[%swap3A_142], %mul3A_141 {strides = array<i32>} : memref<128xf32, #tpu.memory_space<vmem>>, vector<16xf32>,
      %get3A_144 = arith.constant 0 : i32
      %get3A_145 = arith.index_cast %get3A_144 : i32 to index
      %get3A_146 = arith.constant 80 : index
      %get3A_147 = tpu.vector_load %arg8[%get3A_145, %get3A_146] {strides = array<i32>} : memref<3x128xi32, #tpu.memory_space<vmem>>, vector<16xi32>,
      %get3A_148 = arith.constant 1 : i32
      %get3A_149 = arith.index_cast %get3A_148 : i32 to index
      %get3A_150 = arith.constant 80 : index
      %get3A_151 = tpu.vector_load %arg8[%get3A_149, %get3A_150] {strides = array<i32>} : memref<3x128xi32, #tpu.memory_space<vmem>>, vector<16xi32>,
      %get3A_152 = arith.constant 2 : i32
      %get3A_153 = arith.index_cast %get3A_152 : i32 to index
      %get3A_154 = arith.constant 80 : index
      %get3A_155 = tpu.vector_load %arg8[%get3A_153, %get3A_154] {strides = array<i32>} : memref<3x128xi32, #tpu.memory_space<vmem>>, vector<16xi32>,
      %bitcast3A_156 = vector.bitcast %get3A_155 : vector<16xi32> to vector<16xf32>
      %gather3A_157 = tpu.vector_load_idx %arg6[%get3A_147] : memref<10240xf32, #tpu.memory_space<vmem>>[vector<16xi32>], vector<16xf32>,
      %mul3A_158 = arith.mulf %gather3A_157, %bitcast3A_156 : vector<16xf32>
      %gather3A_159 = tpu.vector_load_idx %arg6[%get3A_151] : memref<10240xf32, #tpu.memory_space<vmem>>[vector<16xi32>], vector<16xf32>,
      %mul3A_160 = arith.mulf %mul3A_158, %gather3A_159 : vector<16xf32>
      %swap3A_161 = arith.constant 80 : index
      %swap3A_162 = tpu.vector_load %arg7[%swap3A_161] {strides = array<i32>} : memref<128xf32, #tpu.memory_space<vmem>>, vector<16xf32>,
      tpu.vector_store %arg7[%swap3A_161], %mul3A_160 {strides = array<i32>} : memref<128xf32, #tpu.memory_space<vmem>>, vector<16xf32>,
      %get3A_163 = arith.constant 0 : i32
      %get3A_164 = arith.index_cast %get3A_163 : i32 to index
      %get3A_165 = arith.constant 96 : index
      %get3A_166 = tpu.vector_load %arg8[%get3A_164, %get3A_165] {strides = array<i32>} : memref<3x128xi32, #tpu.memory_space<vmem>>, vector<16xi32>,
      %get3A_167 = arith.constant 1 : i32
      %get3A_168 = arith.index_cast %get3A_167 : i32 to index
      %get3A_169 = arith.constant 96 : index
      %get3A_170 = tpu.vector_load %arg8[%get3A_168, %get3A_169] {strides = array<i32>} : memref<3x128xi32, #tpu.memory_space<vmem>>, vector<16xi32>,
      %get3A_171 = arith.constant 2 : i32
      %get3A_172 = arith.index_cast %get3A_171 : i32 to index
      %get3A_173 = arith.constant 96 : index
      %get3A_174 = tpu.vector_load %arg8[%get3A_172, %get3A_173] {strides = array<i32>} : memref<3x128xi32, #tpu.memory_space<vmem>>, vector<16xi32>,
      %bitcast3A_175 = vector.bitcast %get3A_174 : vector<16xi32> to vector<16xf32>
      %gather3A_176 = tpu.vector_load_idx %arg6[%get3A_166] : memref<10240xf32, #tpu.memory_space<vmem>>[vector<16xi32>], vector<16xf32>,
      %mul3A_177 = arith.mulf %gather3A_176, %bitcast3A_175 : vector<16xf32>
      %gather3A_178 = tpu.vector_load_idx %arg6[%get3A_170] : memref<10240xf32, #tpu.memory_space<vmem>>[vector<16xi32>], vector<16xf32>,
      %mul3A_179 = arith.mulf %mul3A_177, %gather3A_178 : vector<16xf32>
      %swap3A_180 = arith.constant 96 : index
      %swap3A_181 = tpu.vector_load %arg7[%swap3A_180] {strides = array<i32>} : memref<128xf32, #tpu.memory_space<vmem>>, vector<16xf32>,
      tpu.vector_store %arg7[%swap3A_180], %mul3A_179 {strides = array<i32>} : memref<128xf32, #tpu.memory_space<vmem>>, vector<16xf32>,
      %get3A_182 = arith.constant 0 : i32
      %get3A_183 = arith.index_cast %get3A_182 : i32 to index
      %get3A_184 = arith.constant 112 : index
      %get3A_185 = tpu.vector_load %arg8[%get3A_183, %get3A_184] {strides = array<i32>} : memref<3x128xi32, #tpu.memory_space<vmem>>, vector<16xi32>,
      %get3A_186 = arith.constant 1 : i32
      %get3A_187 = arith.index_cast %get3A_186 : i32 to index
      %get3A_188 = arith.constant 112 : index
      %get3A_189 = tpu.vector_load %arg8[%get3A_187, %get3A_188] {strides = array<i32>} : memref<3x128xi32, #tpu.memory_space<vmem>>, vector<16xi32>,
      %get3A_190 = arith.constant 2 : i32
      %get3A_191 = arith.index_cast %get3A_190 : i32 to index
      %get3A_192 = arith.constant 112 : index
      %get3A_193 = tpu.vector_load %arg8[%get3A_191, %get3A_192] {strides = array<i32>} : memref<3x128xi32, #tpu.memory_space<vmem>>, vector<16xi32>,
      %bitcast3A_194 = vector.bitcast %get3A_193 : vector<16xi32> to vector<16xf32>
      %gather3A_195 = tpu.vector_load_idx %arg6[%get3A_185] : memref<10240xf32, #tpu.memory_space<vmem>>[vector<16xi32>], vector<16xf32>,
      %mul3A_196 = arith.mulf %gather3A_195, %bitcast3A_194 : vector<16xf32>
      %gather3A_197 = tpu.vector_load_idx %arg6[%get3A_189] : memref<10240xf32, #tpu.memory_space<vmem>>[vector<16xi32>], vector<16xf32>,
      %mul3A_198 = arith.mulf %mul3A_196, %gather3A_197 : vector<16xf32>
      %swap3A_199 = arith.constant 112 : index
      %swap3A_200 = tpu.vector_load %arg7[%swap3A_199] {strides = array<i32>} : memref<128xf32, #tpu.memory_space<vmem>>, vector<16xf32>,
      tpu.vector_store %arg7[%swap3A_199], %mul3A_198 {strides = array<i32>} : memref<128xf32, #tpu.memory_space<vmem>>, vector<16xf32>,
      %scan3A_201 = arith.constant 0 : i32
      %scan3A_202 = arith.constant 0 : i32
      %scan3A_203 = arith.constant 32 : i32
      %scan3A_204 = arith.addi %scan3A_202, %scan3A_203 : i32
      %scan3A_205 = arith.constant 1 : i32
      %scan3A_206 = scf.for %scan3A_209 = %scan3A_202 to %scan3A_204 step %scan3A_205 iter_args(%scan3A_210 = %scan3A_201) -> (i32)  : i32 {
        %mul3A_211 = arith.constant 4 : i32
        %mul3A_212 = arith.muli %scan3A_209, %mul3A_211 : i32
        %add3A_213 = arith.constant 0 : i32
        %add3A_214 = arith.addi %mul3A_212, %add3A_213 : i32
        %broadcast_in_dim3A = vector.broadcast %add3A_214 : i32 to vector<16xi32>
        %gather3A_215 = tpu.vector_load_idx %arg7[%broadcast_in_dim3A] : memref<128xf32, #tpu.memory_space<vmem>>[vector<16xi32>], vector<16xf32>,
        %get3A_216 = arith.index_cast %add3A_214 : i32 to index
        %get3A_217 = arith.constant 0 : index
        %get3A_218 = tpu.vector_load %arg9[%get3A_216, %get3A_217] {strides = array<i32>} : memref<128x128xf32, #tpu.memory_space<vmem>>, vector<16xf32>,
        %mul3A_219 = arith.mulf %get3A_218, %gather3A_215 : vector<16xf32>
        %swap3A_220 = arith.index_cast %add3A_214 : i32 to index
        %swap3A_221 = arith.constant 0 : index
        %swap3A_222 = tpu.vector_load %arg9[%swap3A_220, %swap3A_221] {strides = array<i32>} : memref<128x128xf32, #tpu.memory_space<vmem>>, vector<16xf32>,
        tpu.vector_store %arg9[%swap3A_220, %swap3A_221], %mul3A_219 {strides = array<i32>} : memref<128x128xf32, #tpu.memory_space<vmem>>, vector<16xf32>,
        %get3A_223 = arith.index_cast %add3A_214 : i32 to index
        %get3A_224 = arith.constant 16 : index
        %get3A_225 = tpu.vector_load %arg9[%get3A_223, %get3A_224] {strides = array<i32>} : memref<128x128xf32, #tpu.memory_space<vmem>>, vector<16xf32>,
        %mul3A_226 = arith.mulf %get3A_225, %gather3A_215 : vector<16xf32>
        %swap3A_227 = arith.index_cast %add3A_214 : i32 to index
        %swap3A_228 = arith.constant 16 : index
        %swap3A_229 = tpu.vector_load %arg9[%swap3A_227, %swap3A_228] {strides = array<i32>} : memref<128x128xf32, #tpu.memory_space<vmem>>, vector<16xf32>,
        tpu.vector_store %arg9[%swap3A_227, %swap3A_228], %mul3A_226 {strides = array<i32>} : memref<128x128xf32, #tpu.memory_space<vmem>>, vector<16xf32>,
        %get3A_230 = arith.index_cast %add3A_214 : i32 to index
        %get3A_231 = arith.constant 32 : index
        %get3A_232 = tpu.vector_load %arg9[%get3A_230, %get3A_231] {strides = array<i32>} : memref<128x128xf32, #tpu.memory_space<vmem>>, vector<16xf32>,
        %mul3A_233 = arith.mulf %get3A_232, %gather3A_215 : vector<16xf32>
        %swap3A_234 = arith.index_cast %add3A_214 : i32 to index
        %swap3A_235 = arith.constant 32 : index
        %swap3A_236 = tpu.vector_load %arg9[%swap3A_234, %swap3A_235] {strides = array<i32>} : memref<128x128xf32, #tpu.memory_space<vmem>>, vector<16xf32>,
        tpu.vector_store %arg9[%swap3A_234, %swap3A_235], %mul3A_233 {strides = array<i32>} : memref<128x128xf32, #tpu.memory_space<vmem>>, vector<16xf32>,
        %get3A_237 = arith.index_cast %add3A_214 : i32 to index
        %get3A_238 = arith.constant 48 : index
        %get3A_239 = tpu.vector_load %arg9[%get3A_237, %get3A_238] {strides = array<i32>} : memref<128x128xf32, #tpu.memory_space<vmem>>, vector<16xf32>,
        %mul3A_240 = arith.mulf %get3A_239, %gather3A_215 : vector<16xf32>
        %swap3A_241 = arith.index_cast %add3A_214 : i32 to index
        %swap3A_242 = arith.constant 48 : index
        %swap3A_243 = tpu.vector_load %arg9[%swap3A_241, %swap3A_242] {strides = array<i32>} : memref<128x128xf32, #tpu.memory_space<vmem>>, vector<16xf32>,
        tpu.vector_store %arg9[%swap3A_241, %swap3A_242], %mul3A_240 {strides = array<i32>} : memref<128x128xf32, #tpu.memory_space<vmem>>, vector<16xf32>,
        %get3A_244 = arith.index_cast %add3A_214 : i32 to index
        %get3A_245 = arith.constant 64 : index
        %get3A_246 = tpu.vector_load %arg9[%get3A_244, %get3A_245] {strides = array<i32>} : memref<128x128xf32, #tpu.memory_space<vmem>>, vector<16xf32>,
        %mul3A_247 = arith.mulf %get3A_246, %gather3A_215 : vector<16xf32>
        %swap3A_248 = arith.index_cast %add3A_214 : i32 to index
        %swap3A_249 = arith.constant 64 : index
        %swap3A_250 = tpu.vector_load %arg9[%swap3A_248, %swap3A_249] {strides = array<i32>} : memref<128x128xf32, #tpu.memory_space<vmem>>, vector<16xf32>,
        tpu.vector_store %arg9[%swap3A_248, %swap3A_249], %mul3A_247 {strides = array<i32>} : memref<128x128xf32, #tpu.memory_space<vmem>>, vector<16xf32>,
        %get3A_251 = arith.index_cast %add3A_214 : i32 to index
        %get3A_252 = arith.constant 80 : index
        %get3A_253 = tpu.vector_load %arg9[%get3A_251, %get3A_252] {strides = array<i32>} : memref<128x128xf32, #tpu.memory_space<vmem>>, vector<16xf32>,
        %mul3A_254 = arith.mulf %get3A_253, %gather3A_215 : vector<16xf32>
        %swap3A_255 = arith.index_cast %add3A_214 : i32 to index
        %swap3A_256 = arith.constant 80 : index
        %swap3A_257 = tpu.vector_load %arg9[%swap3A_255, %swap3A_256] {strides = array<i32>} : memref<128x128xf32, #tpu.memory_space<vmem>>, vector<16xf32>,
        tpu.vector_store %arg9[%swap3A_255, %swap3A_256], %mul3A_254 {strides = array<i32>} : memref<128x128xf32, #tpu.memory_space<vmem>>, vector<16xf32>,
        %get3A_258 = arith.index_cast %add3A_214 : i32 to index
        %get3A_259 = arith.constant 96 : index
        %get3A_260 = tpu.vector_load %arg9[%get3A_258, %get3A_259] {strides = array<i32>} : memref<128x128xf32, #tpu.memory_space<vmem>>, vector<16xf32>,
        %mul3A_261 = arith.mulf %get3A_260, %gather3A_215 : vector<16xf32>
        %swap3A_262 = arith.index_cast %add3A_214 : i32 to index
        %swap3A_263 = arith.constant 96 : index
        %swap3A_264 = tpu.vector_load %arg9[%swap3A_262, %swap3A_263] {strides = array<i32>} : memref<128x128xf32, #tpu.memory_space<vmem>>, vector<16xf32>,
        tpu.vector_store %arg9[%swap3A_262, %swap3A_263], %mul3A_261 {strides = array<i32>} : memref<128x128xf32, #tpu.memory_space<vmem>>, vector<16xf32>,
        %get3A_265 = arith.index_cast %add3A_214 : i32 to index
        %get3A_266 = arith.constant 112 : index
        %get3A_267 = tpu.vector_load %arg9[%get3A_265, %get3A_266] {strides = array<i32>} : memref<128x128xf32, #tpu.memory_space<vmem>>, vector<16xf32>,
        %mul3A_268 = arith.mulf %get3A_267, %gather3A_215 : vector<16xf32>
        %swap3A_269 = arith.index_cast %add3A_214 : i32 to index
        %swap3A_270 = arith.constant 112 : index
        %swap3A_271 = tpu.vector_load %arg9[%swap3A_269, %swap3A_270] {strides = array<i32>} : memref<128x128xf32, #tpu.memory_space<vmem>>, vector<16xf32>,
        tpu.vector_store %arg9[%swap3A_269, %swap3A_270], %mul3A_268 {strides = array<i32>} : memref<128x128xf32, #tpu.memory_space<vmem>>, vector<16xf32>,
        %mul3A_272 = arith.constant 4 : i32
        %mul3A_273 = arith.muli %scan3A_209, %mul3A_272 : i32
        %add3A_274 = arith.constant 1 : i32
        %add3A_275 = arith.addi %mul3A_273, %add3A_274 : i32
        %broadcast_in_dim3A_276 = vector.broadcast %add3A_275 : i32 to vector<16xi32>
        %gather3A_277 = tpu.vector_load_idx %arg7[%broadcast_in_dim3A_276] : memref<128xf32, #tpu.memory_space<vmem>>[vector<16xi32>], vector<16xf32>,
        %get3A_278 = arith.index_cast %add3A_275 : i32 to index
        %get3A_279 = arith.constant 0 : index
        %get3A_280 = tpu.vector_load %arg9[%get3A_278, %get3A_279] {strides = array<i32>} : memref<128x128xf32, #tpu.memory_space<vmem>>, vector<16xf32>,
        %mul3A_281 = arith.mulf %get3A_280, %gather3A_277 : vector<16xf32>
        %swap3A_282 = arith.index_cast %add3A_275 : i32 to index
        %swap3A_283 = arith.constant 0 : index
        %swap3A_284 = tpu.vector_load %arg9[%swap3A_282, %swap3A_283] {strides = array<i32>} : memref<128x128xf32, #tpu.memory_space<vmem>>, vector<16xf32>,
        tpu.vector_store %arg9[%swap3A_282, %swap3A_283], %mul3A_281 {strides = array<i32>} : memref<128x128xf32, #tpu.memory_space<vmem>>, vector<16xf32>,
        %get3A_285 = arith.index_cast %add3A_275 : i32 to index
        %get3A_286 = arith.constant 16 : index
        %get3A_287 = tpu.vector_load %arg9[%get3A_285, %get3A_286] {strides = array<i32>} : memref<128x128xf32, #tpu.memory_space<vmem>>, vector<16xf32>,
        %mul3A_288 = arith.mulf %get3A_287, %gather3A_277 : vector<16xf32>
        %swap3A_289 = arith.index_cast %add3A_275 : i32 to index
        %swap3A_290 = arith.constant 16 : index
        %swap3A_291 = tpu.vector_load %arg9[%swap3A_289, %swap3A_290] {strides = array<i32>} : memref<128x128xf32, #tpu.memory_space<vmem>>, vector<16xf32>,
        tpu.vector_store %arg9[%swap3A_289, %swap3A_290], %mul3A_288 {strides = array<i32>} : memref<128x128xf32, #tpu.memory_space<vmem>>, vector<16xf32>,
        %get3A_292 = arith.index_cast %add3A_275 : i32 to index
        %get3A_293 = arith.constant 32 : index
        %get3A_294 = tpu.vector_load %arg9[%get3A_292, %get3A_293] {strides = array<i32>} : memref<128x128xf32, #tpu.memory_space<vmem>>, vector<16xf32>,
        %mul3A_295 = arith.mulf %get3A_294, %gather3A_277 : vector<16xf32>
        %swap3A_296 = arith.index_cast %add3A_275 : i32 to index
        %swap3A_297 = arith.constant 32 : index
        %swap3A_298 = tpu.vector_load %arg9[%swap3A_296, %swap3A_297] {strides = array<i32>} : memref<128x128xf32, #tpu.memory_space<vmem>>, vector<16xf32>,
        tpu.vector_store %arg9[%swap3A_296, %swap3A_297], %mul3A_295 {strides = array<i32>} : memref<128x128xf32, #tpu.memory_space<vmem>>, vector<16xf32>,
        %get3A_299 = arith.index_cast %add3A_275 : i32 to index
        %get3A_300 = arith.constant 48 : index
        %get3A_301 = tpu.vector_load %arg9[%get3A_299, %get3A_300] {strides = array<i32>} : memref<128x128xf32, #tpu.memory_space<vmem>>, vector<16xf32>,
        %mul3A_302 = arith.mulf %get3A_301, %gather3A_277 : vector<16xf32>
        %swap3A_303 = arith.index_cast %add3A_275 : i32 to index
        %swap3A_304 = arith.constant 48 : index
        %swap3A_305 = tpu.vector_load %arg9[%swap3A_303, %swap3A_304] {strides = array<i32>} : memref<128x128xf32, #tpu.memory_space<vmem>>, vector<16xf32>,
        tpu.vector_store %arg9[%swap3A_303, %swap3A_304], %mul3A_302 {strides = array<i32>} : memref<128x128xf32, #tpu.memory_space<vmem>>, vector<16xf32>,
        %get3A_306 = arith.index_cast %add3A_275 : i32 to index
        %get3A_307 = arith.constant 64 : index
        %get3A_308 = tpu.vector_load %arg9[%get3A_306, %get3A_307] {strides = array<i32>} : memref<128x128xf32, #tpu.memory_space<vmem>>, vector<16xf32>,
        %mul3A_309 = arith.mulf %get3A_308, %gather3A_277 : vector<16xf32>
        %swap3A_310 = arith.index_cast %add3A_275 : i32 to index
        %swap3A_311 = arith.constant 64 : index
        %swap3A_312 = tpu.vector_load %arg9[%swap3A_310, %swap3A_311] {strides = array<i32>} : memref<128x128xf32, #tpu.memory_space<vmem>>, vector<16xf32>,
        tpu.vector_store %arg9[%swap3A_310, %swap3A_311], %mul3A_309 {strides = array<i32>} : memref<128x128xf32, #tpu.memory_space<vmem>>, vector<16xf32>,
        %get3A_313 = arith.index_cast %add3A_275 : i32 to index
        %get3A_314 = arith.constant 80 : index
        %get3A_315 = tpu.vector_load %arg9[%get3A_313, %get3A_314] {strides = array<i32>} : memref<128x128xf32, #tpu.memory_space<vmem>>, vector<16xf32>,
        %mul3A_316 = arith.mulf %get3A_315, %gather3A_277 : vector<16xf32>
        %swap3A_317 = arith.index_cast %add3A_275 : i32 to index
        %swap3A_318 = arith.constant 80 : index
        %swap3A_319 = tpu.vector_load %arg9[%swap3A_317, %swap3A_318] {strides = array<i32>} : memref<128x128xf32, #tpu.memory_space<vmem>>, vector<16xf32>,
        tpu.vector_store %arg9[%swap3A_317, %swap3A_318], %mul3A_316 {strides = array<i32>} : memref<128x128xf32, #tpu.memory_space<vmem>>, vector<16xf32>,
        %get3A_320 = arith.index_cast %add3A_275 : i32 to index
        %get3A_321 = arith.constant 96 : index
        %get3A_322 = tpu.vector_load %arg9[%get3A_320, %get3A_321] {strides = array<i32>} : memref<128x128xf32, #tpu.memory_space<vmem>>, vector<16xf32>,
        %mul3A_323 = arith.mulf %get3A_322, %gather3A_277 : vector<16xf32>
        %swap3A_324 = arith.index_cast %add3A_275 : i32 to index
        %swap3A_325 = arith.constant 96 : index
        %swap3A_326 = tpu.vector_load %arg9[%swap3A_324, %swap3A_325] {strides = array<i32>} : memref<128x128xf32, #tpu.memory_space<vmem>>, vector<16xf32>,
        tpu.vector_store %arg9[%swap3A_324, %swap3A_325], %mul3A_323 {strides = array<i32>} : memref<128x128xf32, #tpu.memory_space<vmem>>, vector<16xf32>,
        %get3A_327 = arith.index_cast %add3A_275 : i32 to index
        %get3A_328 = arith.constant 112 : index
        %get3A_329 = tpu.vector_load %arg9[%get3A_327, %get3A_328] {strides = array<i32>} : memref<128x128xf32, #tpu.memory_space<vmem>>, vector<16xf32>,
        %mul3A_330 = arith.mulf %get3A_329, %gather3A_277 : vector<16xf32>
        %swap3A_331 = arith.index_cast %add3A_275 : i32 to index
        %swap3A_332 = arith.constant 112 : index
        %swap3A_333 = tpu.vector_load %arg9[%swap3A_331, %swap3A_332] {strides = array<i32>} : memref<128x128xf32, #tpu.memory_space<vmem>>, vector<16xf32>,
        tpu.vector_store %arg9[%swap3A_331, %swap3A_332], %mul3A_330 {strides = array<i32>} : memref<128x128xf32, #tpu.memory_space<vmem>>, vector<16xf32>,
        %mul3A_334 = arith.constant 4 : i32
        %mul3A_335 = arith.muli %scan3A_209, %mul3A_334 : i32
        %add3A_336 = arith.constant 2 : i32
        %add3A_337 = arith.addi %mul3A_335, %add3A_336 : i32
        %broadcast_in_dim3A_338 = vector.broadcast %add3A_337 : i32 to vector<16xi32>
        %gather3A_339 = tpu.vector_load_idx %arg7[%broadcast_in_dim3A_338] : memref<128xf32, #tpu.memory_space<vmem>>[vector<16xi32>], vector<16xf32>,
        %get3A_340 = arith.index_cast %add3A_337 : i32 to index
        %get3A_341 = arith.constant 0 : index
        %get3A_342 = tpu.vector_load %arg9[%get3A_340, %get3A_341] {strides = array<i32>} : memref<128x128xf32, #tpu.memory_space<vmem>>, vector<16xf32>,
        %mul3A_343 = arith.mulf %get3A_342, %gather3A_339 : vector<16xf32>
        %swap3A_344 = arith.index_cast %add3A_337 : i32 to index
        %swap3A_345 = arith.constant 0 : index
        %swap3A_346 = tpu.vector_load %arg9[%swap3A_344, %swap3A_345] {strides = array<i32>} : memref<128x128xf32, #tpu.memory_space<vmem>>, vector<16xf32>,
        tpu.vector_store %arg9[%swap3A_344, %swap3A_345], %mul3A_343 {strides = array<i32>} : memref<128x128xf32, #tpu.memory_space<vmem>>, vector<16xf32>,
        %get3A_347 = arith.index_cast %add3A_337 : i32 to index
        %get3A_348 = arith.constant 16 : index
        %get3A_349 = tpu.vector_load %arg9[%get3A_347, %get3A_348] {strides = array<i32>} : memref<128x128xf32, #tpu.memory_space<vmem>>, vector<16xf32>,
        %mul3A_350 = arith.mulf %get3A_349, %gather3A_339 : vector<16xf32>
        %swap3A_351 = arith.index_cast %add3A_337 : i32 to index
        %swap3A_352 = arith.constant 16 : index
        %swap3A_353 = tpu.vector_load %arg9[%swap3A_351, %swap3A_352] {strides = array<i32>} : memref<128x128xf32, #tpu.memory_space<vmem>>, vector<16xf32>,
        tpu.vector_store %arg9[%swap3A_351, %swap3A_352], %mul3A_350 {strides = array<i32>} : memref<128x128xf32, #tpu.memory_space<vmem>>, vector<16xf32>,
        %get3A_354 = arith.index_cast %add3A_337 : i32 to index
        %get3A_355 = arith.constant 32 : index
        %get3A_356 = tpu.vector_load %arg9[%get3A_354, %get3A_355] {strides = array<i32>} : memref<128x128xf32, #tpu.memory_space<vmem>>, vector<16xf32>,
        %mul3A_357 = arith.mulf %get3A_356, %gather3A_339 : vector<16xf32>
        %swap3A_358 = arith.index_cast %add3A_337 : i32 to index
        %swap3A_359 = arith.constant 32 : index
        %swap3A_360 = tpu.vector_load %arg9[%swap3A_358, %swap3A_359] {strides = array<i32>} : memref<128x128xf32, #tpu.memory_space<vmem>>, vector<16xf32>,
        tpu.vector_store %arg9[%swap3A_358, %swap3A_359], %mul3A_357 {strides = array<i32>} : memref<128x128xf32, #tpu.memory_space<vmem>>, vector<16xf32>,
        %get3A_361 = arith.index_cast %add3A_337 : i32 to index
        %get3A_362 = arith.constant 48 : index
        %get3A_363 = tpu.vector_load %arg9[%get3A_361, %get3A_362] {strides = array<i32>} : memref<128x128xf32, #tpu.memory_space<vmem>>, vector<16xf32>,
        %mul3A_364 = arith.mulf %get3A_363, %gather3A_339 : vector<16xf32>
        %swap3A_365 = arith.index_cast %add3A_337 : i32 to index
        %swap3A_366 = arith.constant 48 : index
        %swap3A_367 = tpu.vector_load %arg9[%swap3A_365, %swap3A_366] {strides = array<i32>} : memref<128x128xf32, #tpu.memory_space<vmem>>, vector<16xf32>,
        tpu.vector_store %arg9[%swap3A_365, %swap3A_366], %mul3A_364 {strides = array<i32>} : memref<128x128xf32, #tpu.memory_space<vmem>>, vector<16xf32>,
        %get3A_368 = arith.index_cast %add3A_337 : i32 to index
        %get3A_369 = arith.constant 64 : index
        %get3A_370 = tpu.vector_load %arg9[%get3A_368, %get3A_369] {strides = array<i32>} : memref<128x128xf32, #tpu.memory_space<vmem>>, vector<16xf32>,
        %mul3A_371 = arith.mulf %get3A_370, %gather3A_339 : vector<16xf32>
        %swap3A_372 = arith.index_cast %add3A_337 : i32 to index
        %swap3A_373 = arith.constant 64 : index
        %swap3A_374 = tpu.vector_load %arg9[%swap3A_372, %swap3A_373] {strides = array<i32>} : memref<128x128xf32, #tpu.memory_space<vmem>>, vector<16xf32>,
        tpu.vector_store %arg9[%swap3A_372, %swap3A_373], %mul3A_371 {strides = array<i32>} : memref<128x128xf32, #tpu.memory_space<vmem>>, vector<16xf32>,
        %get3A_375 = arith.index_cast %add3A_337 : i32 to index
        %get3A_376 = arith.constant 80 : index
        %get3A_377 = tpu.vector_load %arg9[%get3A_375, %get3A_376] {strides = array<i32>} : memref<128x128xf32, #tpu.memory_space<vmem>>, vector<16xf32>,
        %mul3A_378 = arith.mulf %get3A_377, %gather3A_339 : vector<16xf32>
        %swap3A_379 = arith.index_cast %add3A_337 : i32 to index
        %swap3A_380 = arith.constant 80 : index
        %swap3A_381 = tpu.vector_load %arg9[%swap3A_379, %swap3A_380] {strides = array<i32>} : memref<128x128xf32, #tpu.memory_space<vmem>>, vector<16xf32>,
        tpu.vector_store %arg9[%swap3A_379, %swap3A_380], %mul3A_378 {strides = array<i32>} : memref<128x128xf32, #tpu.memory_space<vmem>>, vector<16xf32>,
        %get3A_382 = arith.index_cast %add3A_337 : i32 to index
        %get3A_383 = arith.constant 96 : index
        %get3A_384 = tpu.vector_load %arg9[%get3A_382, %get3A_383] {strides = array<i32>} : memref<128x128xf32, #tpu.memory_space<vmem>>, vector<16xf32>,
        %mul3A_385 = arith.mulf %get3A_384, %gather3A_339 : vector<16xf32>
        %swap3A_386 = arith.index_cast %add3A_337 : i32 to index
        %swap3A_387 = arith.constant 96 : index
        %swap3A_388 = tpu.vector_load %arg9[%swap3A_386, %swap3A_387] {strides = array<i32>} : memref<128x128xf32, #tpu.memory_space<vmem>>, vector<16xf32>,
        tpu.vector_store %arg9[%swap3A_386, %swap3A_387], %mul3A_385 {strides = array<i32>} : memref<128x128xf32, #tpu.memory_space<vmem>>, vector<16xf32>,
        %get3A_389 = arith.index_cast %add3A_337 : i32 to index
        %get3A_390 = arith.constant 112 : index
        %get3A_391 = tpu.vector_load %arg9[%get3A_389, %get3A_390] {strides = array<i32>} : memref<128x128xf32, #tpu.memory_space<vmem>>, vector<16xf32>,
        %mul3A_392 = arith.mulf %get3A_391, %gather3A_339 : vector<16xf32>
        %swap3A_393 = arith.index_cast %add3A_337 : i32 to index
        %swap3A_394 = arith.constant 112 : index
        %swap3A_395 = tpu.vector_load %arg9[%swap3A_393, %swap3A_394] {strides = array<i32>} : memref<128x128xf32, #tpu.memory_space<vmem>>, vector<16xf32>,
        tpu.vector_store %arg9[%swap3A_393, %swap3A_394], %mul3A_392 {strides = array<i32>} : memref<128x128xf32, #tpu.memory_space<vmem>>, vector<16xf32>,
        %mul3A_396 = arith.constant 4 : i32
        %mul3A_397 = arith.muli %scan3A_209, %mul3A_396 : i32
        %add3A_398 = arith.constant 3 : i32
        %add3A_399 = arith.addi %mul3A_397, %add3A_398 : i32
        %broadcast_in_dim3A_400 = vector.broadcast %add3A_399 : i32 to vector<16xi32>
        %gather3A_401 = tpu.vector_load_idx %arg7[%broadcast_in_dim3A_400] : memref<128xf32, #tpu.memory_space<vmem>>[vector<16xi32>], vector<16xf32>,
        %get3A_402 = arith.index_cast %add3A_399 : i32 to index
        %get3A_403 = arith.constant 0 : index
        %get3A_404 = tpu.vector_load %arg9[%get3A_402, %get3A_403] {strides = array<i32>} : memref<128x128xf32, #tpu.memory_space<vmem>>, vector<16xf32>,
        %mul3A_405 = arith.mulf %get3A_404, %gather3A_401 : vector<16xf32>
        %swap3A_406 = arith.index_cast %add3A_399 : i32 to index
        %swap3A_407 = arith.constant 0 : index
        %swap3A_408 = tpu.vector_load %arg9[%swap3A_406, %swap3A_407] {strides = array<i32>} : memref<128x128xf32, #tpu.memory_space<vmem>>, vector<16xf32>,
        tpu.vector_store %arg9[%swap3A_406, %swap3A_407], %mul3A_405 {strides = array<i32>} : memref<128x128xf32, #tpu.memory_space<vmem>>, vector<16xf32>,
        %get3A_409 = arith.index_cast %add3A_399 : i32 to index
        %get3A_410 = arith.constant 16 : index
        %get3A_411 = tpu.vector_load %arg9[%get3A_409, %get3A_410] {strides = array<i32>} : memref<128x128xf32, #tpu.memory_space<vmem>>, vector<16xf32>,
        %mul3A_412 = arith.mulf %get3A_411, %gather3A_401 : vector<16xf32>
        %swap3A_413 = arith.index_cast %add3A_399 : i32 to index
        %swap3A_414 = arith.constant 16 : index
        %swap3A_415 = tpu.vector_load %arg9[%swap3A_413, %swap3A_414] {strides = array<i32>} : memref<128x128xf32, #tpu.memory_space<vmem>>, vector<16xf32>,
        tpu.vector_store %arg9[%swap3A_413, %swap3A_414], %mul3A_412 {strides = array<i32>} : memref<128x128xf32, #tpu.memory_space<vmem>>, vector<16xf32>,
        %get3A_416 = arith.index_cast %add3A_399 : i32 to index
        %get3A_417 = arith.constant 32 : index
        %get3A_418 = tpu.vector_load %arg9[%get3A_416, %get3A_417] {strides = array<i32>} : memref<128x128xf32, #tpu.memory_space<vmem>>, vector<16xf32>,
        %mul3A_419 = arith.mulf %get3A_418, %gather3A_401 : vector<16xf32>
        %swap3A_420 = arith.index_cast %add3A_399 : i32 to index
        %swap3A_421 = arith.constant 32 : index
        %swap3A_422 = tpu.vector_load %arg9[%swap3A_420, %swap3A_421] {strides = array<i32>} : memref<128x128xf32, #tpu.memory_space<vmem>>, vector<16xf32>,
        tpu.vector_store %arg9[%swap3A_420, %swap3A_421], %mul3A_419 {strides = array<i32>} : memref<128x128xf32, #tpu.memory_space<vmem>>, vector<16xf32>,
        %get3A_423 = arith.index_cast %add3A_399 : i32 to index
        %get3A_424 = arith.constant 48 : index
        %get3A_425 = tpu.vector_load %arg9[%get3A_423, %get3A_424] {strides = array<i32>} : memref<128x128xf32, #tpu.memory_space<vmem>>, vector<16xf32>,
        %mul3A_426 = arith.mulf %get3A_425, %gather3A_401 : vector<16xf32>
        %swap3A_427 = arith.index_cast %add3A_399 : i32 to index
        %swap3A_428 = arith.constant 48 : index
        %swap3A_429 = tpu.vector_load %arg9[%swap3A_427, %swap3A_428] {strides = array<i32>} : memref<128x128xf32, #tpu.memory_space<vmem>>, vector<16xf32>,
        tpu.vector_store %arg9[%swap3A_427, %swap3A_428], %mul3A_426 {strides = array<i32>} : memref<128x128xf32, #tpu.memory_space<vmem>>, vector<16xf32>,
        %get3A_430 = arith.index_cast %add3A_399 : i32 to index
        %get3A_431 = arith.constant 64 : index
        %get3A_432 = tpu.vector_load %arg9[%get3A_430, %get3A_431] {strides = array<i32>} : memref<128x128xf32, #tpu.memory_space<vmem>>, vector<16xf32>,
        %mul3A_433 = arith.mulf %get3A_432, %gather3A_401 : vector<16xf32>
        %swap3A_434 = arith.index_cast %add3A_399 : i32 to index
        %swap3A_435 = arith.constant 64 : index
        %swap3A_436 = tpu.vector_load %arg9[%swap3A_434, %swap3A_435] {strides = array<i32>} : memref<128x128xf32, #tpu.memory_space<vmem>>, vector<16xf32>,
        tpu.vector_store %arg9[%swap3A_434, %swap3A_435], %mul3A_433 {strides = array<i32>} : memref<128x128xf32, #tpu.memory_space<vmem>>, vector<16xf32>,
        %get3A_437 = arith.index_cast %add3A_399 : i32 to index
        %get3A_438 = arith.constant 80 : index
        %get3A_439 = tpu.vector_load %arg9[%get3A_437, %get3A_438] {strides = array<i32>} : memref<128x128xf32, #tpu.memory_space<vmem>>, vector<16xf32>,
        %mul3A_440 = arith.mulf %get3A_439, %gather3A_401 : vector<16xf32>
        %swap3A_441 = arith.index_cast %add3A_399 : i32 to index
        %swap3A_442 = arith.constant 80 : index
        %swap3A_443 = tpu.vector_load %arg9[%swap3A_441, %swap3A_442] {strides = array<i32>} : memref<128x128xf32, #tpu.memory_space<vmem>>, vector<16xf32>,
        tpu.vector_store %arg9[%swap3A_441, %swap3A_442], %mul3A_440 {strides = array<i32>} : memref<128x128xf32, #tpu.memory_space<vmem>>, vector<16xf32>,
        %get3A_444 = arith.index_cast %add3A_399 : i32 to index
        %get3A_445 = arith.constant 96 : index
        %get3A_446 = tpu.vector_load %arg9[%get3A_444, %get3A_445] {strides = array<i32>} : memref<128x128xf32, #tpu.memory_space<vmem>>, vector<16xf32>,
        %mul3A_447 = arith.mulf %get3A_446, %gather3A_401 : vector<16xf32>
        %swap3A_448 = arith.index_cast %add3A_399 : i32 to index
        %swap3A_449 = arith.constant 96 : index
        %swap3A_450 = tpu.vector_load %arg9[%swap3A_448, %swap3A_449] {strides = array<i32>} : memref<128x128xf32, #tpu.memory_space<vmem>>, vector<16xf32>,
        tpu.vector_store %arg9[%swap3A_448, %swap3A_449], %mul3A_447 {strides = array<i32>} : memref<128x128xf32, #tpu.memory_space<vmem>>, vector<16xf32>,
        %get3A_451 = arith.index_cast %add3A_399 : i32 to index
        %get3A_452 = arith.constant 112 : index
        %get3A_453 = tpu.vector_load %arg9[%get3A_451, %get3A_452] {strides = array<i32>} : memref<128x128xf32, #tpu.memory_space<vmem>>, vector<16xf32>,
        %mul3A_454 = arith.mulf %get3A_453, %gather3A_401 : vector<16xf32>
        %swap3A_455 = arith.index_cast %add3A_399 : i32 to index
        %swap3A_456 = arith.constant 112 : index
        %swap3A_457 = tpu.vector_load %arg9[%swap3A_455, %swap3A_456] {strides = array<i32>} : memref<128x128xf32, #tpu.memory_space<vmem>>, vector<16xf32>,
        tpu.vector_store %arg9[%swap3A_455, %swap3A_456], %mul3A_454 {strides = array<i32>} : memref<128x128xf32, #tpu.memory_space<vmem>>, vector<16xf32>,
        %scan3A_458 = arith.constant 0 : i32
        scf.yield %scan3A_458 : i32
      }
      %scan3A_207 = arith.constant 32 : i32
      %run_scoped3A = arith.constant 1 : i32
      "tpu.region"() ({
        %run_scoped3A_209 = tpu.sem_alloc : memref<!tpu.dma_semaphore, #tpu.memory_space<semaphore_mem>>
        %dma_start3A_210 = arith.constant 0 : i32
        %dma_start3A_211 = tpu.memref_slice %arg8[%run_scoped3A, %dma_start3A_210] : memref<3x128xi32, #tpu.memory_space<vmem>> -> memref<1x128xi32, #tpu.memory_space<vmem>>
        %dma_start3A_212 = tpu.memref_squeeze %dma_start3A_211 : memref<1x128xi32, #tpu.memory_space<vmem>> -> memref<128xi32, #tpu.memory_space<vmem>>
        %dma_start3A_213 = arith.constant 0 : i32
        %dma_start3A_214 = arith.constant 0 : i32
        %dma_start3A_215 = tpu.memref_slice %arg10[%dma_start3A_213, %dma_start3A_214] : memref<10240x128xf32, #tpu.memory_space<vmem_shared>> -> memref<10240x128xf32, #tpu.memory_space<vmem_shared>>
        tpu.enqueue_indirect_dma source(%arg9 : memref<128x128xf32, #tpu.memory_space<vmem>>) target(%dma_start3A_215 : memref<10240x128xf32, #tpu.memory_space<vmem_shared>>) offsets(%dma_start3A_212 : memref<128xi32, #tpu.memory_space<vmem>>) semaphore(%run_scoped3A_209 : memref<!tpu.dma_semaphore, #tpu.memory_space<semaphore_mem>>) {add = true}
        %dma_wait3A_216 = arith.constant 0 : i32
        %dma_wait3A_217 = tpu.memref_slice %arg8[%run_scoped3A, %dma_wait3A_216] : memref<3x128xi32, #tpu.memory_space<vmem>> -> memref<1x128xi32, #tpu.memory_space<vmem>>
        %dma_wait3A_218 = tpu.memref_squeeze %dma_wait3A_217 : memref<1x128xi32, #tpu.memory_space<vmem>> -> memref<128xi32, #tpu.memory_space<vmem>>
        %dma_wait3A_219 = arith.constant 0 : i32
        %dma_wait3A_220 = arith.constant 0 : i32
        %dma_wait3A_221 = tpu.memref_slice %arg10[%dma_wait3A_219, %dma_wait3A_220] : memref<10240x128xf32, #tpu.memory_space<vmem_shared>> -> memref<10240x128xf32, #tpu.memory_space<vmem_shared>>
        tpu.wait_indirect_dma semaphore(%run_scoped3A_209 : memref<!tpu.dma_semaphore, #tpu.memory_space<semaphore_mem>>) src(%arg9 : memref<128x128xf32, #tpu.memory_space<vmem>>) dst(%dma_wait3A_221 : memref<10240x128xf32, #tpu.memory_space<vmem_shared>>)
        tpu.yield
      }) : () -> ()
      %scan3A_208 = arith.constant 0 : i32
      scf.yield %scan3A_208 : i32
    }
    %scan3A_33 = arith.constant 81 : i32
    %barrier3A_34 = arith.constant 0 : index
    tpu.barrier barrier_id(%barrier3A_34)
    %mul3A_35 = arith.constant 640 : i32
    %mul3A_36 = arith.muli %arg1, %mul3A_35 : i32
    %mul3A_37 = arith.constant 640 : i32
    %mul3A_38 = arith.muli %arg1, %mul3A_37 : i32
    "tpu.region"() ({
      %run_scoped3A = tpu.sem_alloc : memref<!tpu.dma_semaphore, #tpu.memory_space<semaphore_mem>>
      %dma_start3A = arith.constant 0 : i32
      %dma_start3A_39 = tpu.memref_slice %arg5[%arg0, %mul3A_38, %dma_start3A] : memref<2x10240x128xf32, #tpu.memory_space<hbm>> -> memref<1x640x128xf32, #tpu.memory_space<hbm>>
      %dma_start3A_40 = tpu.memref_squeeze %dma_start3A_39 : memref<1x640x128xf32, #tpu.memory_space<hbm>> -> memref<640x128xf32, #tpu.memory_space<hbm>>
      %dma_start3A_41 = arith.constant 0 : i32
      %dma_start3A_42 = tpu.memref_slice %arg10[%mul3A_36, %dma_start3A_41] : memref<10240x128xf32, #tpu.memory_space<vmem_shared>> -> memref<640x128xf32, #tpu.memory_space<vmem_shared>>
      tpu.enqueue_dma source(%dma_start3A_42 : memref<640x128xf32, #tpu.memory_space<vmem_shared>>) target(%dma_start3A_40 : memref<640x128xf32, #tpu.memory_space<hbm>>) target_semaphore(%run_scoped3A : memref<!tpu.dma_semaphore, #tpu.memory_space<semaphore_mem>>)
      %dma_wait3A = arith.constant 0 : i32
      %dma_wait3A_43 = tpu.memref_slice %arg5[%arg0, %mul3A_38, %dma_wait3A] : memref<2x10240x128xf32, #tpu.memory_space<hbm>> -> memref<1x640x128xf32, #tpu.memory_space<hbm>>
      %dma_wait3A_44 = tpu.memref_squeeze %dma_wait3A_43 : memref<1x640x128xf32, #tpu.memory_space<hbm>> -> memref<640x128xf32, #tpu.memory_space<hbm>>
      %dma_wait3A_45 = arith.constant 0 : i32
      %dma_wait3A_46 = tpu.memref_slice %arg10[%mul3A_36, %dma_wait3A_45] : memref<10240x128xf32, #tpu.memory_space<vmem_shared>> -> memref<640x128xf32, #tpu.memory_space<vmem_shared>>
      tpu.wait_dma2 semaphore(%run_scoped3A : memref<!tpu.dma_semaphore, #tpu.memory_space<semaphore_mem>>) src(%dma_wait3A_46 : memref<640x128xf32, #tpu.memory_space<vmem_shared>>) dst(%dma_wait3A_44 : memref<640x128xf32, #tpu.memory_space<hbm>>)
      tpu.yield
    }) : () -> ()
    return
  }
}

#map = affine_map<(d0, d1) -> (0, 0)>
#map1 = affine_map<(d0, d1) -> (0, 0, 0, 0)>
#map2 = affine_map<(d0, d1) -> (0)>
#map3 = affine_map<(d0, d1) -> (0, 0, 0)>
module attributes {stable_mosaic.version = 14 : i64} {
  func.func @_sc_conv_body(%arg0: i32, %arg1: i32, %arg2: memref<10000x128xf32, #tpu.memory_space<hbm>>, %arg3: memref<32x81x3x128xi32, #tpu.memory_space<hbm>>, %arg4: memref<10240xf32, #tpu.memory_space<hbm>>, %arg5: memref<2x10240x128xf32, #tpu.memory_space<hbm>>, %arg6: memref<10240xf32, #tpu.memory_space<vmem>>, %arg7: memref<128xf32, #tpu.memory_space<vmem>>, %arg8: memref<3x128xi32, #tpu.memory_space<vmem>>, %arg9: memref<128x128xf32, #tpu.memory_space<vmem>>, %arg10: memref<10240x128xf32, #tpu.memory_space<vmem_shared>>, %arg11: memref<!tpu.dma_semaphore, #tpu.memory_space<semaphore_mem>>) attributes {dimension_semantics = [#tpu.dimension_semantics<core_parallel>, #tpu.dimension_semantics<subcore_parallel>], iteration_bounds = array<i64: 2, 16>, scalar_prefetch = 0 : i64, scratch_operands = 6 : i64, tpu.core_type = #tpu.core_type<sc_vector_subcore>, window_params = [{transform_indices = #map}, {transform_indices = #map1}, {transform_indices = #map2}, {transform_indices = #map3}]} {
    %mul3A = arith.constant 16 : i32
    %mul3A_0 = arith.muli %arg0, %mul3A : i32
    %add3A = arith.addi %mul3A_0, %arg1 : i32
    "tpu.region"() ({
      %run_scoped3A = tpu.sem_alloc : memref<!tpu.dma_semaphore, #tpu.memory_space<semaphore_mem>>
      tpu.enqueue_dma source(%arg4 : memref<10240xf32, #tpu.memory_space<hbm>>) target(%arg6 : memref<10240xf32, #tpu.memory_space<vmem>>) target_semaphore(%run_scoped3A : memref<!tpu.dma_semaphore, #tpu.memory_space<semaphore_mem>>)
      tpu.wait_dma2 semaphore(%run_scoped3A : memref<!tpu.dma_semaphore, #tpu.memory_space<semaphore_mem>>) src(%arg4 : memref<10240xf32, #tpu.memory_space<hbm>>) dst(%arg6 : memref<10240xf32, #tpu.memory_space<vmem>>)
      tpu.yield
    }) : () -> ()
    %scan3A = arith.constant 0 : i32
    %scan3A_1 = arith.constant 0 : i32
    %scan3A_2 = arith.constant 128 : i32
    %scan3A_3 = arith.addi %scan3A_1, %scan3A_2 : i32
    %scan3A_4 = arith.constant 1 : i32
    %scan3A_5 = scf.for %scan3A_39 = %scan3A_1 to %scan3A_3 step %scan3A_4 iter_args(%scan3A_40 = %scan3A) -> (i32)  : i32 {
      %broadcast_in_dim3A = arith.constant 0.000000e+00 : f32
      %broadcast_in_dim3A_41 = vector.broadcast %broadcast_in_dim3A : f32 to vector<16xf32>
      %swap3A = arith.index_cast %scan3A_39 : i32 to index
      %swap3A_42 = arith.constant 0 : index
      %swap3A_43 = tpu.vector_load %arg9[%swap3A, %swap3A_42] {strides = array<i32>} : memref<128x128xf32, #tpu.memory_space<vmem>>, vector<16xf32>,
      tpu.vector_store %arg9[%swap3A, %swap3A_42], %broadcast_in_dim3A_41 {strides = array<i32>} : memref<128x128xf32, #tpu.memory_space<vmem>>, vector<16xf32>,
      %broadcast_in_dim3A_44 = arith.constant 0.000000e+00 : f32
      %broadcast_in_dim3A_45 = vector.broadcast %broadcast_in_dim3A_44 : f32 to vector<16xf32>
      %swap3A_46 = arith.index_cast %scan3A_39 : i32 to index
      %swap3A_47 = arith.constant 16 : index
      %swap3A_48 = tpu.vector_load %arg9[%swap3A_46, %swap3A_47] {strides = array<i32>} : memref<128x128xf32, #tpu.memory_space<vmem>>, vector<16xf32>,
      tpu.vector_store %arg9[%swap3A_46, %swap3A_47], %broadcast_in_dim3A_45 {strides = array<i32>} : memref<128x128xf32, #tpu.memory_space<vmem>>, vector<16xf32>,
      %broadcast_in_dim3A_49 = arith.constant 0.000000e+00 : f32
      %broadcast_in_dim3A_50 = vector.broadcast %broadcast_in_dim3A_49 : f32 to vector<16xf32>
      %swap3A_51 = arith.index_cast %scan3A_39 : i32 to index
      %swap3A_52 = arith.constant 32 : index
      %swap3A_53 = tpu.vector_load %arg9[%swap3A_51, %swap3A_52] {strides = array<i32>} : memref<128x128xf32, #tpu.memory_space<vmem>>, vector<16xf32>,
      tpu.vector_store %arg9[%swap3A_51, %swap3A_52], %broadcast_in_dim3A_50 {strides = array<i32>} : memref<128x128xf32, #tpu.memory_space<vmem>>, vector<16xf32>,
      %broadcast_in_dim3A_54 = arith.constant 0.000000e+00 : f32
      %broadcast_in_dim3A_55 = vector.broadcast %broadcast_in_dim3A_54 : f32 to vector<16xf32>
      %swap3A_56 = arith.index_cast %scan3A_39 : i32 to index
      %swap3A_57 = arith.constant 48 : index
      %swap3A_58 = tpu.vector_load %arg9[%swap3A_56, %swap3A_57] {strides = array<i32>} : memref<128x128xf32, #tpu.memory_space<vmem>>, vector<16xf32>,
      tpu.vector_store %arg9[%swap3A_56, %swap3A_57], %broadcast_in_dim3A_55 {strides = array<i32>} : memref<128x128xf32, #tpu.memory_space<vmem>>, vector<16xf32>,
      %broadcast_in_dim3A_59 = arith.constant 0.000000e+00 : f32
      %broadcast_in_dim3A_60 = vector.broadcast %broadcast_in_dim3A_59 : f32 to vector<16xf32>
      %swap3A_61 = arith.index_cast %scan3A_39 : i32 to index
      %swap3A_62 = arith.constant 64 : index
      %swap3A_63 = tpu.vector_load %arg9[%swap3A_61, %swap3A_62] {strides = array<i32>} : memref<128x128xf32, #tpu.memory_space<vmem>>, vector<16xf32>,
      tpu.vector_store %arg9[%swap3A_61, %swap3A_62], %broadcast_in_dim3A_60 {strides = array<i32>} : memref<128x128xf32, #tpu.memory_space<vmem>>, vector<16xf32>,
      %broadcast_in_dim3A_64 = arith.constant 0.000000e+00 : f32
      %broadcast_in_dim3A_65 = vector.broadcast %broadcast_in_dim3A_64 : f32 to vector<16xf32>
      %swap3A_66 = arith.index_cast %scan3A_39 : i32 to index
      %swap3A_67 = arith.constant 80 : index
      %swap3A_68 = tpu.vector_load %arg9[%swap3A_66, %swap3A_67] {strides = array<i32>} : memref<128x128xf32, #tpu.memory_space<vmem>>, vector<16xf32>,
      tpu.vector_store %arg9[%swap3A_66, %swap3A_67], %broadcast_in_dim3A_65 {strides = array<i32>} : memref<128x128xf32, #tpu.memory_space<vmem>>, vector<16xf32>,
      %broadcast_in_dim3A_69 = arith.constant 0.000000e+00 : f32
      %broadcast_in_dim3A_70 = vector.broadcast %broadcast_in_dim3A_69 : f32 to vector<16xf32>
      %swap3A_71 = arith.index_cast %scan3A_39 : i32 to index
      %swap3A_72 = arith.constant 96 : index
      %swap3A_73 = tpu.vector_load %arg9[%swap3A_71, %swap3A_72] {strides = array<i32>} : memref<128x128xf32, #tpu.memory_space<vmem>>, vector<16xf32>,
      tpu.vector_store %arg9[%swap3A_71, %swap3A_72], %broadcast_in_dim3A_70 {strides = array<i32>} : memref<128x128xf32, #tpu.memory_space<vmem>>, vector<16xf32>,
      %broadcast_in_dim3A_74 = arith.constant 0.000000e+00 : f32
      %broadcast_in_dim3A_75 = vector.broadcast %broadcast_in_dim3A_74 : f32 to vector<16xf32>
      %swap3A_76 = arith.index_cast %scan3A_39 : i32 to index
      %swap3A_77 = arith.constant 112 : index
      %swap3A_78 = tpu.vector_load %arg9[%swap3A_76, %swap3A_77] {strides = array<i32>} : memref<128x128xf32, #tpu.memory_space<vmem>>, vector<16xf32>,
      tpu.vector_store %arg9[%swap3A_76, %swap3A_77], %broadcast_in_dim3A_75 {strides = array<i32>} : memref<128x128xf32, #tpu.memory_space<vmem>>, vector<16xf32>,
      %scan3A_79 = arith.constant 0 : i32
      scf.yield %scan3A_79 : i32
    }
    %scan3A_6 = arith.constant 128 : i32
    %mul3A_7 = arith.constant 640 : i32
    %mul3A_8 = arith.muli %arg1, %mul3A_7 : i32
    %add3A_9 = arith.constant 0 : i32
    %add3A_10 = arith.addi %mul3A_8, %add3A_9 : i32
    "tpu.region"() ({
      %run_scoped3A = tpu.sem_alloc : memref<!tpu.dma_semaphore, #tpu.memory_space<semaphore_mem>>
      %dma_start3A = arith.constant 0 : i32
      %dma_start3A_39 = tpu.memref_slice %arg10[%add3A_10, %dma_start3A] : memref<10240x128xf32, #tpu.memory_space<vmem_shared>> -> memref<128x128xf32, #tpu.memory_space<vmem_shared>>
      %dma_start3A_40 = arith.constant 0 : i32
      %dma_start3A_41 = tpu.memref_slice %arg10[%add3A_10, %dma_start3A_40] : memref<10240x128xf32, #tpu.memory_space<vmem_shared>> -> memref<128x128xf32, #tpu.memory_space<vmem_shared>>
      tpu.enqueue_dma source(%arg9 : memref<128x128xf32, #tpu.memory_space<vmem>>) target(%dma_start3A_41 : memref<128x128xf32, #tpu.memory_space<vmem_shared>>) target_semaphore(%run_scoped3A : memref<!tpu.dma_semaphore, #tpu.memory_space<semaphore_mem>>)
      %dma_wait3A = arith.constant 0 : i32
      %dma_wait3A_42 = tpu.memref_slice %arg10[%add3A_10, %dma_wait3A] : memref<10240x128xf32, #tpu.memory_space<vmem_shared>> -> memref<128x128xf32, #tpu.memory_space<vmem_shared>>
      %dma_wait3A_43 = arith.constant 0 : i32
      %dma_wait3A_44 = tpu.memref_slice %arg10[%add3A_10, %dma_wait3A_43] : memref<10240x128xf32, #tpu.memory_space<vmem_shared>> -> memref<128x128xf32, #tpu.memory_space<vmem_shared>>
      tpu.wait_dma2 semaphore(%run_scoped3A : memref<!tpu.dma_semaphore, #tpu.memory_space<semaphore_mem>>) src(%arg9 : memref<128x128xf32, #tpu.memory_space<vmem>>) dst(%dma_wait3A_44 : memref<128x128xf32, #tpu.memory_space<vmem_shared>>)
      tpu.yield
    }) : () -> ()
    %mul3A_11 = arith.constant 640 : i32
    %mul3A_12 = arith.muli %arg1, %mul3A_11 : i32
    %add3A_13 = arith.constant 128 : i32
    %add3A_14 = arith.addi %mul3A_12, %add3A_13 : i32
    "tpu.region"() ({
      %run_scoped3A = tpu.sem_alloc : memref<!tpu.dma_semaphore, #tpu.memory_space<semaphore_mem>>
      %dma_start3A = arith.constant 0 : i32
      %dma_start3A_39 = tpu.memref_slice %arg10[%add3A_14, %dma_start3A] : memref<10240x128xf32, #tpu.memory_space<vmem_shared>> -> memref<128x128xf32, #tpu.memory_space<vmem_shared>>
      %dma_start3A_40 = arith.constant 0 : i32
      %dma_start3A_41 = tpu.memref_slice %arg10[%add3A_14, %dma_start3A_40] : memref<10240x128xf32, #tpu.memory_space<vmem_shared>> -> memref<128x128xf32, #tpu.memory_space<vmem_shared>>
      tpu.enqueue_dma source(%arg9 : memref<128x128xf32, #tpu.memory_space<vmem>>) target(%dma_start3A_41 : memref<128x128xf32, #tpu.memory_space<vmem_shared>>) target_semaphore(%run_scoped3A : memref<!tpu.dma_semaphore, #tpu.memory_space<semaphore_mem>>)
      %dma_wait3A = arith.constant 0 : i32
      %dma_wait3A_42 = tpu.memref_slice %arg10[%add3A_14, %dma_wait3A] : memref<10240x128xf32, #tpu.memory_space<vmem_shared>> -> memref<128x128xf32, #tpu.memory_space<vmem_shared>>
      %dma_wait3A_43 = arith.constant 0 : i32
      %dma_wait3A_44 = tpu.memref_slice %arg10[%add3A_14, %dma_wait3A_43] : memref<10240x128xf32, #tpu.memory_space<vmem_shared>> -> memref<128x128xf32, #tpu.memory_space<vmem_shared>>
      tpu.wait_dma2 semaphore(%run_scoped3A : memref<!tpu.dma_semaphore, #tpu.memory_space<semaphore_mem>>) src(%arg9 : memref<128x128xf32, #tpu.memory_space<vmem>>) dst(%dma_wait3A_44 : memref<128x128xf32, #tpu.memory_space<vmem_shared>>)
      tpu.yield
    }) : () -> ()
    %mul3A_15 = arith.constant 640 : i32
    %mul3A_16 = arith.muli %arg1, %mul3A_15 : i32
    %add3A_17 = arith.constant 256 : i32
    %add3A_18 = arith.addi %mul3A_16, %add3A_17 : i32
    "tpu.region"() ({
      %run_scoped3A = tpu.sem_alloc : memref<!tpu.dma_semaphore, #tpu.memory_space<semaphore_mem>>
      %dma_start3A = arith.constant 0 : i32
      %dma_start3A_39 = tpu.memref_slice %arg10[%add3A_18, %dma_start3A] : memref<10240x128xf32, #tpu.memory_space<vmem_shared>> -> memref<128x128xf32, #tpu.memory_space<vmem_shared>>
      %dma_start3A_40 = arith.constant 0 : i32
      %dma_start3A_41 = tpu.memref_slice %arg10[%add3A_18, %dma_start3A_40] : memref<10240x128xf32, #tpu.memory_space<vmem_shared>> -> memref<128x128xf32, #tpu.memory_space<vmem_shared>>
      tpu.enqueue_dma source(%arg9 : memref<128x128xf32, #tpu.memory_space<vmem>>) target(%dma_start3A_41 : memref<128x128xf32, #tpu.memory_space<vmem_shared>>) target_semaphore(%run_scoped3A : memref<!tpu.dma_semaphore, #tpu.memory_space<semaphore_mem>>)
      %dma_wait3A = arith.constant 0 : i32
      %dma_wait3A_42 = tpu.memref_slice %arg10[%add3A_18, %dma_wait3A] : memref<10240x128xf32, #tpu.memory_space<vmem_shared>> -> memref<128x128xf32, #tpu.memory_space<vmem_shared>>
      %dma_wait3A_43 = arith.constant 0 : i32
      %dma_wait3A_44 = tpu.memref_slice %arg10[%add3A_18, %dma_wait3A_43] : memref<10240x128xf32, #tpu.memory_space<vmem_shared>> -> memref<128x128xf32, #tpu.memory_space<vmem_shared>>
      tpu.wait_dma2 semaphore(%run_scoped3A : memref<!tpu.dma_semaphore, #tpu.memory_space<semaphore_mem>>) src(%arg9 : memref<128x128xf32, #tpu.memory_space<vmem>>) dst(%dma_wait3A_44 : memref<128x128xf32, #tpu.memory_space<vmem_shared>>)
      tpu.yield
    }) : () -> ()
    %mul3A_19 = arith.constant 640 : i32
    %mul3A_20 = arith.muli %arg1, %mul3A_19 : i32
    %add3A_21 = arith.constant 384 : i32
    %add3A_22 = arith.addi %mul3A_20, %add3A_21 : i32
    "tpu.region"() ({
      %run_scoped3A = tpu.sem_alloc : memref<!tpu.dma_semaphore, #tpu.memory_space<semaphore_mem>>
      %dma_start3A = arith.constant 0 : i32
      %dma_start3A_39 = tpu.memref_slice %arg10[%add3A_22, %dma_start3A] : memref<10240x128xf32, #tpu.memory_space<vmem_shared>> -> memref<128x128xf32, #tpu.memory_space<vmem_shared>>
      %dma_start3A_40 = arith.constant 0 : i32
      %dma_start3A_41 = tpu.memref_slice %arg10[%add3A_22, %dma_start3A_40] : memref<10240x128xf32, #tpu.memory_space<vmem_shared>> -> memref<128x128xf32, #tpu.memory_space<vmem_shared>>
      tpu.enqueue_dma source(%arg9 : memref<128x128xf32, #tpu.memory_space<vmem>>) target(%dma_start3A_41 : memref<128x128xf32, #tpu.memory_space<vmem_shared>>) target_semaphore(%run_scoped3A : memref<!tpu.dma_semaphore, #tpu.memory_space<semaphore_mem>>)
      %dma_wait3A = arith.constant 0 : i32
      %dma_wait3A_42 = tpu.memref_slice %arg10[%add3A_22, %dma_wait3A] : memref<10240x128xf32, #tpu.memory_space<vmem_shared>> -> memref<128x128xf32, #tpu.memory_space<vmem_shared>>
      %dma_wait3A_43 = arith.constant 0 : i32
      %dma_wait3A_44 = tpu.memref_slice %arg10[%add3A_22, %dma_wait3A_43] : memref<10240x128xf32, #tpu.memory_space<vmem_shared>> -> memref<128x128xf32, #tpu.memory_space<vmem_shared>>
      tpu.wait_dma2 semaphore(%run_scoped3A : memref<!tpu.dma_semaphore, #tpu.memory_space<semaphore_mem>>) src(%arg9 : memref<128x128xf32, #tpu.memory_space<vmem>>) dst(%dma_wait3A_44 : memref<128x128xf32, #tpu.memory_space<vmem_shared>>)
      tpu.yield
    }) : () -> ()
    %mul3A_23 = arith.constant 640 : i32
    %mul3A_24 = arith.muli %arg1, %mul3A_23 : i32
    %add3A_25 = arith.constant 512 : i32
    %add3A_26 = arith.addi %mul3A_24, %add3A_25 : i32
    "tpu.region"() ({
      %run_scoped3A = tpu.sem_alloc : memref<!tpu.dma_semaphore, #tpu.memory_space<semaphore_mem>>
      %dma_start3A = arith.constant 0 : i32
      %dma_start3A_39 = tpu.memref_slice %arg10[%add3A_26, %dma_start3A] : memref<10240x128xf32, #tpu.memory_space<vmem_shared>> -> memref<128x128xf32, #tpu.memory_space<vmem_shared>>
      %dma_start3A_40 = arith.constant 0 : i32
      %dma_start3A_41 = tpu.memref_slice %arg10[%add3A_26, %dma_start3A_40] : memref<10240x128xf32, #tpu.memory_space<vmem_shared>> -> memref<128x128xf32, #tpu.memory_space<vmem_shared>>
      tpu.enqueue_dma source(%arg9 : memref<128x128xf32, #tpu.memory_space<vmem>>) target(%dma_start3A_41 : memref<128x128xf32, #tpu.memory_space<vmem_shared>>) target_semaphore(%run_scoped3A : memref<!tpu.dma_semaphore, #tpu.memory_space<semaphore_mem>>)
      %dma_wait3A = arith.constant 0 : i32
      %dma_wait3A_42 = tpu.memref_slice %arg10[%add3A_26, %dma_wait3A] : memref<10240x128xf32, #tpu.memory_space<vmem_shared>> -> memref<128x128xf32, #tpu.memory_space<vmem_shared>>
      %dma_wait3A_43 = arith.constant 0 : i32
      %dma_wait3A_44 = tpu.memref_slice %arg10[%add3A_26, %dma_wait3A_43] : memref<10240x128xf32, #tpu.memory_space<vmem_shared>> -> memref<128x128xf32, #tpu.memory_space<vmem_shared>>
      tpu.wait_dma2 semaphore(%run_scoped3A : memref<!tpu.dma_semaphore, #tpu.memory_space<semaphore_mem>>) src(%arg9 : memref<128x128xf32, #tpu.memory_space<vmem>>) dst(%dma_wait3A_44 : memref<128x128xf32, #tpu.memory_space<vmem_shared>>)
      tpu.yield
    }) : () -> ()
    %barrier3A = arith.constant 0 : index
    tpu.barrier barrier_id(%barrier3A)
    %scan3A_27 = arith.constant 0 : i32
    %scan3A_28 = arith.constant 0 : i32
    %scan3A_29 = arith.constant 81 : i32
    %scan3A_30 = arith.addi %scan3A_28, %scan3A_29 : i32
    %scan3A_31 = arith.constant 1 : i32
    %scan3A_32 = scf.for %scan3A_39 = %scan3A_28 to %scan3A_30 step %scan3A_31 iter_args(%scan3A_40 = %scan3A_27) -> (i32)  : i32 {
      "tpu.region"() ({
        %run_scoped3A_209 = tpu.sem_alloc : memref<!tpu.dma_semaphore, #tpu.memory_space<semaphore_mem>>
        %dma_start3A_210 = arith.constant 0 : i32
        %dma_start3A_211 = arith.constant 0 : i32
        %dma_start3A_212 = tpu.memref_slice %arg3[%add3A, %scan3A_39, %dma_start3A_210, %dma_start3A_211] : memref<32x81x3x128xi32, #tpu.memory_space<hbm>> -> memref<1x1x3x128xi32, #tpu.memory_space<hbm>>
        %dma_start3A_213 = tpu.memref_squeeze %dma_start3A_212 : memref<1x1x3x128xi32, #tpu.memory_space<hbm>> -> memref<3x128xi32, #tpu.memory_space<hbm>>
        %dma_start3A_214 = arith.constant 0 : i32
        %dma_start3A_215 = arith.constant 0 : i32
        %dma_start3A_216 = tpu.memref_slice %arg3[%add3A, %scan3A_39, %dma_start3A_214, %dma_start3A_215] : memref<32x81x3x128xi32, #tpu.memory_space<hbm>> -> memref<1x1x3x128xi32, #tpu.memory_space<hbm>>
        %dma_start3A_217 = tpu.memref_squeeze %dma_start3A_216 : memref<1x1x3x128xi32, #tpu.memory_space<hbm>> -> memref<3x128xi32, #tpu.memory_space<hbm>>
        tpu.enqueue_dma source(%dma_start3A_217 : memref<3x128xi32, #tpu.memory_space<hbm>>) target(%arg8 : memref<3x128xi32, #tpu.memory_space<vmem>>) target_semaphore(%run_scoped3A_209 : memref<!tpu.dma_semaphore, #tpu.memory_space<semaphore_mem>>)
        %dma_wait3A_218 = arith.constant 0 : i32
        %dma_wait3A_219 = arith.constant 0 : i32
        %dma_wait3A_220 = tpu.memref_slice %arg3[%add3A, %scan3A_39, %dma_wait3A_218, %dma_wait3A_219] : memref<32x81x3x128xi32, #tpu.memory_space<hbm>> -> memref<1x1x3x128xi32, #tpu.memory_space<hbm>>
        %dma_wait3A_221 = tpu.memref_squeeze %dma_wait3A_220 : memref<1x1x3x128xi32, #tpu.memory_space<hbm>> -> memref<3x128xi32, #tpu.memory_space<hbm>>
        %dma_wait3A_222 = arith.constant 0 : i32
        %dma_wait3A_223 = arith.constant 0 : i32
        %dma_wait3A_224 = tpu.memref_slice %arg3[%add3A, %scan3A_39, %dma_wait3A_222, %dma_wait3A_223] : memref<32x81x3x128xi32, #tpu.memory_space<hbm>> -> memref<1x1x3x128xi32, #tpu.memory_space<hbm>>
        %dma_wait3A_225 = tpu.memref_squeeze %dma_wait3A_224 : memref<1x1x3x128xi32, #tpu.memory_space<hbm>> -> memref<3x128xi32, #tpu.memory_space<hbm>>
        tpu.wait_dma2 semaphore(%run_scoped3A_209 : memref<!tpu.dma_semaphore, #tpu.memory_space<semaphore_mem>>) src(%dma_wait3A_225 : memref<3x128xi32, #tpu.memory_space<hbm>>) dst(%arg8 : memref<3x128xi32, #tpu.memory_space<vmem>>)
        tpu.yield
      }) : () -> ()
      %dma_start3A = arith.constant 0 : i32
      %dma_start3A_41 = arith.constant 0 : i32
      %dma_start3A_42 = tpu.memref_slice %arg8[%dma_start3A, %dma_start3A_41] : memref<3x128xi32, #tpu.memory_space<vmem>> -> memref<1x128xi32, #tpu.memory_space<vmem>>
      %dma_start3A_43 = tpu.memref_squeeze %dma_start3A_42 : memref<1x128xi32, #tpu.memory_space<vmem>> -> memref<128xi32, #tpu.memory_space<vmem>>
      %dma_start3A_44 = arith.constant 0 : i32
      %dma_start3A_45 = arith.constant 0 : i32
      %dma_start3A_46 = tpu.memref_slice %arg2[%dma_start3A_44, %dma_start3A_45] : memref<10000x128xf32, #tpu.memory_space<hbm>> -> memref<10000x128xf32, #tpu.memory_space<hbm>>
      tpu.enqueue_indirect_dma source(%dma_start3A_46 : memref<10000x128xf32, #tpu.memory_space<hbm>>) target(%arg9 : memref<128x128xf32, #tpu.memory_space<vmem>>) offsets(%dma_start3A_43 : memref<128xi32, #tpu.memory_space<vmem>>) semaphore(%arg11 : memref<!tpu.dma_semaphore, #tpu.memory_space<semaphore_mem>>)
      %dma_wait3A = arith.constant 0 : i32
      %dma_wait3A_47 = arith.constant 0 : i32
      %dma_wait3A_48 = tpu.memref_slice %arg8[%dma_wait3A, %dma_wait3A_47] : memref<3x128xi32, #tpu.memory_space<vmem>> -> memref<1x128xi32, #tpu.memory_space<vmem>>
      %dma_wait3A_49 = tpu.memref_squeeze %dma_wait3A_48 : memref<1x128xi32, #tpu.memory_space<vmem>> -> memref<128xi32, #tpu.memory_space<vmem>>
      %dma_wait3A_50 = arith.constant 0 : i32
      %dma_wait3A_51 = arith.constant 0 : i32
      %dma_wait3A_52 = tpu.memref_slice %arg2[%dma_wait3A_50, %dma_wait3A_51] : memref<10000x128xf32, #tpu.memory_space<hbm>> -> memref<10000x128xf32, #tpu.memory_space<hbm>>
      tpu.wait_indirect_dma semaphore(%arg11 : memref<!tpu.dma_semaphore, #tpu.memory_space<semaphore_mem>>) src(%dma_wait3A_52 : memref<10000x128xf32, #tpu.memory_space<hbm>>) dst(%arg9 : memref<128x128xf32, #tpu.memory_space<vmem>>)
      %get3A = arith.constant 0 : i32
      %get3A_53 = arith.index_cast %get3A : i32 to index
      %get3A_54 = arith.constant 0 : index
      %get3A_55 = tpu.vector_load %arg8[%get3A_53, %get3A_54] {strides = array<i32>} : memref<3x128xi32, #tpu.memory_space<vmem>>, vector<16xi32>,
      %get3A_56 = arith.constant 1 : i32
      %get3A_57 = arith.index_cast %get3A_56 : i32 to index
      %get3A_58 = arith.constant 0 : index
      %get3A_59 = tpu.vector_load %arg8[%get3A_57, %get3A_58] {strides = array<i32>} : memref<3x128xi32, #tpu.memory_space<vmem>>, vector<16xi32>,
      %get3A_60 = arith.constant 2 : i32
      %get3A_61 = arith.index_cast %get3A_60 : i32 to index
      %get3A_62 = arith.constant 0 : index
      %get3A_63 = tpu.vector_load %arg8[%get3A_61, %get3A_62] {strides = array<i32>} : memref<3x128xi32, #tpu.memory_space<vmem>>, vector<16xi32>,
      %bitcast3A = vector.bitcast %get3A_63 : vector<16xi32> to vector<16xf32>
      %gather3A = tpu.vector_load_idx %arg6[%get3A_55] : memref<10240xf32, #tpu.memory_space<vmem>>[vector<16xi32>], vector<16xf32>,
      %mul3A_64 = arith.mulf %gather3A, %bitcast3A : vector<16xf32>
      %gather3A_65 = tpu.vector_load_idx %arg6[%get3A_59] : memref<10240xf32, #tpu.memory_space<vmem>>[vector<16xi32>], vector<16xf32>,
      %mul3A_66 = arith.mulf %mul3A_64, %gather3A_65 : vector<16xf32>
      %swap3A = arith.constant 0 : index
      %swap3A_67 = tpu.vector_load %arg7[%swap3A] {strides = array<i32>} : memref<128xf32, #tpu.memory_space<vmem>>, vector<16xf32>,
      tpu.vector_store %arg7[%swap3A], %mul3A_66 {strides = array<i32>} : memref<128xf32, #tpu.memory_space<vmem>>, vector<16xf32>,
      %get3A_68 = arith.constant 0 : i32
      %get3A_69 = arith.index_cast %get3A_68 : i32 to index
      %get3A_70 = arith.constant 16 : index
      %get3A_71 = tpu.vector_load %arg8[%get3A_69, %get3A_70] {strides = array<i32>} : memref<3x128xi32, #tpu.memory_space<vmem>>, vector<16xi32>,
      %get3A_72 = arith.constant 1 : i32
      %get3A_73 = arith.index_cast %get3A_72 : i32 to index
      %get3A_74 = arith.constant 16 : index
      %get3A_75 = tpu.vector_load %arg8[%get3A_73, %get3A_74] {strides = array<i32>} : memref<3x128xi32, #tpu.memory_space<vmem>>, vector<16xi32>,
      %get3A_76 = arith.constant 2 : i32
      %get3A_77 = arith.index_cast %get3A_76 : i32 to index
      %get3A_78 = arith.constant 16 : index
      %get3A_79 = tpu.vector_load %arg8[%get3A_77, %get3A_78] {strides = array<i32>} : memref<3x128xi32, #tpu.memory_space<vmem>>, vector<16xi32>,
      %bitcast3A_80 = vector.bitcast %get3A_79 : vector<16xi32> to vector<16xf32>
      %gather3A_81 = tpu.vector_load_idx %arg6[%get3A_71] : memref<10240xf32, #tpu.memory_space<vmem>>[vector<16xi32>], vector<16xf32>,
      %mul3A_82 = arith.mulf %gather3A_81, %bitcast3A_80 : vector<16xf32>
      %gather3A_83 = tpu.vector_load_idx %arg6[%get3A_75] : memref<10240xf32, #tpu.memory_space<vmem>>[vector<16xi32>], vector<16xf32>,
      %mul3A_84 = arith.mulf %mul3A_82, %gather3A_83 : vector<16xf32>
      %swap3A_85 = arith.constant 16 : index
      %swap3A_86 = tpu.vector_load %arg7[%swap3A_85] {strides = array<i32>} : memref<128xf32, #tpu.memory_space<vmem>>, vector<16xf32>,
      tpu.vector_store %arg7[%swap3A_85], %mul3A_84 {strides = array<i32>} : memref<128xf32, #tpu.memory_space<vmem>>, vector<16xf32>,
      %get3A_87 = arith.constant 0 : i32
      %get3A_88 = arith.index_cast %get3A_87 : i32 to index
      %get3A_89 = arith.constant 32 : index
      %get3A_90 = tpu.vector_load %arg8[%get3A_88, %get3A_89] {strides = array<i32>} : memref<3x128xi32, #tpu.memory_space<vmem>>, vector<16xi32>,
      %get3A_91 = arith.constant 1 : i32
      %get3A_92 = arith.index_cast %get3A_91 : i32 to index
      %get3A_93 = arith.constant 32 : index
      %get3A_94 = tpu.vector_load %arg8[%get3A_92, %get3A_93] {strides = array<i32>} : memref<3x128xi32, #tpu.memory_space<vmem>>, vector<16xi32>,
      %get3A_95 = arith.constant 2 : i32
      %get3A_96 = arith.index_cast %get3A_95 : i32 to index
      %get3A_97 = arith.constant 32 : index
      %get3A_98 = tpu.vector_load %arg8[%get3A_96, %get3A_97] {strides = array<i32>} : memref<3x128xi32, #tpu.memory_space<vmem>>, vector<16xi32>,
      %bitcast3A_99 = vector.bitcast %get3A_98 : vector<16xi32> to vector<16xf32>
      %gather3A_100 = tpu.vector_load_idx %arg6[%get3A_90] : memref<10240xf32, #tpu.memory_space<vmem>>[vector<16xi32>], vector<16xf32>,
      %mul3A_101 = arith.mulf %gather3A_100, %bitcast3A_99 : vector<16xf32>
      %gather3A_102 = tpu.vector_load_idx %arg6[%get3A_94] : memref<10240xf32, #tpu.memory_space<vmem>>[vector<16xi32>], vector<16xf32>,
      %mul3A_103 = arith.mulf %mul3A_101, %gather3A_102 : vector<16xf32>
      %swap3A_104 = arith.constant 32 : index
      %swap3A_105 = tpu.vector_load %arg7[%swap3A_104] {strides = array<i32>} : memref<128xf32, #tpu.memory_space<vmem>>, vector<16xf32>,
      tpu.vector_store %arg7[%swap3A_104], %mul3A_103 {strides = array<i32>} : memref<128xf32, #tpu.memory_space<vmem>>, vector<16xf32>,
      %get3A_106 = arith.constant 0 : i32
      %get3A_107 = arith.index_cast %get3A_106 : i32 to index
      %get3A_108 = arith.constant 48 : index
      %get3A_109 = tpu.vector_load %arg8[%get3A_107, %get3A_108] {strides = array<i32>} : memref<3x128xi32, #tpu.memory_space<vmem>>, vector<16xi32>,
      %get3A_110 = arith.constant 1 : i32
      %get3A_111 = arith.index_cast %get3A_110 : i32 to index
      %get3A_112 = arith.constant 48 : index
      %get3A_113 = tpu.vector_load %arg8[%get3A_111, %get3A_112] {strides = array<i32>} : memref<3x128xi32, #tpu.memory_space<vmem>>, vector<16xi32>,
      %get3A_114 = arith.constant 2 : i32
      %get3A_115 = arith.index_cast %get3A_114 : i32 to index
      %get3A_116 = arith.constant 48 : index
      %get3A_117 = tpu.vector_load %arg8[%get3A_115, %get3A_116] {strides = array<i32>} : memref<3x128xi32, #tpu.memory_space<vmem>>, vector<16xi32>,
      %bitcast3A_118 = vector.bitcast %get3A_117 : vector<16xi32> to vector<16xf32>
      %gather3A_119 = tpu.vector_load_idx %arg6[%get3A_109] : memref<10240xf32, #tpu.memory_space<vmem>>[vector<16xi32>], vector<16xf32>,
      %mul3A_120 = arith.mulf %gather3A_119, %bitcast3A_118 : vector<16xf32>
      %gather3A_121 = tpu.vector_load_idx %arg6[%get3A_113] : memref<10240xf32, #tpu.memory_space<vmem>>[vector<16xi32>], vector<16xf32>,
      %mul3A_122 = arith.mulf %mul3A_120, %gather3A_121 : vector<16xf32>
      %swap3A_123 = arith.constant 48 : index
      %swap3A_124 = tpu.vector_load %arg7[%swap3A_123] {strides = array<i32>} : memref<128xf32, #tpu.memory_space<vmem>>, vector<16xf32>,
      tpu.vector_store %arg7[%swap3A_123], %mul3A_122 {strides = array<i32>} : memref<128xf32, #tpu.memory_space<vmem>>, vector<16xf32>,
      %get3A_125 = arith.constant 0 : i32
      %get3A_126 = arith.index_cast %get3A_125 : i32 to index
      %get3A_127 = arith.constant 64 : index
      %get3A_128 = tpu.vector_load %arg8[%get3A_126, %get3A_127] {strides = array<i32>} : memref<3x128xi32, #tpu.memory_space<vmem>>, vector<16xi32>,
      %get3A_129 = arith.constant 1 : i32
      %get3A_130 = arith.index_cast %get3A_129 : i32 to index
      %get3A_131 = arith.constant 64 : index
      %get3A_132 = tpu.vector_load %arg8[%get3A_130, %get3A_131] {strides = array<i32>} : memref<3x128xi32, #tpu.memory_space<vmem>>, vector<16xi32>,
      %get3A_133 = arith.constant 2 : i32
      %get3A_134 = arith.index_cast %get3A_133 : i32 to index
      %get3A_135 = arith.constant 64 : index
      %get3A_136 = tpu.vector_load %arg8[%get3A_134, %get3A_135] {strides = array<i32>} : memref<3x128xi32, #tpu.memory_space<vmem>>, vector<16xi32>,
      %bitcast3A_137 = vector.bitcast %get3A_136 : vector<16xi32> to vector<16xf32>
      %gather3A_138 = tpu.vector_load_idx %arg6[%get3A_128] : memref<10240xf32, #tpu.memory_space<vmem>>[vector<16xi32>], vector<16xf32>,
      %mul3A_139 = arith.mulf %gather3A_138, %bitcast3A_137 : vector<16xf32>
      %gather3A_140 = tpu.vector_load_idx %arg6[%get3A_132] : memref<10240xf32, #tpu.memory_space<vmem>>[vector<16xi32>], vector<16xf32>,
      %mul3A_141 = arith.mulf %mul3A_139, %gather3A_140 : vector<16xf32>
      %swap3A_142 = arith.constant 64 : index
      %swap3A_143 = tpu.vector_load %arg7[%swap3A_142] {strides = array<i32>} : memref<128xf32, #tpu.memory_space<vmem>>, vector<16xf32>,
      tpu.vector_store %arg7[%swap3A_142], %mul3A_141 {strides = array<i32>} : memref<128xf32, #tpu.memory_space<vmem>>, vector<16xf32>,
      %get3A_144 = arith.constant 0 : i32
      %get3A_145 = arith.index_cast %get3A_144 : i32 to index
      %get3A_146 = arith.constant 80 : index
      %get3A_147 = tpu.vector_load %arg8[%get3A_145, %get3A_146] {strides = array<i32>} : memref<3x128xi32, #tpu.memory_space<vmem>>, vector<16xi32>,
      %get3A_148 = arith.constant 1 : i32
      %get3A_149 = arith.index_cast %get3A_148 : i32 to index
      %get3A_150 = arith.constant 80 : index
      %get3A_151 = tpu.vector_load %arg8[%get3A_149, %get3A_150] {strides = array<i32>} : memref<3x128xi32, #tpu.memory_space<vmem>>, vector<16xi32>,
      %get3A_152 = arith.constant 2 : i32
      %get3A_153 = arith.index_cast %get3A_152 : i32 to index
      %get3A_154 = arith.constant 80 : index
      %get3A_155 = tpu.vector_load %arg8[%get3A_153, %get3A_154] {strides = array<i32>} : memref<3x128xi32, #tpu.memory_space<vmem>>, vector<16xi32>,
      %bitcast3A_156 = vector.bitcast %get3A_155 : vector<16xi32> to vector<16xf32>
      %gather3A_157 = tpu.vector_load_idx %arg6[%get3A_147] : memref<10240xf32, #tpu.memory_space<vmem>>[vector<16xi32>], vector<16xf32>,
      %mul3A_158 = arith.mulf %gather3A_157, %bitcast3A_156 : vector<16xf32>
      %gather3A_159 = tpu.vector_load_idx %arg6[%get3A_151] : memref<10240xf32, #tpu.memory_space<vmem>>[vector<16xi32>], vector<16xf32>,
      %mul3A_160 = arith.mulf %mul3A_158, %gather3A_159 : vector<16xf32>
      %swap3A_161 = arith.constant 80 : index
      %swap3A_162 = tpu.vector_load %arg7[%swap3A_161] {strides = array<i32>} : memref<128xf32, #tpu.memory_space<vmem>>, vector<16xf32>,
      tpu.vector_store %arg7[%swap3A_161], %mul3A_160 {strides = array<i32>} : memref<128xf32, #tpu.memory_space<vmem>>, vector<16xf32>,
      %get3A_163 = arith.constant 0 : i32
      %get3A_164 = arith.index_cast %get3A_163 : i32 to index
      %get3A_165 = arith.constant 96 : index
      %get3A_166 = tpu.vector_load %arg8[%get3A_164, %get3A_165] {strides = array<i32>} : memref<3x128xi32, #tpu.memory_space<vmem>>, vector<16xi32>,
      %get3A_167 = arith.constant 1 : i32
      %get3A_168 = arith.index_cast %get3A_167 : i32 to index
      %get3A_169 = arith.constant 96 : index
      %get3A_170 = tpu.vector_load %arg8[%get3A_168, %get3A_169] {strides = array<i32>} : memref<3x128xi32, #tpu.memory_space<vmem>>, vector<16xi32>,
      %get3A_171 = arith.constant 2 : i32
      %get3A_172 = arith.index_cast %get3A_171 : i32 to index
      %get3A_173 = arith.constant 96 : index
      %get3A_174 = tpu.vector_load %arg8[%get3A_172, %get3A_173] {strides = array<i32>} : memref<3x128xi32, #tpu.memory_space<vmem>>, vector<16xi32>,
      %bitcast3A_175 = vector.bitcast %get3A_174 : vector<16xi32> to vector<16xf32>
      %gather3A_176 = tpu.vector_load_idx %arg6[%get3A_166] : memref<10240xf32, #tpu.memory_space<vmem>>[vector<16xi32>], vector<16xf32>,
      %mul3A_177 = arith.mulf %gather3A_176, %bitcast3A_175 : vector<16xf32>
      %gather3A_178 = tpu.vector_load_idx %arg6[%get3A_170] : memref<10240xf32, #tpu.memory_space<vmem>>[vector<16xi32>], vector<16xf32>,
      %mul3A_179 = arith.mulf %mul3A_177, %gather3A_178 : vector<16xf32>
      %swap3A_180 = arith.constant 96 : index
      %swap3A_181 = tpu.vector_load %arg7[%swap3A_180] {strides = array<i32>} : memref<128xf32, #tpu.memory_space<vmem>>, vector<16xf32>,
      tpu.vector_store %arg7[%swap3A_180], %mul3A_179 {strides = array<i32>} : memref<128xf32, #tpu.memory_space<vmem>>, vector<16xf32>,
      %get3A_182 = arith.constant 0 : i32
      %get3A_183 = arith.index_cast %get3A_182 : i32 to index
      %get3A_184 = arith.constant 112 : index
      %get3A_185 = tpu.vector_load %arg8[%get3A_183, %get3A_184] {strides = array<i32>} : memref<3x128xi32, #tpu.memory_space<vmem>>, vector<16xi32>,
      %get3A_186 = arith.constant 1 : i32
      %get3A_187 = arith.index_cast %get3A_186 : i32 to index
      %get3A_188 = arith.constant 112 : index
      %get3A_189 = tpu.vector_load %arg8[%get3A_187, %get3A_188] {strides = array<i32>} : memref<3x128xi32, #tpu.memory_space<vmem>>, vector<16xi32>,
      %get3A_190 = arith.constant 2 : i32
      %get3A_191 = arith.index_cast %get3A_190 : i32 to index
      %get3A_192 = arith.constant 112 : index
      %get3A_193 = tpu.vector_load %arg8[%get3A_191, %get3A_192] {strides = array<i32>} : memref<3x128xi32, #tpu.memory_space<vmem>>, vector<16xi32>,
      %bitcast3A_194 = vector.bitcast %get3A_193 : vector<16xi32> to vector<16xf32>
      %gather3A_195 = tpu.vector_load_idx %arg6[%get3A_185] : memref<10240xf32, #tpu.memory_space<vmem>>[vector<16xi32>], vector<16xf32>,
      %mul3A_196 = arith.mulf %gather3A_195, %bitcast3A_194 : vector<16xf32>
      %gather3A_197 = tpu.vector_load_idx %arg6[%get3A_189] : memref<10240xf32, #tpu.memory_space<vmem>>[vector<16xi32>], vector<16xf32>,
      %mul3A_198 = arith.mulf %mul3A_196, %gather3A_197 : vector<16xf32>
      %swap3A_199 = arith.constant 112 : index
      %swap3A_200 = tpu.vector_load %arg7[%swap3A_199] {strides = array<i32>} : memref<128xf32, #tpu.memory_space<vmem>>, vector<16xf32>,
      tpu.vector_store %arg7[%swap3A_199], %mul3A_198 {strides = array<i32>} : memref<128xf32, #tpu.memory_space<vmem>>, vector<16xf32>,
      %scan3A_201 = arith.constant 0 : i32
      %scan3A_202 = arith.constant 0 : i32
      %scan3A_203 = arith.constant 32 : i32
      %scan3A_204 = arith.addi %scan3A_202, %scan3A_203 : i32
      %scan3A_205 = arith.constant 1 : i32
      %scan3A_206 = scf.for %scan3A_209 = %scan3A_202 to %scan3A_204 step %scan3A_205 iter_args(%scan3A_210 = %scan3A_201) -> (i32)  : i32 {
        %mul3A_211 = arith.constant 4 : i32
        %mul3A_212 = arith.muli %scan3A_209, %mul3A_211 : i32
        %add3A_213 = arith.constant 0 : i32
        %add3A_214 = arith.addi %mul3A_212, %add3A_213 : i32
        %broadcast_in_dim3A = vector.broadcast %add3A_214 : i32 to vector<16xi32>
        %gather3A_215 = tpu.vector_load_idx %arg7[%broadcast_in_dim3A] : memref<128xf32, #tpu.memory_space<vmem>>[vector<16xi32>], vector<16xf32>,
        %get3A_216 = arith.index_cast %add3A_214 : i32 to index
        %get3A_217 = arith.constant 0 : index
        %get3A_218 = tpu.vector_load %arg9[%get3A_216, %get3A_217] {strides = array<i32>} : memref<128x128xf32, #tpu.memory_space<vmem>>, vector<16xf32>,
        %mul3A_219 = arith.mulf %get3A_218, %gather3A_215 : vector<16xf32>
        %swap3A_220 = arith.index_cast %add3A_214 : i32 to index
        %swap3A_221 = arith.constant 0 : index
        %swap3A_222 = tpu.vector_load %arg9[%swap3A_220, %swap3A_221] {strides = array<i32>} : memref<128x128xf32, #tpu.memory_space<vmem>>, vector<16xf32>,
        tpu.vector_store %arg9[%swap3A_220, %swap3A_221], %mul3A_219 {strides = array<i32>} : memref<128x128xf32, #tpu.memory_space<vmem>>, vector<16xf32>,
        %get3A_223 = arith.index_cast %add3A_214 : i32 to index
        %get3A_224 = arith.constant 16 : index
        %get3A_225 = tpu.vector_load %arg9[%get3A_223, %get3A_224] {strides = array<i32>} : memref<128x128xf32, #tpu.memory_space<vmem>>, vector<16xf32>,
        %mul3A_226 = arith.mulf %get3A_225, %gather3A_215 : vector<16xf32>
        %swap3A_227 = arith.index_cast %add3A_214 : i32 to index
        %swap3A_228 = arith.constant 16 : index
        %swap3A_229 = tpu.vector_load %arg9[%swap3A_227, %swap3A_228] {strides = array<i32>} : memref<128x128xf32, #tpu.memory_space<vmem>>, vector<16xf32>,
        tpu.vector_store %arg9[%swap3A_227, %swap3A_228], %mul3A_226 {strides = array<i32>} : memref<128x128xf32, #tpu.memory_space<vmem>>, vector<16xf32>,
        %get3A_230 = arith.index_cast %add3A_214 : i32 to index
        %get3A_231 = arith.constant 32 : index
        %get3A_232 = tpu.vector_load %arg9[%get3A_230, %get3A_231] {strides = array<i32>} : memref<128x128xf32, #tpu.memory_space<vmem>>, vector<16xf32>,
        %mul3A_233 = arith.mulf %get3A_232, %gather3A_215 : vector<16xf32>
        %swap3A_234 = arith.index_cast %add3A_214 : i32 to index
        %swap3A_235 = arith.constant 32 : index
        %swap3A_236 = tpu.vector_load %arg9[%swap3A_234, %swap3A_235] {strides = array<i32>} : memref<128x128xf32, #tpu.memory_space<vmem>>, vector<16xf32>,
        tpu.vector_store %arg9[%swap3A_234, %swap3A_235], %mul3A_233 {strides = array<i32>} : memref<128x128xf32, #tpu.memory_space<vmem>>, vector<16xf32>,
        %get3A_237 = arith.index_cast %add3A_214 : i32 to index
        %get3A_238 = arith.constant 48 : index
        %get3A_239 = tpu.vector_load %arg9[%get3A_237, %get3A_238] {strides = array<i32>} : memref<128x128xf32, #tpu.memory_space<vmem>>, vector<16xf32>,
        %mul3A_240 = arith.mulf %get3A_239, %gather3A_215 : vector<16xf32>
        %swap3A_241 = arith.index_cast %add3A_214 : i32 to index
        %swap3A_242 = arith.constant 48 : index
        %swap3A_243 = tpu.vector_load %arg9[%swap3A_241, %swap3A_242] {strides = array<i32>} : memref<128x128xf32, #tpu.memory_space<vmem>>, vector<16xf32>,
        tpu.vector_store %arg9[%swap3A_241, %swap3A_242], %mul3A_240 {strides = array<i32>} : memref<128x128xf32, #tpu.memory_space<vmem>>, vector<16xf32>,
        %get3A_244 = arith.index_cast %add3A_214 : i32 to index
        %get3A_245 = arith.constant 64 : index
        %get3A_246 = tpu.vector_load %arg9[%get3A_244, %get3A_245] {strides = array<i32>} : memref<128x128xf32, #tpu.memory_space<vmem>>, vector<16xf32>,
        %mul3A_247 = arith.mulf %get3A_246, %gather3A_215 : vector<16xf32>
        %swap3A_248 = arith.index_cast %add3A_214 : i32 to index
        %swap3A_249 = arith.constant 64 : index
        %swap3A_250 = tpu.vector_load %arg9[%swap3A_248, %swap3A_249] {strides = array<i32>} : memref<128x128xf32, #tpu.memory_space<vmem>>, vector<16xf32>,
        tpu.vector_store %arg9[%swap3A_248, %swap3A_249], %mul3A_247 {strides = array<i32>} : memref<128x128xf32, #tpu.memory_space<vmem>>, vector<16xf32>,
        %get3A_251 = arith.index_cast %add3A_214 : i32 to index
        %get3A_252 = arith.constant 80 : index
        %get3A_253 = tpu.vector_load %arg9[%get3A_251, %get3A_252] {strides = array<i32>} : memref<128x128xf32, #tpu.memory_space<vmem>>, vector<16xf32>,
        %mul3A_254 = arith.mulf %get3A_253, %gather3A_215 : vector<16xf32>
        %swap3A_255 = arith.index_cast %add3A_214 : i32 to index
        %swap3A_256 = arith.constant 80 : index
        %swap3A_257 = tpu.vector_load %arg9[%swap3A_255, %swap3A_256] {strides = array<i32>} : memref<128x128xf32, #tpu.memory_space<vmem>>, vector<16xf32>,
        tpu.vector_store %arg9[%swap3A_255, %swap3A_256], %mul3A_254 {strides = array<i32>} : memref<128x128xf32, #tpu.memory_space<vmem>>, vector<16xf32>,
        %get3A_258 = arith.index_cast %add3A_214 : i32 to index
        %get3A_259 = arith.constant 96 : index
        %get3A_260 = tpu.vector_load %arg9[%get3A_258, %get3A_259] {strides = array<i32>} : memref<128x128xf32, #tpu.memory_space<vmem>>, vector<16xf32>,
        %mul3A_261 = arith.mulf %get3A_260, %gather3A_215 : vector<16xf32>
        %swap3A_262 = arith.index_cast %add3A_214 : i32 to index
        %swap3A_263 = arith.constant 96 : index
        %swap3A_264 = tpu.vector_load %arg9[%swap3A_262, %swap3A_263] {strides = array<i32>} : memref<128x128xf32, #tpu.memory_space<vmem>>, vector<16xf32>,
        tpu.vector_store %arg9[%swap3A_262, %swap3A_263], %mul3A_261 {strides = array<i32>} : memref<128x128xf32, #tpu.memory_space<vmem>>, vector<16xf32>,
        %get3A_265 = arith.index_cast %add3A_214 : i32 to index
        %get3A_266 = arith.constant 112 : index
        %get3A_267 = tpu.vector_load %arg9[%get3A_265, %get3A_266] {strides = array<i32>} : memref<128x128xf32, #tpu.memory_space<vmem>>, vector<16xf32>,
        %mul3A_268 = arith.mulf %get3A_267, %gather3A_215 : vector<16xf32>
        %swap3A_269 = arith.index_cast %add3A_214 : i32 to index
        %swap3A_270 = arith.constant 112 : index
        %swap3A_271 = tpu.vector_load %arg9[%swap3A_269, %swap3A_270] {strides = array<i32>} : memref<128x128xf32, #tpu.memory_space<vmem>>, vector<16xf32>,
        tpu.vector_store %arg9[%swap3A_269, %swap3A_270], %mul3A_268 {strides = array<i32>} : memref<128x128xf32, #tpu.memory_space<vmem>>, vector<16xf32>,
        %mul3A_272 = arith.constant 4 : i32
        %mul3A_273 = arith.muli %scan3A_209, %mul3A_272 : i32
        %add3A_274 = arith.constant 1 : i32
        %add3A_275 = arith.addi %mul3A_273, %add3A_274 : i32
        %broadcast_in_dim3A_276 = vector.broadcast %add3A_275 : i32 to vector<16xi32>
        %gather3A_277 = tpu.vector_load_idx %arg7[%broadcast_in_dim3A_276] : memref<128xf32, #tpu.memory_space<vmem>>[vector<16xi32>], vector<16xf32>,
        %get3A_278 = arith.index_cast %add3A_275 : i32 to index
        %get3A_279 = arith.constant 0 : index
        %get3A_280 = tpu.vector_load %arg9[%get3A_278, %get3A_279] {strides = array<i32>} : memref<128x128xf32, #tpu.memory_space<vmem>>, vector<16xf32>,
        %mul3A_281 = arith.mulf %get3A_280, %gather3A_277 : vector<16xf32>
        %swap3A_282 = arith.index_cast %add3A_275 : i32 to index
        %swap3A_283 = arith.constant 0 : index
        %swap3A_284 = tpu.vector_load %arg9[%swap3A_282, %swap3A_283] {strides = array<i32>} : memref<128x128xf32, #tpu.memory_space<vmem>>, vector<16xf32>,
        tpu.vector_store %arg9[%swap3A_282, %swap3A_283], %mul3A_281 {strides = array<i32>} : memref<128x128xf32, #tpu.memory_space<vmem>>, vector<16xf32>,
        %get3A_285 = arith.index_cast %add3A_275 : i32 to index
        %get3A_286 = arith.constant 16 : index
        %get3A_287 = tpu.vector_load %arg9[%get3A_285, %get3A_286] {strides = array<i32>} : memref<128x128xf32, #tpu.memory_space<vmem>>, vector<16xf32>,
        %mul3A_288 = arith.mulf %get3A_287, %gather3A_277 : vector<16xf32>
        %swap3A_289 = arith.index_cast %add3A_275 : i32 to index
        %swap3A_290 = arith.constant 16 : index
        %swap3A_291 = tpu.vector_load %arg9[%swap3A_289, %swap3A_290] {strides = array<i32>} : memref<128x128xf32, #tpu.memory_space<vmem>>, vector<16xf32>,
        tpu.vector_store %arg9[%swap3A_289, %swap3A_290], %mul3A_288 {strides = array<i32>} : memref<128x128xf32, #tpu.memory_space<vmem>>, vector<16xf32>,
        %get3A_292 = arith.index_cast %add3A_275 : i32 to index
        %get3A_293 = arith.constant 32 : index
        %get3A_294 = tpu.vector_load %arg9[%get3A_292, %get3A_293] {strides = array<i32>} : memref<128x128xf32, #tpu.memory_space<vmem>>, vector<16xf32>,
        %mul3A_295 = arith.mulf %get3A_294, %gather3A_277 : vector<16xf32>
        %swap3A_296 = arith.index_cast %add3A_275 : i32 to index
        %swap3A_297 = arith.constant 32 : index
        %swap3A_298 = tpu.vector_load %arg9[%swap3A_296, %swap3A_297] {strides = array<i32>} : memref<128x128xf32, #tpu.memory_space<vmem>>, vector<16xf32>,
        tpu.vector_store %arg9[%swap3A_296, %swap3A_297], %mul3A_295 {strides = array<i32>} : memref<128x128xf32, #tpu.memory_space<vmem>>, vector<16xf32>,
        %get3A_299 = arith.index_cast %add3A_275 : i32 to index
        %get3A_300 = arith.constant 48 : index
        %get3A_301 = tpu.vector_load %arg9[%get3A_299, %get3A_300] {strides = array<i32>} : memref<128x128xf32, #tpu.memory_space<vmem>>, vector<16xf32>,
        %mul3A_302 = arith.mulf %get3A_301, %gather3A_277 : vector<16xf32>
        %swap3A_303 = arith.index_cast %add3A_275 : i32 to index
        %swap3A_304 = arith.constant 48 : index
        %swap3A_305 = tpu.vector_load %arg9[%swap3A_303, %swap3A_304] {strides = array<i32>} : memref<128x128xf32, #tpu.memory_space<vmem>>, vector<16xf32>,
        tpu.vector_store %arg9[%swap3A_303, %swap3A_304], %mul3A_302 {strides = array<i32>} : memref<128x128xf32, #tpu.memory_space<vmem>>, vector<16xf32>,
        %get3A_306 = arith.index_cast %add3A_275 : i32 to index
        %get3A_307 = arith.constant 64 : index
        %get3A_308 = tpu.vector_load %arg9[%get3A_306, %get3A_307] {strides = array<i32>} : memref<128x128xf32, #tpu.memory_space<vmem>>, vector<16xf32>,
        %mul3A_309 = arith.mulf %get3A_308, %gather3A_277 : vector<16xf32>
        %swap3A_310 = arith.index_cast %add3A_275 : i32 to index
        %swap3A_311 = arith.constant 64 : index
        %swap3A_312 = tpu.vector_load %arg9[%swap3A_310, %swap3A_311] {strides = array<i32>} : memref<128x128xf32, #tpu.memory_space<vmem>>, vector<16xf32>,
        tpu.vector_store %arg9[%swap3A_310, %swap3A_311], %mul3A_309 {strides = array<i32>} : memref<128x128xf32, #tpu.memory_space<vmem>>, vector<16xf32>,
        %get3A_313 = arith.index_cast %add3A_275 : i32 to index
        %get3A_314 = arith.constant 80 : index
        %get3A_315 = tpu.vector_load %arg9[%get3A_313, %get3A_314] {strides = array<i32>} : memref<128x128xf32, #tpu.memory_space<vmem>>, vector<16xf32>,
        %mul3A_316 = arith.mulf %get3A_315, %gather3A_277 : vector<16xf32>
        %swap3A_317 = arith.index_cast %add3A_275 : i32 to index
        %swap3A_318 = arith.constant 80 : index
        %swap3A_319 = tpu.vector_load %arg9[%swap3A_317, %swap3A_318] {strides = array<i32>} : memref<128x128xf32, #tpu.memory_space<vmem>>, vector<16xf32>,
        tpu.vector_store %arg9[%swap3A_317, %swap3A_318], %mul3A_316 {strides = array<i32>} : memref<128x128xf32, #tpu.memory_space<vmem>>, vector<16xf32>,
        %get3A_320 = arith.index_cast %add3A_275 : i32 to index
        %get3A_321 = arith.constant 96 : index
        %get3A_322 = tpu.vector_load %arg9[%get3A_320, %get3A_321] {strides = array<i32>} : memref<128x128xf32, #tpu.memory_space<vmem>>, vector<16xf32>,
        %mul3A_323 = arith.mulf %get3A_322, %gather3A_277 : vector<16xf32>
        %swap3A_324 = arith.index_cast %add3A_275 : i32 to index
        %swap3A_325 = arith.constant 96 : index
        %swap3A_326 = tpu.vector_load %arg9[%swap3A_324, %swap3A_325] {strides = array<i32>} : memref<128x128xf32, #tpu.memory_space<vmem>>, vector<16xf32>,
        tpu.vector_store %arg9[%swap3A_324, %swap3A_325], %mul3A_323 {strides = array<i32>} : memref<128x128xf32, #tpu.memory_space<vmem>>, vector<16xf32>,
        %get3A_327 = arith.index_cast %add3A_275 : i32 to index
        %get3A_328 = arith.constant 112 : index
        %get3A_329 = tpu.vector_load %arg9[%get3A_327, %get3A_328] {strides = array<i32>} : memref<128x128xf32, #tpu.memory_space<vmem>>, vector<16xf32>,
        %mul3A_330 = arith.mulf %get3A_329, %gather3A_277 : vector<16xf32>
        %swap3A_331 = arith.index_cast %add3A_275 : i32 to index
        %swap3A_332 = arith.constant 112 : index
        %swap3A_333 = tpu.vector_load %arg9[%swap3A_331, %swap3A_332] {strides = array<i32>} : memref<128x128xf32, #tpu.memory_space<vmem>>, vector<16xf32>,
        tpu.vector_store %arg9[%swap3A_331, %swap3A_332], %mul3A_330 {strides = array<i32>} : memref<128x128xf32, #tpu.memory_space<vmem>>, vector<16xf32>,
        %mul3A_334 = arith.constant 4 : i32
        %mul3A_335 = arith.muli %scan3A_209, %mul3A_334 : i32
        %add3A_336 = arith.constant 2 : i32
        %add3A_337 = arith.addi %mul3A_335, %add3A_336 : i32
        %broadcast_in_dim3A_338 = vector.broadcast %add3A_337 : i32 to vector<16xi32>
        %gather3A_339 = tpu.vector_load_idx %arg7[%broadcast_in_dim3A_338] : memref<128xf32, #tpu.memory_space<vmem>>[vector<16xi32>], vector<16xf32>,
        %get3A_340 = arith.index_cast %add3A_337 : i32 to index
        %get3A_341 = arith.constant 0 : index
        %get3A_342 = tpu.vector_load %arg9[%get3A_340, %get3A_341] {strides = array<i32>} : memref<128x128xf32, #tpu.memory_space<vmem>>, vector<16xf32>,
        %mul3A_343 = arith.mulf %get3A_342, %gather3A_339 : vector<16xf32>
        %swap3A_344 = arith.index_cast %add3A_337 : i32 to index
        %swap3A_345 = arith.constant 0 : index
        %swap3A_346 = tpu.vector_load %arg9[%swap3A_344, %swap3A_345] {strides = array<i32>} : memref<128x128xf32, #tpu.memory_space<vmem>>, vector<16xf32>,
        tpu.vector_store %arg9[%swap3A_344, %swap3A_345], %mul3A_343 {strides = array<i32>} : memref<128x128xf32, #tpu.memory_space<vmem>>, vector<16xf32>,
        %get3A_347 = arith.index_cast %add3A_337 : i32 to index
        %get3A_348 = arith.constant 16 : index
        %get3A_349 = tpu.vector_load %arg9[%get3A_347, %get3A_348] {strides = array<i32>} : memref<128x128xf32, #tpu.memory_space<vmem>>, vector<16xf32>,
        %mul3A_350 = arith.mulf %get3A_349, %gather3A_339 : vector<16xf32>
        %swap3A_351 = arith.index_cast %add3A_337 : i32 to index
        %swap3A_352 = arith.constant 16 : index
        %swap3A_353 = tpu.vector_load %arg9[%swap3A_351, %swap3A_352] {strides = array<i32>} : memref<128x128xf32, #tpu.memory_space<vmem>>, vector<16xf32>,
        tpu.vector_store %arg9[%swap3A_351, %swap3A_352], %mul3A_350 {strides = array<i32>} : memref<128x128xf32, #tpu.memory_space<vmem>>, vector<16xf32>,
        %get3A_354 = arith.index_cast %add3A_337 : i32 to index
        %get3A_355 = arith.constant 32 : index
        %get3A_356 = tpu.vector_load %arg9[%get3A_354, %get3A_355] {strides = array<i32>} : memref<128x128xf32, #tpu.memory_space<vmem>>, vector<16xf32>,
        %mul3A_357 = arith.mulf %get3A_356, %gather3A_339 : vector<16xf32>
        %swap3A_358 = arith.index_cast %add3A_337 : i32 to index
        %swap3A_359 = arith.constant 32 : index
        %swap3A_360 = tpu.vector_load %arg9[%swap3A_358, %swap3A_359] {strides = array<i32>} : memref<128x128xf32, #tpu.memory_space<vmem>>, vector<16xf32>,
        tpu.vector_store %arg9[%swap3A_358, %swap3A_359], %mul3A_357 {strides = array<i32>} : memref<128x128xf32, #tpu.memory_space<vmem>>, vector<16xf32>,
        %get3A_361 = arith.index_cast %add3A_337 : i32 to index
        %get3A_362 = arith.constant 48 : index
        %get3A_363 = tpu.vector_load %arg9[%get3A_361, %get3A_362] {strides = array<i32>} : memref<128x128xf32, #tpu.memory_space<vmem>>, vector<16xf32>,
        %mul3A_364 = arith.mulf %get3A_363, %gather3A_339 : vector<16xf32>
        %swap3A_365 = arith.index_cast %add3A_337 : i32 to index
        %swap3A_366 = arith.constant 48 : index
        %swap3A_367 = tpu.vector_load %arg9[%swap3A_365, %swap3A_366] {strides = array<i32>} : memref<128x128xf32, #tpu.memory_space<vmem>>, vector<16xf32>,
        tpu.vector_store %arg9[%swap3A_365, %swap3A_366], %mul3A_364 {strides = array<i32>} : memref<128x128xf32, #tpu.memory_space<vmem>>, vector<16xf32>,
        %get3A_368 = arith.index_cast %add3A_337 : i32 to index
        %get3A_369 = arith.constant 64 : index
        %get3A_370 = tpu.vector_load %arg9[%get3A_368, %get3A_369] {strides = array<i32>} : memref<128x128xf32, #tpu.memory_space<vmem>>, vector<16xf32>,
        %mul3A_371 = arith.mulf %get3A_370, %gather3A_339 : vector<16xf32>
        %swap3A_372 = arith.index_cast %add3A_337 : i32 to index
        %swap3A_373 = arith.constant 64 : index
        %swap3A_374 = tpu.vector_load %arg9[%swap3A_372, %swap3A_373] {strides = array<i32>} : memref<128x128xf32, #tpu.memory_space<vmem>>, vector<16xf32>,
        tpu.vector_store %arg9[%swap3A_372, %swap3A_373], %mul3A_371 {strides = array<i32>} : memref<128x128xf32, #tpu.memory_space<vmem>>, vector<16xf32>,
        %get3A_375 = arith.index_cast %add3A_337 : i32 to index
        %get3A_376 = arith.constant 80 : index
        %get3A_377 = tpu.vector_load %arg9[%get3A_375, %get3A_376] {strides = array<i32>} : memref<128x128xf32, #tpu.memory_space<vmem>>, vector<16xf32>,
        %mul3A_378 = arith.mulf %get3A_377, %gather3A_339 : vector<16xf32>
        %swap3A_379 = arith.index_cast %add3A_337 : i32 to index
        %swap3A_380 = arith.constant 80 : index
        %swap3A_381 = tpu.vector_load %arg9[%swap3A_379, %swap3A_380] {strides = array<i32>} : memref<128x128xf32, #tpu.memory_space<vmem>>, vector<16xf32>,
        tpu.vector_store %arg9[%swap3A_379, %swap3A_380], %mul3A_378 {strides = array<i32>} : memref<128x128xf32, #tpu.memory_space<vmem>>, vector<16xf32>,
        %get3A_382 = arith.index_cast %add3A_337 : i32 to index
        %get3A_383 = arith.constant 96 : index
        %get3A_384 = tpu.vector_load %arg9[%get3A_382, %get3A_383] {strides = array<i32>} : memref<128x128xf32, #tpu.memory_space<vmem>>, vector<16xf32>,
        %mul3A_385 = arith.mulf %get3A_384, %gather3A_339 : vector<16xf32>
        %swap3A_386 = arith.index_cast %add3A_337 : i32 to index
        %swap3A_387 = arith.constant 96 : index
        %swap3A_388 = tpu.vector_load %arg9[%swap3A_386, %swap3A_387] {strides = array<i32>} : memref<128x128xf32, #tpu.memory_space<vmem>>, vector<16xf32>,
        tpu.vector_store %arg9[%swap3A_386, %swap3A_387], %mul3A_385 {strides = array<i32>} : memref<128x128xf32, #tpu.memory_space<vmem>>, vector<16xf32>,
        %get3A_389 = arith.index_cast %add3A_337 : i32 to index
        %get3A_390 = arith.constant 112 : index
        %get3A_391 = tpu.vector_load %arg9[%get3A_389, %get3A_390] {strides = array<i32>} : memref<128x128xf32, #tpu.memory_space<vmem>>, vector<16xf32>,
        %mul3A_392 = arith.mulf %get3A_391, %gather3A_339 : vector<16xf32>
        %swap3A_393 = arith.index_cast %add3A_337 : i32 to index
        %swap3A_394 = arith.constant 112 : index
        %swap3A_395 = tpu.vector_load %arg9[%swap3A_393, %swap3A_394] {strides = array<i32>} : memref<128x128xf32, #tpu.memory_space<vmem>>, vector<16xf32>,
        tpu.vector_store %arg9[%swap3A_393, %swap3A_394], %mul3A_392 {strides = array<i32>} : memref<128x128xf32, #tpu.memory_space<vmem>>, vector<16xf32>,
        %mul3A_396 = arith.constant 4 : i32
        %mul3A_397 = arith.muli %scan3A_209, %mul3A_396 : i32
        %add3A_398 = arith.constant 3 : i32
        %add3A_399 = arith.addi %mul3A_397, %add3A_398 : i32
        %broadcast_in_dim3A_400 = vector.broadcast %add3A_399 : i32 to vector<16xi32>
        %gather3A_401 = tpu.vector_load_idx %arg7[%broadcast_in_dim3A_400] : memref<128xf32, #tpu.memory_space<vmem>>[vector<16xi32>], vector<16xf32>,
        %get3A_402 = arith.index_cast %add3A_399 : i32 to index
        %get3A_403 = arith.constant 0 : index
        %get3A_404 = tpu.vector_load %arg9[%get3A_402, %get3A_403] {strides = array<i32>} : memref<128x128xf32, #tpu.memory_space<vmem>>, vector<16xf32>,
        %mul3A_405 = arith.mulf %get3A_404, %gather3A_401 : vector<16xf32>
        %swap3A_406 = arith.index_cast %add3A_399 : i32 to index
        %swap3A_407 = arith.constant 0 : index
        %swap3A_408 = tpu.vector_load %arg9[%swap3A_406, %swap3A_407] {strides = array<i32>} : memref<128x128xf32, #tpu.memory_space<vmem>>, vector<16xf32>,
        tpu.vector_store %arg9[%swap3A_406, %swap3A_407], %mul3A_405 {strides = array<i32>} : memref<128x128xf32, #tpu.memory_space<vmem>>, vector<16xf32>,
        %get3A_409 = arith.index_cast %add3A_399 : i32 to index
        %get3A_410 = arith.constant 16 : index
        %get3A_411 = tpu.vector_load %arg9[%get3A_409, %get3A_410] {strides = array<i32>} : memref<128x128xf32, #tpu.memory_space<vmem>>, vector<16xf32>,
        %mul3A_412 = arith.mulf %get3A_411, %gather3A_401 : vector<16xf32>
        %swap3A_413 = arith.index_cast %add3A_399 : i32 to index
        %swap3A_414 = arith.constant 16 : index
        %swap3A_415 = tpu.vector_load %arg9[%swap3A_413, %swap3A_414] {strides = array<i32>} : memref<128x128xf32, #tpu.memory_space<vmem>>, vector<16xf32>,
        tpu.vector_store %arg9[%swap3A_413, %swap3A_414], %mul3A_412 {strides = array<i32>} : memref<128x128xf32, #tpu.memory_space<vmem>>, vector<16xf32>,
        %get3A_416 = arith.index_cast %add3A_399 : i32 to index
        %get3A_417 = arith.constant 32 : index
        %get3A_418 = tpu.vector_load %arg9[%get3A_416, %get3A_417] {strides = array<i32>} : memref<128x128xf32, #tpu.memory_space<vmem>>, vector<16xf32>,
        %mul3A_419 = arith.mulf %get3A_418, %gather3A_401 : vector<16xf32>
        %swap3A_420 = arith.index_cast %add3A_399 : i32 to index
        %swap3A_421 = arith.constant 32 : index
        %swap3A_422 = tpu.vector_load %arg9[%swap3A_420, %swap3A_421] {strides = array<i32>} : memref<128x128xf32, #tpu.memory_space<vmem>>, vector<16xf32>,
        tpu.vector_store %arg9[%swap3A_420, %swap3A_421], %mul3A_419 {strides = array<i32>} : memref<128x128xf32, #tpu.memory_space<vmem>>, vector<16xf32>,
        %get3A_423 = arith.index_cast %add3A_399 : i32 to index
        %get3A_424 = arith.constant 48 : index
        %get3A_425 = tpu.vector_load %arg9[%get3A_423, %get3A_424] {strides = array<i32>} : memref<128x128xf32, #tpu.memory_space<vmem>>, vector<16xf32>,
        %mul3A_426 = arith.mulf %get3A_425, %gather3A_401 : vector<16xf32>
        %swap3A_427 = arith.index_cast %add3A_399 : i32 to index
        %swap3A_428 = arith.constant 48 : index
        %swap3A_429 = tpu.vector_load %arg9[%swap3A_427, %swap3A_428] {strides = array<i32>} : memref<128x128xf32, #tpu.memory_space<vmem>>, vector<16xf32>,
        tpu.vector_store %arg9[%swap3A_427, %swap3A_428], %mul3A_426 {strides = array<i32>} : memref<128x128xf32, #tpu.memory_space<vmem>>, vector<16xf32>,
        %get3A_430 = arith.index_cast %add3A_399 : i32 to index
        %get3A_431 = arith.constant 64 : index
        %get3A_432 = tpu.vector_load %arg9[%get3A_430, %get3A_431] {strides = array<i32>} : memref<128x128xf32, #tpu.memory_space<vmem>>, vector<16xf32>,
        %mul3A_433 = arith.mulf %get3A_432, %gather3A_401 : vector<16xf32>
        %swap3A_434 = arith.index_cast %add3A_399 : i32 to index
        %swap3A_435 = arith.constant 64 : index
        %swap3A_436 = tpu.vector_load %arg9[%swap3A_434, %swap3A_435] {strides = array<i32>} : memref<128x128xf32, #tpu.memory_space<vmem>>, vector<16xf32>,
        tpu.vector_store %arg9[%swap3A_434, %swap3A_435], %mul3A_433 {strides = array<i32>} : memref<128x128xf32, #tpu.memory_space<vmem>>, vector<16xf32>,
        %get3A_437 = arith.index_cast %add3A_399 : i32 to index
        %get3A_438 = arith.constant 80 : index
        %get3A_439 = tpu.vector_load %arg9[%get3A_437, %get3A_438] {strides = array<i32>} : memref<128x128xf32, #tpu.memory_space<vmem>>, vector<16xf32>,
        %mul3A_440 = arith.mulf %get3A_439, %gather3A_401 : vector<16xf32>
        %swap3A_441 = arith.index_cast %add3A_399 : i32 to index
        %swap3A_442 = arith.constant 80 : index
        %swap3A_443 = tpu.vector_load %arg9[%swap3A_441, %swap3A_442] {strides = array<i32>} : memref<128x128xf32, #tpu.memory_space<vmem>>, vector<16xf32>,
        tpu.vector_store %arg9[%swap3A_441, %swap3A_442], %mul3A_440 {strides = array<i32>} : memref<128x128xf32, #tpu.memory_space<vmem>>, vector<16xf32>,
        %get3A_444 = arith.index_cast %add3A_399 : i32 to index
        %get3A_445 = arith.constant 96 : index
        %get3A_446 = tpu.vector_load %arg9[%get3A_444, %get3A_445] {strides = array<i32>} : memref<128x128xf32, #tpu.memory_space<vmem>>, vector<16xf32>,
        %mul3A_447 = arith.mulf %get3A_446, %gather3A_401 : vector<16xf32>
        %swap3A_448 = arith.index_cast %add3A_399 : i32 to index
        %swap3A_449 = arith.constant 96 : index
        %swap3A_450 = tpu.vector_load %arg9[%swap3A_448, %swap3A_449] {strides = array<i32>} : memref<128x128xf32, #tpu.memory_space<vmem>>, vector<16xf32>,
        tpu.vector_store %arg9[%swap3A_448, %swap3A_449], %mul3A_447 {strides = array<i32>} : memref<128x128xf32, #tpu.memory_space<vmem>>, vector<16xf32>,
        %get3A_451 = arith.index_cast %add3A_399 : i32 to index
        %get3A_452 = arith.constant 112 : index
        %get3A_453 = tpu.vector_load %arg9[%get3A_451, %get3A_452] {strides = array<i32>} : memref<128x128xf32, #tpu.memory_space<vmem>>, vector<16xf32>,
        %mul3A_454 = arith.mulf %get3A_453, %gather3A_401 : vector<16xf32>
        %swap3A_455 = arith.index_cast %add3A_399 : i32 to index
        %swap3A_456 = arith.constant 112 : index
        %swap3A_457 = tpu.vector_load %arg9[%swap3A_455, %swap3A_456] {strides = array<i32>} : memref<128x128xf32, #tpu.memory_space<vmem>>, vector<16xf32>,
        tpu.vector_store %arg9[%swap3A_455, %swap3A_456], %mul3A_454 {strides = array<i32>} : memref<128x128xf32, #tpu.memory_space<vmem>>, vector<16xf32>,
        %scan3A_458 = arith.constant 0 : i32
        scf.yield %scan3A_458 : i32
      }
      %scan3A_207 = arith.constant 32 : i32
      %run_scoped3A = arith.constant 1 : i32
      "tpu.region"() ({
        %run_scoped3A_209 = tpu.sem_alloc : memref<!tpu.dma_semaphore, #tpu.memory_space<semaphore_mem>>
        %dma_start3A_210 = arith.constant 0 : i32
        %dma_start3A_211 = tpu.memref_slice %arg8[%run_scoped3A, %dma_start3A_210] : memref<3x128xi32, #tpu.memory_space<vmem>> -> memref<1x128xi32, #tpu.memory_space<vmem>>
        %dma_start3A_212 = tpu.memref_squeeze %dma_start3A_211 : memref<1x128xi32, #tpu.memory_space<vmem>> -> memref<128xi32, #tpu.memory_space<vmem>>
        %dma_start3A_213 = arith.constant 0 : i32
        %dma_start3A_214 = arith.constant 0 : i32
        %dma_start3A_215 = tpu.memref_slice %arg10[%dma_start3A_213, %dma_start3A_214] : memref<10240x128xf32, #tpu.memory_space<vmem_shared>> -> memref<10240x128xf32, #tpu.memory_space<vmem_shared>>
        tpu.enqueue_indirect_dma source(%arg9 : memref<128x128xf32, #tpu.memory_space<vmem>>) target(%dma_start3A_215 : memref<10240x128xf32, #tpu.memory_space<vmem_shared>>) offsets(%dma_start3A_212 : memref<128xi32, #tpu.memory_space<vmem>>) semaphore(%run_scoped3A_209 : memref<!tpu.dma_semaphore, #tpu.memory_space<semaphore_mem>>) {add = true}
        %dma_wait3A_216 = arith.constant 0 : i32
        %dma_wait3A_217 = tpu.memref_slice %arg8[%run_scoped3A, %dma_wait3A_216] : memref<3x128xi32, #tpu.memory_space<vmem>> -> memref<1x128xi32, #tpu.memory_space<vmem>>
        %dma_wait3A_218 = tpu.memref_squeeze %dma_wait3A_217 : memref<1x128xi32, #tpu.memory_space<vmem>> -> memref<128xi32, #tpu.memory_space<vmem>>
        %dma_wait3A_219 = arith.constant 0 : i32
        %dma_wait3A_220 = arith.constant 0 : i32
        %dma_wait3A_221 = tpu.memref_slice %arg10[%dma_wait3A_219, %dma_wait3A_220] : memref<10240x128xf32, #tpu.memory_space<vmem_shared>> -> memref<10240x128xf32, #tpu.memory_space<vmem_shared>>
        tpu.wait_indirect_dma semaphore(%run_scoped3A_209 : memref<!tpu.dma_semaphore, #tpu.memory_space<semaphore_mem>>) src(%arg9 : memref<128x128xf32, #tpu.memory_space<vmem>>) dst(%dma_wait3A_221 : memref<10240x128xf32, #tpu.memory_space<vmem_shared>>)
        tpu.yield
      }) : () -> ()
      %scan3A_208 = arith.constant 0 : i32
      scf.yield %scan3A_208 : i32
    }
    %scan3A_33 = arith.constant 81 : i32
    %barrier3A_34 = arith.constant 0 : index
    tpu.barrier barrier_id(%barrier3A_34)
    %mul3A_35 = arith.constant 640 : i32
    %mul3A_36 = arith.muli %arg1, %mul3A_35 : i32
    %mul3A_37 = arith.constant 640 : i32
    %mul3A_38 = arith.muli %arg1, %mul3A_37 : i32
    "tpu.region"() ({
      %run_scoped3A = tpu.sem_alloc : memref<!tpu.dma_semaphore, #tpu.memory_space<semaphore_mem>>
      %dma_start3A = arith.constant 0 : i32
      %dma_start3A_39 = tpu.memref_slice %arg5[%arg0, %mul3A_38, %dma_start3A] : memref<2x10240x128xf32, #tpu.memory_space<hbm>> -> memref<1x640x128xf32, #tpu.memory_space<hbm>>
      %dma_start3A_40 = tpu.memref_squeeze %dma_start3A_39 : memref<1x640x128xf32, #tpu.memory_space<hbm>> -> memref<640x128xf32, #tpu.memory_space<hbm>>
      %dma_start3A_41 = arith.constant 0 : i32
      %dma_start3A_42 = tpu.memref_slice %arg10[%mul3A_36, %dma_start3A_41] : memref<10240x128xf32, #tpu.memory_space<vmem_shared>> -> memref<640x128xf32, #tpu.memory_space<vmem_shared>>
      tpu.enqueue_dma source(%dma_start3A_42 : memref<640x128xf32, #tpu.memory_space<vmem_shared>>) target(%dma_start3A_40 : memref<640x128xf32, #tpu.memory_space<hbm>>) target_semaphore(%run_scoped3A : memref<!tpu.dma_semaphore, #tpu.memory_space<semaphore_mem>>)
      %dma_wait3A = arith.constant 0 : i32
      %dma_wait3A_43 = tpu.memref_slice %arg5[%arg0, %mul3A_38, %dma_wait3A] : memref<2x10240x128xf32, #tpu.memory_space<hbm>> -> memref<1x640x128xf32, #tpu.memory_space<hbm>>
      %dma_wait3A_44 = tpu.memref_squeeze %dma_wait3A_43 : memref<1x640x128xf32, #tpu.memory_space<hbm>> -> memref<640x128xf32, #tpu.memory_space<hbm>>
      %dma_wait3A_45 = arith.constant 0 : i32
      %dma_wait3A_46 = tpu.memref_slice %arg10[%mul3A_36, %dma_wait3A_45] : memref<10240x128xf32, #tpu.memory_space<vmem_shared>> -> memref<640x128xf32, #tpu.memory_space<vmem_shared>>
      tpu.wait_dma2 semaphore(%run_scoped3A : memref<!tpu.dma_semaphore, #tpu.memory_space<semaphore_mem>>) src(%dma_wait3A_46 : memref<640x128xf32, #tpu.memory_space<vmem_shared>>) dst(%dma_wait3A_44 : memref<640x128xf32, #tpu.memory_space<hbm>>)
      tpu.yield
    }) : () -> ()
    return
  }
}

module attributes {stable_mosaic.version = 14 : i64} {
  func.func @_tc2_body(%arg0: memref<2x10240x128xf32, #tpu.memory_space<vmem>>, %arg1: memref<1x128xf32, #tpu.memory_space<vmem>>, %arg2: memref<128x128xf32, #tpu.memory_space<vmem>>, %arg3: memref<10000x128xf32, #tpu.memory_space<vmem>>) attributes {dimension_semantics = [], scalar_prefetch = 0 : i64, scratch_operands = 0 : i64, tpu.core_type = #tpu.core_type<tc>} {
    %get3A = arith.constant 0 : index
    %get3A_0 = arith.constant 0 : index
    %get3A_1 = arith.constant 0 : index
    %get3A_2 = vector.load %arg0[%get3A, %get3A_0, %get3A_1] : memref<2x10240x128xf32, #tpu.memory_space<vmem>>, vector<1x10000x128xf32>
    %get3A_3 = vector.shape_cast %get3A_2 : vector<1x10000x128xf32> to vector<10000x128xf32>
    %get3A_4 = arith.constant 1 : index
    %get3A_5 = arith.constant 0 : index
    %get3A_6 = arith.constant 0 : index
    %get3A_7 = vector.load %arg0[%get3A_4, %get3A_5, %get3A_6] : memref<2x10240x128xf32, #tpu.memory_space<vmem>>, vector<1x10000x128xf32>
    %get3A_8 = vector.shape_cast %get3A_7 : vector<1x10000x128xf32> to vector<10000x128xf32>
    %add3A = arith.addf %get3A_3, %get3A_8 : vector<10000x128xf32>
    %get3A_9 = arith.constant 0 : index
    %get3A_10 = arith.constant 0 : index
    %get3A_11 = vector.load %arg1[%get3A_9, %get3A_10] : memref<1x128xf32, #tpu.memory_space<vmem>>, vector<1x128xf32>
    %add3A_12 = vector.broadcast %get3A_11 : vector<1x128xf32> to vector<10000x128xf32>
    %add3A_13 = arith.addf %add3A, %add3A_12 : vector<10000x128xf32>
    %max3A = arith.constant 0.000000e+00 : f32
    %max3A_14 = vector.broadcast %max3A : f32 to vector<10000x128xf32>
    %max3A_15 = arith.maximumf %add3A_13, %max3A_14 : vector<10000x128xf32>
    %get3A_16 = arith.constant 0 : index
    %get3A_17 = arith.constant 0 : index
    %get3A_18 = vector.load %arg2[%get3A_16, %get3A_17] : memref<128x128xf32, #tpu.memory_space<vmem>>, vector<128x128xf32>
    %dot_general3A = arith.constant dense<0.000000e+00> : vector<10000x128xf32>
    %dot_general3A_19 = tpu.matmul %max3A_15, %get3A_18, %dot_general3A {dimension_numbers = #tpu.dot_dimension_numbers<[1], [0], [0], [1], [0, 0, 1, 1], [], []>, transpose_lhs_hint = false} : vector<10000x128xf32>, vector<128x128xf32>, vector<10000x128xf32> -> vector<10000x128xf32>
    %swap3A = arith.constant 0 : index
    %swap3A_20 = arith.constant 0 : index
    %swap3A_21 = vector.load %arg3[%swap3A, %swap3A_20] : memref<10000x128xf32, #tpu.memory_space<vmem>>, vector<10000x128xf32>
    tpu.vector_store %arg3[%swap3A, %swap3A_20], %dot_general3A_19 {strides = array<i32>} : memref<10000x128xf32, #tpu.memory_space<vmem>>, vector<10000x128xf32>,
    return
  }
}

module attributes {stable_mosaic.version = 14 : i64} {
  func.func @_tc1_body(%arg0: memref<32x10240xf32, #tpu.memory_space<vmem>>, %arg1: memref<10000x128xf32, #tpu.memory_space<vmem>>, %arg2: memref<128x128xf32, #tpu.memory_space<vmem>>, %arg3: memref<1x10240xf32, #tpu.memory_space<vmem>>, %arg4: memref<10000x128xf32, #tpu.memory_space<vmem>>) attributes {dimension_semantics = [], scalar_prefetch = 0 : i64, scratch_operands = 0 : i64, tpu.core_type = #tpu.core_type<tc>} {
    %get3A = arith.constant 0 : index
    %get3A_0 = arith.constant 0 : index
    %get3A_1 = vector.load %arg0[%get3A, %get3A_0] : memref<32x10240xf32, #tpu.memory_space<vmem>>, vector<32x10240xf32>
    %reduce_sum3A = arith.constant dense<0.000000e+00> : vector<10240xf32>
    %reduce_sum3A_2 = vector.multi_reduction <add>, %get3A_1, %reduce_sum3A [0] : vector<32x10240xf32> to vector<10240xf32>
    %broadcast_in_dim3A = vector.shape_cast %reduce_sum3A_2 : vector<10240xf32> to vector<1x10240xf32>
    %gt3A = arith.constant 0.000000e+00 : f32
    %gt3A_3 = vector.broadcast %gt3A : f32 to vector<1x10240xf32>
    %gt3A_4 = arith.cmpf ogt, %broadcast_in_dim3A, %gt3A_3 : vector<1x10240xf32>
    %rsqrt3A = math.rsqrt %broadcast_in_dim3A : vector<1x10240xf32>
    %jit3A = arith.constant 0.000000e+00 : f32
    %broadcast_in_dim3A_5 = vector.broadcast %jit3A : f32 to vector<1x10240xf32>
    %select_n3A = arith.select %gt3A_4, %rsqrt3A, %broadcast_in_dim3A_5 : vector<1x10240xi1>, vector<1x10240xf32>
    %swap3A = arith.constant 0 : index
    %swap3A_6 = arith.constant 0 : index
    %swap3A_7 = vector.load %arg3[%swap3A, %swap3A_6] : memref<1x10240xf32, #tpu.memory_space<vmem>>, vector<1x10240xf32>
    tpu.vector_store %arg3[%swap3A, %swap3A_6], %select_n3A {strides = array<i32>} : memref<1x10240xf32, #tpu.memory_space<vmem>>, vector<1x10240xf32>,
    %get3A_8 = arith.constant 0 : index
    %get3A_9 = arith.constant 0 : index
    %get3A_10 = vector.load %arg1[%get3A_8, %get3A_9] : memref<10000x128xf32, #tpu.memory_space<vmem>>, vector<10000x128xf32>
    %get3A_11 = arith.constant 0 : index
    %get3A_12 = arith.constant 0 : index
    %get3A_13 = vector.load %arg2[%get3A_11, %get3A_12] : memref<128x128xf32, #tpu.memory_space<vmem>>, vector<128x128xf32>
    %dot_general3A = arith.constant dense<0.000000e+00> : vector<10000x128xf32>
    %dot_general3A_14 = tpu.matmul %get3A_10, %get3A_13, %dot_general3A {dimension_numbers = #tpu.dot_dimension_numbers<[1], [0], [0], [1], [0, 0, 1, 1], [], []>, transpose_lhs_hint = false} : vector<10000x128xf32>, vector<128x128xf32>, vector<10000x128xf32> -> vector<10000x128xf32>
    %swap3A_15 = arith.constant 0 : index
    %swap3A_16 = arith.constant 0 : index
    %swap3A_17 = vector.load %arg4[%swap3A_15, %swap3A_16] : memref<10000x128xf32, #tpu.memory_space<vmem>>, vector<10000x128xf32>
    tpu.vector_store %arg4[%swap3A_15, %swap3A_16], %dot_general3A_14 {strides = array<i32>} : memref<10000x128xf32, #tpu.memory_space<vmem>>, vector<10000x128xf32>,
    return
  }
}

module attributes {stable_mosaic.version = 14 : i64} {
  func.func @_tc3_body(%arg0: memref<2x10240x128xf32, #tpu.memory_space<vmem>>, %arg1: memref<1x128xf32, #tpu.memory_space<vmem>>, %arg2: memref<10240x128xf32, #tpu.memory_space<vmem>>, %arg3: memref<10000x1xf32, #tpu.memory_space<vmem>>, %arg4: memref<1x128xf32, #tpu.memory_space<vmem>>, %arg5: memref<1x128xf32, #tpu.memory_space<vmem>>, %arg6: memref<1x128xf32, #tpu.memory_space<vmem>>, %arg7: memref<1x128xf32, #tpu.memory_space<vmem>>, %arg8: memref<1x128xf32, #tpu.memory_space<vmem>>, %arg9: memref<1x128xf32, #tpu.memory_space<vmem>>, %arg10: memref<1x128xf32, #tpu.memory_space<vmem>>, %arg11: memref<1x128xf32, #tpu.memory_space<vmem>>, %arg12: memref<384x128xf32, #tpu.memory_space<vmem>>, %arg13: memref<1x128xf32, #tpu.memory_space<vmem>>, %arg14: memref<10000x128xf32, #tpu.memory_space<vmem>>) attributes {dimension_semantics = [], scalar_prefetch = 0 : i64, scratch_operands = 0 : i64, tpu.core_type = #tpu.core_type<tc>} {
    %get3A = arith.constant 0 : index
    %get3A_0 = arith.constant 0 : index
    %get3A_1 = arith.constant 0 : index
    %get3A_2 = vector.load %arg0[%get3A, %get3A_0, %get3A_1] : memref<2x10240x128xf32, #tpu.memory_space<vmem>>, vector<1x10000x128xf32>
    %get3A_3 = vector.shape_cast %get3A_2 : vector<1x10000x128xf32> to vector<10000x128xf32>
    %get3A_4 = arith.constant 1 : index
    %get3A_5 = arith.constant 0 : index
    %get3A_6 = arith.constant 0 : index
    %get3A_7 = vector.load %arg0[%get3A_4, %get3A_5, %get3A_6] : memref<2x10240x128xf32, #tpu.memory_space<vmem>>, vector<1x10000x128xf32>
    %get3A_8 = vector.shape_cast %get3A_7 : vector<1x10000x128xf32> to vector<10000x128xf32>
    %add3A = arith.addf %get3A_3, %get3A_8 : vector<10000x128xf32>
    %get3A_9 = arith.constant 0 : index
    %get3A_10 = arith.constant 0 : index
    %get3A_11 = vector.load %arg1[%get3A_9, %get3A_10] : memref<1x128xf32, #tpu.memory_space<vmem>>, vector<1x128xf32>
    %add3A_12 = vector.broadcast %get3A_11 : vector<1x128xf32> to vector<10000x128xf32>
    %add3A_13 = arith.addf %add3A, %add3A_12 : vector<10000x128xf32>
    %get3A_14 = arith.constant 0 : index
    %get3A_15 = arith.constant 0 : index
    %get3A_16 = vector.load %arg6[%get3A_14, %get3A_15] : memref<1x128xf32, #tpu.memory_space<vmem>>, vector<1x128xf32>
    %get3A_17 = arith.constant 0 : index
    %get3A_18 = arith.constant 0 : index
    %get3A_19 = vector.load %arg7[%get3A_17, %get3A_18] : memref<1x128xf32, #tpu.memory_space<vmem>>, vector<1x128xf32>
    %reduce_sum3A = arith.constant dense<0.000000e+00> : vector<128xf32>
    %reduce_sum3A_20 = vector.multi_reduction <add>, %add3A_13, %reduce_sum3A [0] : vector<10000x128xf32> to vector<128xf32>
    %broadcast_in_dim3A = vector.shape_cast %reduce_sum3A_20 : vector<128xf32> to vector<1x128xf32>
    %mul3A = arith.constant 9.99999974E-5 : f32
    %mul3A_21 = vector.broadcast %mul3A : f32 to vector<1x128xf32>
    %mul3A_22 = arith.mulf %broadcast_in_dim3A, %mul3A_21 : vector<1x128xf32>
    %sub3A = vector.broadcast %mul3A_22 : vector<1x128xf32> to vector<10000x128xf32>
    %sub3A_23 = arith.subf %add3A_13, %sub3A : vector<10000x128xf32>
    %integer_pow3A = arith.mulf %sub3A_23, %sub3A_23 : vector<10000x128xf32>
    %reduce_sum3A_24 = arith.constant dense<0.000000e+00> : vector<128xf32>
    %reduce_sum3A_25 = vector.multi_reduction <add>, %integer_pow3A, %reduce_sum3A_24 [0] : vector<10000x128xf32> to vector<128xf32>
    %broadcast_in_dim3A_26 = vector.shape_cast %reduce_sum3A_25 : vector<128xf32> to vector<1x128xf32>
    %mul3A_27 = arith.constant 9.99999974E-5 : f32
    %mul3A_28 = vector.broadcast %mul3A_27 : f32 to vector<1x128xf32>
    %mul3A_29 = arith.mulf %broadcast_in_dim3A_26, %mul3A_28 : vector<1x128xf32>
    %sub3A_30 = vector.broadcast %mul3A_22 : vector<1x128xf32> to vector<10000x128xf32>
    %sub3A_31 = arith.subf %add3A_13, %sub3A_30 : vector<10000x128xf32>
    %mul3A_32 = vector.broadcast %get3A_16 : vector<1x128xf32> to vector<10000x128xf32>
    %mul3A_33 = arith.mulf %mul3A_32, %sub3A_31 : vector<10000x128xf32>
    %add3A_34 = arith.constant 9.99999974E-6 : f32
    %add3A_35 = vector.broadcast %add3A_34 : f32 to vector<1x128xf32>
    %add3A_36 = arith.addf %mul3A_29, %add3A_35 : vector<1x128xf32>
    %rsqrt3A = math.rsqrt %add3A_36 : vector<1x128xf32>
    %mul3A_37 = vector.broadcast %rsqrt3A : vector<1x128xf32> to vector<10000x128xf32>
    %mul3A_38 = arith.mulf %mul3A_33, %mul3A_37 : vector<10000x128xf32>
    %add3A_39 = vector.broadcast %get3A_19 : vector<1x128xf32> to vector<10000x128xf32>
    %add3A_40 = arith.addf %mul3A_38, %add3A_39 : vector<10000x128xf32>
    %max3A = arith.constant 0.000000e+00 : f32
    %max3A_41 = vector.broadcast %max3A : f32 to vector<10000x128xf32>
    %max3A_42 = arith.maximumf %add3A_40, %max3A_41 : vector<10000x128xf32>
    %get3A_43 = arith.constant 0 : index
    %get3A_44 = arith.constant 0 : index
    %get3A_45 = vector.load %arg3[%get3A_43, %get3A_44] : memref<10000x1xf32, #tpu.memory_space<vmem>>, vector<10000x1xf32>
    %get3A_46 = arith.constant 0 : index
    %get3A_47 = arith.constant 0 : index
    %get3A_48 = vector.load %arg4[%get3A_46, %get3A_47] : memref<1x128xf32, #tpu.memory_space<vmem>>, vector<1x128xf32>
    %mul3A_49 = vector.broadcast %get3A_45 : vector<10000x1xf32> to vector<10000x128xf32>
    %mul3A_50 = vector.broadcast %get3A_48 : vector<1x128xf32> to vector<10000x128xf32>
    %mul3A_51 = arith.mulf %mul3A_49, %mul3A_50 : vector<10000x128xf32>
    %get3A_52 = arith.constant 0 : index
    %get3A_53 = arith.constant 0 : index
    %get3A_54 = vector.load %arg5[%get3A_52, %get3A_53] : memref<1x128xf32, #tpu.memory_space<vmem>>, vector<1x128xf32>
    %add3A_55 = vector.broadcast %get3A_54 : vector<1x128xf32> to vector<10000x128xf32>
    %add3A_56 = arith.addf %mul3A_51, %add3A_55 : vector<10000x128xf32>
    %get3A_57 = arith.constant 0 : index
    %get3A_58 = arith.constant 0 : index
    %get3A_59 = vector.load %arg8[%get3A_57, %get3A_58] : memref<1x128xf32, #tpu.memory_space<vmem>>, vector<1x128xf32>
    %get3A_60 = arith.constant 0 : index
    %get3A_61 = arith.constant 0 : index
    %get3A_62 = vector.load %arg9[%get3A_60, %get3A_61] : memref<1x128xf32, #tpu.memory_space<vmem>>, vector<1x128xf32>
    %reduce_sum3A_63 = arith.constant dense<0.000000e+00> : vector<128xf32>
    %reduce_sum3A_64 = vector.multi_reduction <add>, %add3A_56, %reduce_sum3A_63 [0] : vector<10000x128xf32> to vector<128xf32>
    %broadcast_in_dim3A_65 = vector.shape_cast %reduce_sum3A_64 : vector<128xf32> to vector<1x128xf32>
    %mul3A_66 = arith.constant 9.99999974E-5 : f32
    %mul3A_67 = vector.broadcast %mul3A_66 : f32 to vector<1x128xf32>
    %mul3A_68 = arith.mulf %broadcast_in_dim3A_65, %mul3A_67 : vector<1x128xf32>
    %sub3A_69 = vector.broadcast %mul3A_68 : vector<1x128xf32> to vector<10000x128xf32>
    %sub3A_70 = arith.subf %add3A_56, %sub3A_69 : vector<10000x128xf32>
    %integer_pow3A_71 = arith.mulf %sub3A_70, %sub3A_70 : vector<10000x128xf32>
    %reduce_sum3A_72 = arith.constant dense<0.000000e+00> : vector<128xf32>
    %reduce_sum3A_73 = vector.multi_reduction <add>, %integer_pow3A_71, %reduce_sum3A_72 [0] : vector<10000x128xf32> to vector<128xf32>
    %broadcast_in_dim3A_74 = vector.shape_cast %reduce_sum3A_73 : vector<128xf32> to vector<1x128xf32>
    %mul3A_75 = arith.constant 9.99999974E-5 : f32
    %mul3A_76 = vector.broadcast %mul3A_75 : f32 to vector<1x128xf32>
    %mul3A_77 = arith.mulf %broadcast_in_dim3A_74, %mul3A_76 : vector<1x128xf32>
    %sub3A_78 = vector.broadcast %mul3A_68 : vector<1x128xf32> to vector<10000x128xf32>
    %sub3A_79 = arith.subf %add3A_56, %sub3A_78 : vector<10000x128xf32>
    %mul3A_80 = vector.broadcast %get3A_59 : vector<1x128xf32> to vector<10000x128xf32>
    %mul3A_81 = arith.mulf %mul3A_80, %sub3A_79 : vector<10000x128xf32>
    %add3A_82 = arith.constant 9.99999974E-6 : f32
    %add3A_83 = vector.broadcast %add3A_82 : f32 to vector<1x128xf32>
    %add3A_84 = arith.addf %mul3A_77, %add3A_83 : vector<1x128xf32>
    %rsqrt3A_85 = math.rsqrt %add3A_84 : vector<1x128xf32>
    %mul3A_86 = vector.broadcast %rsqrt3A_85 : vector<1x128xf32> to vector<10000x128xf32>
    %mul3A_87 = arith.mulf %mul3A_81, %mul3A_86 : vector<10000x128xf32>
    %add3A_88 = vector.broadcast %get3A_62 : vector<1x128xf32> to vector<10000x128xf32>
    %add3A_89 = arith.addf %mul3A_87, %add3A_88 : vector<10000x128xf32>
    %max3A_90 = arith.constant 0.000000e+00 : f32
    %max3A_91 = vector.broadcast %max3A_90 : f32 to vector<10000x128xf32>
    %max3A_92 = arith.maximumf %add3A_89, %max3A_91 : vector<10000x128xf32>
    %get3A_93 = arith.constant 0 : index
    %get3A_94 = arith.constant 0 : index
    %get3A_95 = vector.load %arg2[%get3A_93, %get3A_94] : memref<10240x128xf32, #tpu.memory_space<vmem>>, vector<10000x128xf32>
    %get3A_96 = arith.constant 0 : index
    %get3A_97 = arith.constant 0 : index
    %get3A_98 = vector.load %arg10[%get3A_96, %get3A_97] : memref<1x128xf32, #tpu.memory_space<vmem>>, vector<1x128xf32>
    %get3A_99 = arith.constant 0 : index
    %get3A_100 = arith.constant 0 : index
    %get3A_101 = vector.load %arg11[%get3A_99, %get3A_100] : memref<1x128xf32, #tpu.memory_space<vmem>>, vector<1x128xf32>
    %reduce_sum3A_102 = arith.constant dense<0.000000e+00> : vector<128xf32>
    %reduce_sum3A_103 = vector.multi_reduction <add>, %get3A_95, %reduce_sum3A_102 [0] : vector<10000x128xf32> to vector<128xf32>
    %broadcast_in_dim3A_104 = vector.shape_cast %reduce_sum3A_103 : vector<128xf32> to vector<1x128xf32>
    %mul3A_105 = arith.constant 9.99999974E-5 : f32
    %mul3A_106 = vector.broadcast %mul3A_105 : f32 to vector<1x128xf32>
    %mul3A_107 = arith.mulf %broadcast_in_dim3A_104, %mul3A_106 : vector<1x128xf32>
    %sub3A_108 = vector.broadcast %mul3A_107 : vector<1x128xf32> to vector<10000x128xf32>
    %sub3A_109 = arith.subf %get3A_95, %sub3A_108 : vector<10000x128xf32>
    %integer_pow3A_110 = arith.mulf %sub3A_109, %sub3A_109 : vector<10000x128xf32>
    %reduce_sum3A_111 = arith.constant dense<0.000000e+00> : vector<128xf32>
    %reduce_sum3A_112 = vector.multi_reduction <add>, %integer_pow3A_110, %reduce_sum3A_111 [0] : vector<10000x128xf32> to vector<128xf32>
    %broadcast_in_dim3A_113 = vector.shape_cast %reduce_sum3A_112 : vector<128xf32> to vector<1x128xf32>
    %mul3A_114 = arith.constant 9.99999974E-5 : f32
    %mul3A_115 = vector.broadcast %mul3A_114 : f32 to vector<1x128xf32>
    %mul3A_116 = arith.mulf %broadcast_in_dim3A_113, %mul3A_115 : vector<1x128xf32>
    %sub3A_117 = vector.broadcast %mul3A_107 : vector<1x128xf32> to vector<10000x128xf32>
    %sub3A_118 = arith.subf %get3A_95, %sub3A_117 : vector<10000x128xf32>
    %mul3A_119 = vector.broadcast %get3A_98 : vector<1x128xf32> to vector<10000x128xf32>
    %mul3A_120 = arith.mulf %mul3A_119, %sub3A_118 : vector<10000x128xf32>
    %add3A_121 = arith.constant 9.99999974E-6 : f32
    %add3A_122 = vector.broadcast %add3A_121 : f32 to vector<1x128xf32>
    %add3A_123 = arith.addf %mul3A_116, %add3A_122 : vector<1x128xf32>
    %rsqrt3A_124 = math.rsqrt %add3A_123 : vector<1x128xf32>
    %mul3A_125 = vector.broadcast %rsqrt3A_124 : vector<1x128xf32> to vector<10000x128xf32>
    %mul3A_126 = arith.mulf %mul3A_120, %mul3A_125 : vector<10000x128xf32>
    %add3A_127 = vector.broadcast %get3A_101 : vector<1x128xf32> to vector<10000x128xf32>
    %add3A_128 = arith.addf %mul3A_126, %add3A_127 : vector<10000x128xf32>
    %max3A_129 = arith.constant 0.000000e+00 : f32
    %max3A_130 = vector.broadcast %max3A_129 : f32 to vector<10000x128xf32>
    %max3A_131 = arith.maximumf %add3A_128, %max3A_130 : vector<10000x128xf32>
    %get3A_132 = arith.constant 0 : index
    %get3A_133 = arith.constant 0 : index
    %get3A_134 = vector.load %arg12[%get3A_132, %get3A_133] : memref<384x128xf32, #tpu.memory_space<vmem>>, vector<384x128xf32>
    %slice3A = vector.extract_strided_slice %get3A_134 {offsets = [0, 0], sizes = [128, 128], strides = [1, 1]} : vector<384x128xf32> to vector<128x128xf32>
    %dot_general3A = arith.constant dense<0.000000e+00> : vector<10000x128xf32>
    %dot_general3A_135 = tpu.matmul %max3A_42, %slice3A, %dot_general3A {dimension_numbers = #tpu.dot_dimension_numbers<[1], [0], [0], [1], [0, 0, 1, 1], [], []>, transpose_lhs_hint = false} : vector<10000x128xf32>, vector<128x128xf32>, vector<10000x128xf32> -> vector<10000x128xf32>
    %slice3A_136 = vector.extract_strided_slice %get3A_134 {offsets = [128, 0], sizes = [128, 128], strides = [1, 1]} : vector<384x128xf32> to vector<128x128xf32>
    %dot_general3A_137 = arith.constant dense<0.000000e+00> : vector<10000x128xf32>
    %dot_general3A_138 = tpu.matmul %max3A_92, %slice3A_136, %dot_general3A_137 {dimension_numbers = #tpu.dot_dimension_numbers<[1], [0], [0], [1], [0, 0, 1, 1], [], []>, transpose_lhs_hint = false} : vector<10000x128xf32>, vector<128x128xf32>, vector<10000x128xf32> -> vector<10000x128xf32>
    %add3A_139 = arith.addf %dot_general3A_135, %dot_general3A_138 : vector<10000x128xf32>
    %slice3A_140 = vector.extract_strided_slice %get3A_134 {offsets = [256, 0], sizes = [128, 128], strides = [1, 1]} : vector<384x128xf32> to vector<128x128xf32>
    %dot_general3A_141 = arith.constant dense<0.000000e+00> : vector<10000x128xf32>
    %dot_general3A_142 = tpu.matmul %max3A_131, %slice3A_140, %dot_general3A_141 {dimension_numbers = #tpu.dot_dimension_numbers<[1], [0], [0], [1], [0, 0, 1, 1], [], []>, transpose_lhs_hint = false} : vector<10000x128xf32>, vector<128x128xf32>, vector<10000x128xf32> -> vector<10000x128xf32>
    %add3A_143 = arith.addf %add3A_139, %dot_general3A_142 : vector<10000x128xf32>
    %get3A_144 = arith.constant 0 : index
    %get3A_145 = arith.constant 0 : index
    %get3A_146 = vector.load %arg13[%get3A_144, %get3A_145] : memref<1x128xf32, #tpu.memory_space<vmem>>, vector<1x128xf32>
    %add3A_147 = vector.broadcast %get3A_146 : vector<1x128xf32> to vector<10000x128xf32>
    %add3A_148 = arith.addf %add3A_143, %add3A_147 : vector<10000x128xf32>
    %swap3A = arith.constant 0 : index
    %swap3A_149 = arith.constant 0 : index
    %swap3A_150 = vector.load %arg14[%swap3A, %swap3A_149] : memref<10000x128xf32, #tpu.memory_space<vmem>>, vector<10000x128xf32>
    tpu.vector_store %arg14[%swap3A, %swap3A_149], %add3A_148 {strides = array<i32>} : memref<10000x128xf32, #tpu.memory_space<vmem>>, vector<10000x128xf32>,
    return
  }
}

</mosaic_0001>

<sc_bundles>
// kernel: kernel.11.cloned.1.call-start
scs
__scs_entry_jumppad:
0x0: {  	(pc) =	sbr.rel $0x88, $3  }
0x1: {  	(tag) =	ssettag $0x0;
	lr =	simm.s32 $0x1  }
0x2: {  	[smem:$0x3F8D] =	sst lr;
	_ =	strace $0xD0000000  }
0x3: {  	_ = 	snop  }
0x4: {  	_ = 	snop  }
0x5: {  	_ = 	snop  }
0x6: {  	_ = 	snop  }
0x7: {  	_ = 	snop  }
__scs_overlays_trampoline_lowered:
0x8: {  	[smem:$0x3F9C] =	sst s0  }
0x9: {  	[smem:$0x3F9D] =	sst s1  }
0xa: {  	[smem:$0x3F9E] =	sst s2  }
0xb: {  	[smem:$0x3F9F] =	sst s3  }
0xc: {  	[smem:$0x3FA0] =	sst s4  }
0xd: {  	[smem:$0x3FA1] =	sst s5  }
0xe: {  	[smem:$0x3FA2] =	sst s6  }
0xf: {  	[smem:$0x3FA3] =	sst s7  }
0x10: {  	[smem:$0x3FA4] =	sst s8  }
0x11: {  	[smem:$0x3FA5] =	sst s9;
	s0 =	simm.s32 @!p0 $0x0  }
0x12: {  	s1 =	sld [smem:$0x3F8B];
	s0 =	simm.s32 @p0 $0x1  }
0x13: {  	[smem:$0x3FA6] =	sst s0;
	s0 =	simm.s32 @!p1 $0x0  }
0x14: {  	s2 =	sld [smem:$0x3F8A];
	s0 =	simm.s32 @p1 $0x1  }
0x15: {  	[smem:$0x3FA7] =	sst s0;
	s0 =	simm.s32 @!p2 $0x0  }
0x16: {  	s3 =	sld [smem:$0x3FDB];
	s0 =	simm.s32 @p2 $0x1  }
0x17: {  	s4 =	simm.s32 $0x1BF5;
	[smem:$0x3FA9] =	sst s0  }
0x18: {  	s0 =	sld [smem:$0x3F8C];
	_ =	swait.ge [sflag:s4], $0x0  }
0x19: {  	s7 =	sld [smem:$0x3F8D]  }
0x1a: {  	s8 =	sadd.s32 $0xFFFFE003, lr  }
0x1b: {  	s9 =	sadd.s32 $0xFFFFFEF7, lr;
	s5 =	simm.s32 $0xFFFFFFFF;
	p2 =	slt.u32 s8, $0xFFFFF086  }
0x1c: {  	p1 =	slt.u32 s9, $0xF7A;
	s5 =	simm.s32 @!p2 $0x0  }
0x1d: {  	s5 =	simm.s32 @p1 $0x1;
	p0 =	seq.s32 s7, s2  }
0x1e: {  	s7 =	smul.u32 @!p0 $0xF7A, s2;
	p2 =	seq.s32 @!p0 s5, $0x0  }
0x1f: {  	s9 =	smul.u32 $0xF7A, s1;
	s8 =	simm.s32 @!p0 $0x1BF5;
	p2 =	por !p2, p0  }
0x20: {  	[sflag:s8] =	ssyncset.s32 @!p0 $0xFFFFF086;
	s6 =	sadd.s32 @!p0 s3, s7;
	s7 =	simm.s32 @!p0 $0x108  }
0x21: {  	s3 =	sadd.s32 s3, s9;
	s6 =	sadd.s32 @!p0 $0x88, s6;
	s7 =	simm.s32 @p2 $0x1082  }
0x22: {  	[simem:s7], [sflag:s8] =	dma.local @!p0 [hbm:s6], $0xF7A  }
0x23: {  	s9 =	sor.u32 $0xD0000000, s2;
	s6 =	simm.s32 $0x108;
	_ =	swait.ge @!p0 [sflag:s8], $0x0  }
0x24: {  	s3 =	sadd.s32 $0x88, s3;
	s6 =	simm.s32 @!p1 $0x1082;
	[sflag:s4] =	ssyncset.s32 $0xFFFFF086  }
0x25: {  	[simem:s6], [sflag:s4] =	dma.local [hbm:s3], $0xF7A  }
0x26: {  	[smem:$0x3F8D] =	sst s1;
	(tag) =	ssettag s2;
	_ =	strace s9  }
0x27: {  	s1 =	sld [smem:$0x3F9D]  }
0x28: {  	s2 =	sld [smem:$0x3F9E]  }
0x29: {  	s4 =	sld [smem:$0x3FA0]  }
0x2a: {  	p0 =	seq.s32 s5, $0x0;
	s5 =	sld [smem:$0x3FA1]  }
0x2b: {  	s6 =	sld [smem:$0x3FA2]  }
0x2c: {  	s7 =	sld [smem:$0x3FA3]  }
0x2d: {  	s3 =	simm.s32 $0x108;
	s8 =	sld [smem:$0x3FA4]  }
0x2e: {  	s3 =	simm.s32 @!p0 $0x1082;
	s9 =	sld [smem:$0x3FA5]  }
0x2f: {  	lr =	sadd.s32 s0, s3;
	s0 =	sld [smem:$0x3F9C]  }
0x30: {  	s3 =	sld [smem:$0x3F9F]  }
0x31: {  	[smem:$0x3FA8] =	sst s10  }
0x32: {  	s10 =	sld [smem:$0x3FA6];
	_ =	sdelay $0x3  }
0x33: {  	p0 =	seq.s32 s10, $0x1;
	s10 =	sld [smem:$0x3FA8];
	_ =	sdelay $0x3  }
0x34: {  	[smem:$0x3FA8] =	sst s10  }
0x35: {  	s10 =	sld [smem:$0x3FA7];
	_ =	sdelay $0x3  }
0x36: {  	p1 =	seq.s32 s10, $0x1;
	s10 =	sld [smem:$0x3FA8];
	_ =	sdelay $0x3  }
0x37: {  	[smem:$0x3FA8] =	sst s10  }
0x38: {  	s10 =	sld [smem:$0x3FA9]  }
0x39: {  	_ = 	snop;
	(pc) =	sbr.ind lr, $3  }
0x3a: {  	_ = 	snop  }
0x3b: {  	_ = 	snop  }
0x3c: {  	p2 =	seq.s32 s10, $0x1;
	s10 =	sld [smem:$0x3FA8]  }
0x3d: {  	_ =	shalt  }
0x3e: {  	_ =	shalt  }
0x3f: {  	_ =	shalt  }
0x40: {  	_ =	shalt  }
0x41: {  	_ =	shalt  }
0x42: {  	_ =	shalt  }
0x43: {  	_ =	shalt  }
0x44: {  	_ =	shalt  }
0x45: {  	_ =	shalt  }
0x46: {  	_ =	shalt  }
0x47: {  	_ =	shalt  }
0x48: {  	_ =	shalt  }
0x49: {  	_ =	shalt  }
0x4a: {  	_ =	shalt  }
0x4b: {  	_ =	shalt  }
0x4c: {  	_ =	shalt  }
0x4d: {  	_ =	shalt  }
0x4e: {  	_ =	shalt  }
0x4f: {  	_ =	shalt  }
0x50: {  	_ =	shalt  }
0x51: {  	_ =	shalt  }
0x52: {  	_ =	shalt  }
0x53: {  	_ =	shalt  }
0x54: {  	_ =	shalt  }
0x55: {  	_ =	shalt  }
0x56: {  	_ =	shalt  }
0x57: {  	_ =	shalt  }
0x58: {  	_ =	shalt  }
0x59: {  	_ =	shalt  }
0x5a: {  	_ =	shalt  }
0x5b: {  	_ =	shalt  }
0x5c: {  	_ =	shalt  }
0x5d: {  	_ =	shalt  }
0x5e: {  	_ =	shalt  }
0x5f: {  	_ =	shalt  }
0x60: {  	_ =	shalt  }
0x61: {  	_ =	shalt  }
0x62: {  	_ =	shalt  }
0x63: {  	_ =	shalt  }
0x64: {  	_ =	shalt  }
0x65: {  	_ =	shalt  }
0x66: {  	_ =	shalt  }
0x67: {  	_ =	shalt  }
0x68: {  	_ =	shalt  }
0x69: {  	_ =	shalt  }
0x6a: {  	_ =	shalt  }
0x6b: {  	_ =	shalt  }
0x6c: {  	_ =	shalt  }
0x6d: {  	_ =	shalt  }
0x6e: {  	_ =	shalt  }
0x6f: {  	_ =	shalt  }
0x70: {  	_ =	shalt  }
0x71: {  	_ =	shalt  }
0x72: {  	_ =	shalt  }
0x73: {  	_ =	shalt  }
0x74: {  	_ =	shalt  }
0x75: {  	_ =	shalt  }
0x76: {  	_ =	shalt  }
0x77: {  	_ =	shalt  }
0x78: {  	_ =	shalt  }
0x79: {  	_ =	shalt  }
0x7a: {  	_ =	shalt  }
0x7b: {  	_ =	shalt  }
0x7c: {  	_ =	shalt  }
0x7d: {  	_ =	shalt  }
0x7e: {  	_ =	shalt  }
0x7f: {  	_ =	shalt  }
0x80: {  	_ =	shalt  }
0x81: {  	_ =	shalt  }
0x82: {  	_ =	shalt  }
0x83: {  	_ =	shalt  }
0x84: {  	_ =	shalt  }
0x85: {  	_ =	shalt  }
0x86: {  	_ =	shalt  }
0x87: {  	_ =	shalt  }
.Lfunc_end0:
.L_simem_size_0:
called_computation.1_lowered:
.L_overlay_start_0:
0x88: {  	s2 =	sld [smem:$0x3FD9]  }
0x89: {  	s3 =	sld [smem:$0x3FFE];
	_ =	sdelay $0x1  }
0x8a: {  	s1 =	srdreg.scid  }
0x8b: {  	s0 =	sand.u32 $0x1, s1  }
0x8c: {  	s17 =	sshll.u32 s0, $0xA;
	s2 =	sadd.s32 s3, s2  }
0x8d: {  	s2 =	sadd.s32 s2, s17  }
0x8e: {  	[smem:$0x3FB4] =	sst s2  }
0x8f: {  	_ = 	snop  }
0x90: {  	s2 =	sld [smem:$0x3FD0];
	(tm) =	ssettm $0x1  }
0x91: {  	s18 =	sld [smem:$0x3FFB];
	_ =	sdelay $0x3  }
0x92: {  	_ =	strace s18  }
0x93: {  	s3 =	sld [smem:$0x3FFC];
	_ =	sdelay $0x3  }
0x94: {  	_ =	strace s3  }
0x95: {  	s3 =	sld [smem:$0x3FFD];
	_ =	sdelay $0x3  }
0x96: {  	_ =	strace s3  }
0x97: {  	_ =	strace $0x8FFFFFFF  }
0x98: {  	s19 =	sld [smem:$0x3FDB];
	_ =	sdelay $0x1  }
0x99: {  	s4 =	simm.s32 $_scs_section_size  }
0x9a: {  	s5 =	simm.s32 $_size__tile_overlayer_lowered;
	s6 =	simm.s32 $_tile_overlayer_lowered  }
0x9b: {  	s22 =	simm.s32 $0x1BFF;
	s21 =	sshll.u32 s6, $0x1;
	s3 =	sadd.s32 s4, s19  }
0x9c: {  	s7 =	simm.s32 $0x0;
	s20 =	sshll.u32 s5, $0x1;
	s5 =	sadd.s32 s21, s3  }
0x9d: {  	[timem:s7], [sflag:s22] =	dma.local [hbm:s5], s20  }
0x9e: {  	_ =	swait.ge [sflag:s22], s20  }
0x9f: {  	s4 =	ssub.s32 $0x0, s20;
	[sflag:s22] =	ssyncset.done $0x0  }
0xa0: {  	[sflag:s22] =	ssyncadd.s32 s4;
	_ =	sdelay $0x1  }
0xa1: {  	s23 =	simm.s32 $0x1B8B  }
0xa2: {  	_ =	swait.ge [sflag:s23], $0x1  }
0xa3: {  	[sflag:s23] =	ssyncset.done $0x0  }
0xa4: {  	s25 =	simm.s32 $0x1B8E;
	s24 =	sld [smem:$0x3FFE];
	[sflag:s23] =	ssyncadd.s32 $0xFFFFFFFF  }
0xa5: {  	s26 =	simm.s32 $execute0_lowered;
	[smem:$0x3FD2] =	sst s25  }
0xa6: {  	s5 =	sshll.u32 s26, $0x1;
	_ =	strace $0x80000049;
	[dreg:$0x1] =	wrdreg $0xFFFFFFFF  }
0xa7: {  	s28 =	simm.s32 $_size_execute0_lowered;
	s3 =	sadd.s32 s3, s5;
	[dreg:$0x0] =	wrdreg $0x0  }
0xa8: {  	s5 =	sshll.u32 s28, $0x1;
	[dreg:$0x2] =	wrdreg s3  }
0xa9: {  	[dreg:$0x3] =	wrdreg s5  }
0xaa: {  	[dreg:$0x4] =	wrdreg $0xC0  }
0xab: {  	_ =	task [dreg:s7], $0x5FFFF  }
0xac: {  	[dreg:$0x1] =	wrdreg $0xFFFFFFFF  }
0xad: {  	[dreg:$0x0] =	wrdreg $0x60  }
0xae: {  	[dreg:$0x2] =	wrdreg s2  }
0xaf: {  	[dreg:$0x3] =	wrdreg s24  }
0xb0: {  	[dreg:$0x4] =	wrdreg $0x6A800  }
0xb1: {  	[dreg:$0x5] =	wrdreg $0x9  }
0xb2: {  	_ =	task.clear_ibuf [dreg:s7], $0x6FFFF;
	_ =	strace $0x90000049  }
0xb3: {  	s29 =	simm.s32 $0x9;
	_ =	strace $0x8000004B  }
0xb4: {  	_ =	swait.ge [sflag:s29], $0x1  }
0xb5: {  	[sflag:s29] =	ssyncadd.s32 $0xFFFFFFFF  }
0xb6: {  	_ =	strace $0x9000004B  }
0xb7: {  	_ =	sfence  }
0xb8: {  	s30 =	sld [smem:$0x0];
	_ =	sdelay $0x2  }
0xb9: {  	s31 =	sshll.u32 s1, $0xD;
	s1 =	sshrl.u32 s1, $0x2  }
0xba: {  	s3 =	sand.u32 $0x4000, s31;
	s1 =	sadd.s32 s1, s30  }
0xbb: {  	s0 =	sor.u32 s3, s0;
	s1 =	sshll.u32 s1, $0x11  }
0xbc: {  	s0 =	sor.u32 s1, s0  }
0xbd: {  	s0 =	sadd.s32 $0x8F2B, s0  }
0xbe: {  	[sflag:s0] =	ssyncadd.remote.s32 $0x1  }
0xbf: {  	_ =	sfence.sel $0xFFFF  }
0xc0: {  	[dreg:$0x0] =	wrdreg $0xFFFFFFFF;
	(pc) =	sbr.abs _section_cstart, $3  }
0xc1: {  	[dreg:$0x1] =	wrdreg $0xFFFFFFFF  }
0xc2: {  	_ =	task.clear_ibuf [dreg:s7], $0x2FFFF;
	_ =	strace $0x9FFFFFFF  }
0xc3: {  	(tm) =	ssettm $0x7FFFFFFF  }
tec
execute0_lowered:
.L_overlay_start_1:
0x0: {  	(tag) =	ssettag $0x1  }
0x1: {  	s0 =	rddreg [dreg:$0x0]  }
0x2: {  	s7 =	rddreg [dreg:$0x1];
	s1 =	srdreg.scid  }
0x3: {  	s3 =	rddreg [dreg:$0x2];
	s29 =	stileid.u32;
	s4 =	simm.s32 $0x0  }
0x4: {  	s15 =	simm.s32 $0x2;
	s16 =	simm.s32 $0x2A80;
	s17 =	simm.s32 $0x2880  }
0x5: {  	s18 =	simm.s32 $0x80;
	s19 =	simm.s32 $0x1;
	s20 =	simm.s32 $0x2800  }
0x6: {  	s21 =	simm.s32 $0x2900;
	s24 =	simm.s32 $0x0;
	s6 =	smul.u32 $0x14000, s29  }
0x7: {  	s8 =	sand.u32 $0x1, s1;
	[smem:$0x7FF] =	sst s4;
	s10 =	smul.u32 $0x50000, s29  }
0x8: {  	s22 =	sshll.u32 s29, $0x6;
	s5 =	smul.u32 $0x140000, s8;
	_ =	strace $0x8000004A  }
0x9: {  	s30 =	ssub.s32 $0x2, s8;
	s8 =	sshll.u32 s8, $0x4;
	s22 =	sor.u32 $0x1C02, s22  }
0xa: {  	s31 =	sshrl.u32 s30, $0x1;
	s10 =	sshrl.u32 s10, $0x2;
	s12 =	sor.u32 s29, s8  }
0xb: {  	s6 =	sadd.s32 s6, s5;
	s5 =	sadd.s32 $0x41400, s7;
	s14 =	ssub.s32 s30, s31  }
0xc: {  	s12 =	smul.u32 $0xA200, s12;
	s9 =	sshrl.u32 s6, $0x3;
	s6 =	sadd.s32 $0x4C00, s7  }
0xd: {  	s14 =	smax.u32 s14, $0x1;
	s13 =	sadd.s32 s9, s7;
	s7 =	sadd.s32 s10, s3  }
0xe: {  	s8 =	sadd.s32 $0x4000, s7;
	s9 =	sadd.s32 $0x8000, s7;
	s10 =	sadd.s32 $0xC000, s7  }
0xf: {  	v0 =	vimm.f32 $0.0e+00;
	s11 =	sadd.s32 $0x10000, s7;
	s13 =	sadd.s32 $0x69C00, s13;
	s23 =	sshrl.u32 s7, $0x3  }
.LBB2_1:
0x10: {  	[tilespmem:s4], [sflag:$0x2] =	stream.linear.gather [hbm4b:s6+s4], $0x2800, $0x38;
	[tilespmem:$0x1AA80] =	vst v63  }
0x11: {  	_ =	swait.ge [sflag:s15], $0x2800  }
0x12: {  	[sflag:s15] =	ssyncset.done $0x0  }
0x13: {  	s25 =	simm.s32 $0x0;
	s26 =	simm.s32 $0x200;
	[sflag:s15] =	ssyncadd.s32 $0xFFFFD800  }
.LBB2_2:
0x14: {  	p0 =	sne.s32 s26, $0xFE00;
	[tilespmem:s25+$0x2AF0] =	vst v0  }
0x15: {  	[tilespmem:s25+$0x2A80] =	vst v0  }
0x16: {  	[tilespmem:s25+$0x2A90] =	vst v0  }
.Ltmp0:
0x17: {  	[tilespmem:s25+$0x2AA0] =	vst v0;
	(pc) =	sbr.rel @p0 .LBB2_2-.Ltmp0, $4  }
0x18: {  	[tilespmem:s25+$0x2AB0] =	vst v0  }
0x19: {  	[tilespmem:s25+$0x2AC0] =	vst v0  }
0x1a: {  	[tilespmem:s25+$0x2AD0] =	vst v0  }
0x1b: {  	[tilespmem:s25+$0x2AE0] =	vst v0;
	s25 =	sshra.s32 s26, $0x2;
	s26 =	sadd.s32 $0x200, s26  }
0x1c: {  	[tilespmem:s25+$0x2AF0] =	vst v0  }
0x1d: {  	[tilespmem:s25+$0x2A80] =	vst v0  }
0x1e: {  	[tilespmem:s25+$0x2A90] =	vst v0  }
0x1f: {  	[tilespmem:s25+$0x2AA0] =	vst v0  }
0x20: {  	[tilespmem:s25+$0x2AB0] =	vst v0  }
0x21: {  	[tilespmem:s25+$0x2AC0] =	vst v0  }
0x22: {  	[tilespmem:s25+$0x2AD0] =	vst v0  }
0x23: {  	[tilespmem:s25+$0x2AE0] =	vst v0  }
0x24: {  	[spmem:s7] =	stream.linear.scatter [tilespmem:s16], [sflag:$0x2], $0x4000, $0x38;
	[tilespmem:$0x1AA80] =	vst v63  }
0x25: {  	_ =	swait.ge [sflag:s15], $0x4000  }
0x26: {  	[sflag:s15] =	ssyncset.done $0x0  }
0x27: {  	[sflag:s15] =	ssyncadd.s32 $0xFFFFC000  }
0x28: {  	[spmem:s8] =	stream.linear.scatter [tilespmem:s16], [sflag:$0x2], $0x4000, $0x38;
	[tilespmem:$0x1AA80] =	vst v63  }
0x29: {  	_ =	swait.ge [sflag:s15], $0x4000  }
0x2a: {  	[sflag:s15] =	ssyncset.done $0x0  }
0x2b: {  	[sflag:s15] =	ssyncadd.s32 $0xFFFFC000  }
0x2c: {  	[spmem:s9] =	stream.linear.scatter [tilespmem:s16], [sflag:$0x2], $0x4000, $0x38;
	[tilespmem:$0x1AA80] =	vst v63  }
0x2d: {  	_ =	swait.ge [sflag:s15], $0x4000  }
0x2e: {  	[sflag:s15] =	ssyncset.done $0x0  }
0x2f: {  	[sflag:s15] =	ssyncadd.s32 $0xFFFFC000  }
0x30: {  	[spmem:s10] =	stream.linear.scatter [tilespmem:s16], [sflag:$0x2], $0x4000, $0x38;
	[tilespmem:$0x1AA80] =	vst v63  }
0x31: {  	_ =	swait.ge [sflag:s15], $0x4000  }
0x32: {  	[sflag:s15] =	ssyncset.done $0x0  }
0x33: {  	[sflag:s15] =	ssyncadd.s32 $0xFFFFC000  }
0x34: {  	[spmem:s11] =	stream.linear.scatter [tilespmem:s16], [sflag:$0x2], $0x4000, $0x38;
	[tilespmem:$0x1AA80] =	vst v63  }
0x35: {  	_ =	swait.ge [sflag:s15], $0x4000  }
0x36: {  	[sflag:s15] =	ssyncset.done $0x0  }
0x37: {  	[sflag:s15] =	ssyncadd.s32 $0xFFFFC000  }
0x38: {  	s25 =	simm.s32 $0x0;
	s26 =	simm.s32 $0x0;
	[bflag:$0x0] =	sbarrier.arrive $0xFFFF  }
.LBB2_4:
0x39: {  	s28 =	sshll.u32 s26, $0x9  }
0x3a: {  	s28 =	sadd.s32 s12, s28  }
0x3b: {  	s28 =	sshrl.u32 s28, $0x3  }
0x3c: {  	s28 =	sadd.s32 s5, s28  }
0x3d: {  	[tilespmem:s17], [sflag:$0x2] =	stream.linear.gather [hbm4b:s28+s25], $0x180, $0x38;
	[tilespmem:$0x1AA80] =	vst v63  }
0x3e: {  	_ =	swait.ge [sflag:s15], $0x180  }
0x3f: {  	[sflag:s15] =	ssyncset.done $0x0  }
0x40: {  	[sflag:s15] =	ssyncadd.s32 $0xFFFFFE80  }
0x41: {  	[tilespmem:s16], [sflag:$0x1] =	stream.indirect.gather [hbm4b:s0+s18], $0x80, s17, s18, $0xb8;
	[tilespmem:$0x1AA80] =	vst v63  }
0x42: {  	_ =	swait.ge [sflag:s19], $0x4000  }
0x43: {  	[sflag:s19] =	ssyncset.done $0x0  }
0x44: {  	[sflag:s19] =	ssyncadd.s32 $0xFFFFC000  }
0x45: {  	v1 =	vld [tilespmem:$0x2880];
	_ =	sdelay $0x1  }
0x46: {  	v2 =	vld [tilespmem:$0x2900];
	_ =	sdelay $0x4  }
0x47: {  	v3 =	vld [tilespmem:$0x2980]  }
0x48: {  	v1 =	vld.idx.msk [tilespmem:v1+s25+$0x0], $0xffff  }
0x49: {  	v4 =	vld [tilespmem:$0x2890]  }
0x4a: {  	v2 =	vld.idx.msk [tilespmem:v2+s25+$0x0], $0xffff  }
0x4b: {  	v5 =	vld [tilespmem:$0x2910];
	_ =	sdelay $0x1  }
0x4c: {  	v1 =	vmul.f32 v1, v3;
	_ =	sdelay $0x1  }
0x4d: {  	v1 =	vmul.f32 v2, v1;
	_ =	sdelay $0x1  }
0x4e: {  	[tilespmem:$0x2800] =	vst v1;
	v1 =	vld [tilespmem:$0x2990]  }
0x4f: {  	v2 =	vld.idx.msk [tilespmem:v4+s25+$0x0], $0xffff  }
0x50: {  	v3 =	vld.idx.msk [tilespmem:v5+s25+$0x0], $0xffff  }
0x51: {  	v4 =	vld [tilespmem:$0x28A0]  }
0x52: {  	v5 =	vld [tilespmem:$0x2920];
	_ =	sdelay $0x1  }
0x53: {  	v1 =	vmul.f32 v2, v1;
	_ =	sdelay $0x1  }
0x54: {  	v1 =	vmul.f32 v3, v1;
	_ =	sdelay $0x1  }
0x55: {  	[tilespmem:$0x2810] =	vst v1;
	v1 =	vld [tilespmem:$0x29A0]  }
0x56: {  	v2 =	vld.idx.msk [tilespmem:v4+s25+$0x0], $0xffff  }
0x57: {  	v3 =	vld.idx.msk [tilespmem:v5+s25+$0x0], $0xffff  }
0x58: {  	v4 =	vld [tilespmem:$0x28B0]  }
0x59: {  	v5 =	vld [tilespmem:$0x2930];
	_ =	sdelay $0x1  }
0x5a: {  	v1 =	vmul.f32 v2, v1;
	_ =	sdelay $0x1  }
0x5b: {  	v1 =	vmul.f32 v3, v1;
	_ =	sdelay $0x1  }
0x5c: {  	[tilespmem:$0x2820] =	vst v1;
	v1 =	vld [tilespmem:$0x29B0]  }
0x5d: {  	v2 =	vld.idx.msk [tilespmem:v4+s25+$0x0], $0xffff  }
0x5e: {  	v3 =	vld.idx.msk [tilespmem:v5+s25+$0x0], $0xffff  }
0x5f: {  	v4 =	vld [tilespmem:$0x28C0]  }
0x60: {  	v5 =	vld [tilespmem:$0x2940];
	_ =	sdelay $0x1  }
0x61: {  	v1 =	vmul.f32 v2, v1;
	_ =	sdelay $0x1  }
0x62: {  	v1 =	vmul.f32 v3, v1;
	_ =	sdelay $0x1  }
0x63: {  	[tilespmem:$0x2830] =	vst v1;
	v1 =	vld [tilespmem:$0x29C0]  }
0x64: {  	v2 =	vld.idx.msk [tilespmem:v4+s25+$0x0], $0xffff  }
0x65: {  	v3 =	vld.idx.msk [tilespmem:v5+s25+$0x0], $0xffff  }
0x66: {  	v4 =	vld [tilespmem:$0x28D0]  }
0x67: {  	v5 =	vld [tilespmem:$0x2950];
	_ =	sdelay $0x1  }
0x68: {  	v1 =	vmul.f32 v2, v1;
	_ =	sdelay $0x1  }
0x69: {  	v1 =	vmul.f32 v3, v1;
	_ =	sdelay $0x1  }
0x6a: {  	[tilespmem:$0x2840] =	vst v1;
	v1 =	vld [tilespmem:$0x29D0]  }
0x6b: {  	v2 =	vld.idx.msk [tilespmem:v4+s25+$0x0], $0xffff  }
0x6c: {  	v3 =	vld.idx.msk [tilespmem:v5+s25+$0x0], $0xffff  }
0x6d: {  	v4 =	vld [tilespmem:$0x28E0]  }
0x6e: {  	v5 =	vld [tilespmem:$0x2960];
	_ =	sdelay $0x1  }
0x6f: {  	v1 =	vmul.f32 v2, v1;
	_ =	sdelay $0x1  }
0x70: {  	v1 =	vmul.f32 v3, v1;
	_ =	sdelay $0x1  }
0x71: {  	[tilespmem:$0x2850] =	vst v1;
	v1 =	vld [tilespmem:$0x29E0]  }
0x72: {  	v2 =	vld.idx.msk [tilespmem:v4+s25+$0x0], $0xffff  }
0x73: {  	v3 =	vld.idx.msk [tilespmem:v5+s25+$0x0], $0xffff  }
0x74: {  	v4 =	vld [tilespmem:$0x28F0];
	_ =	sdelay $0x1  }
0x75: {  	v5 =	vld [tilespmem:$0x2970]  }
0x76: {  	v1 =	vmul.f32 v2, v1;
	_ =	sdelay $0x1  }
0x77: {  	v1 =	vmul.f32 v3, v1;
	_ =	sdelay $0x1  }
0x78: {  	[tilespmem:$0x2860] =	vst v1;
	v1 =	vld [tilespmem:$0x29F0]  }
0x79: {  	v2 =	vld.idx.msk [tilespmem:v4+s25+$0x0], $0xffff;
	_ =	sdelay $0x1  }
0x7a: {  	v3 =	vld.idx.msk [tilespmem:v5+s25+$0x0], $0xffff  }
0x7b: {  	v4 =	vmov s25  }
0x7c: {  	v4 =	vand.u32 $0xFFFFFFFC, v4  }
0x7d: {  	v1 =	vmul.f32 v2, v1;
	v2 =	vbroadcast v4, $0x0;
	_ =	sdelay $0x1  }
0x7e: {  	v1 =	vmul.f32 v3, v1;
	_ =	sdelay $0x1  }
0x7f: {  	s28 =	simm.s32 $0x2B80;
	[tilespmem:$0x2870] =	vst v1  }
0x80: {  	v1 =	vld [tilespmem:s28+$0xFFFFFF70]  }
0x81: {  	v2 =	vld.idx.msk [tilespmem:v2+s20+$0x0], $0xffff  }
0x82: {  	v3 =	vld [tilespmem:s28+$0xFFFFFF00]  }
0x83: {  	v4 =	vld [tilespmem:s28+$0xFFFFFF20]  }
0x84: {  	v5 =	vld [tilespmem:s28+$0xFFFFFF50]  }
0x85: {  	v6 =	vld [tilespmem:s28+$0xFFFFFF40]  }
0x86: {  	v7 =	vld [tilespmem:s28+$0xFFFFFF60];
	v1 =	vmul.f32 v1, v2  }
0x87: {  	s29 =	simm.s32 $0x1;
	v8 =	vld [tilespmem:s28+$0xFFFFFF30];
	v3 =	vmul.f32 v3, v2  }
0x88: {  	v9 =	vld [tilespmem:s28+$0xFFFFFF10];
	v4 =	vmul.f32 v4, v2;
	[tilespmem:s28+$0xFFFFFF70] =	vst v1;
	v1 =	vmov s29  }
0x89: {  	v5 =	vmul.f32 v5, v2;
	[tilespmem:s28+$0xFFFFFF00] =	vst v3;
	v1 =	vand.u32 $0xFFFFFFFD, v1  }
0x8a: {  	v3 =	vmul.f32 v6, v2;
	[tilespmem:s28+$0xFFFFFF20] =	vst v4;
	v1 =	vbroadcast v1, $0x0  }
0x8b: {  	v4 =	vmul.f32 v7, v2;
	[tilespmem:s28+$0xFFFFFF50] =	vst v5  }
0x8c: {  	v5 =	vmul.f32 v8, v2;
	[tilespmem:s28+$0xFFFFFF40] =	vst v3  }
0x8d: {  	v2 =	vmul.f32 v9, v2;
	[tilespmem:s28+$0xFFFFFF60] =	vst v4  }
0x8e: {  	v6 =	vld [tilespmem:s28+$0xFFFFFFC0];
	[tilespmem:s28+$0xFFFFFF30] =	vst v5  }
0x8f: {  	[tilespmem:s28+$0xFFFFFF10] =	vst v2;
	v2 =	vld [tilespmem:s28+$0xFFFFFF90]  }
0x90: {  	v3 =	vld.idx.msk [tilespmem:v1+s20+$0x0], $0xffff  }
0x91: {  	v1 =	vld [tilespmem:s28+$0xFFFFFFA0]  }
0x92: {  	v4 =	vld [tilespmem:s28+$0xFFFFFF80]  }
0x93: {  	v5 =	vld [tilespmem:s28+$0xFFFFFFB0]  }
0x94: {  	v7 =	vld [tilespmem:s28+$0xFFFFFFD0]  }
0x95: {  	v8 =	vld [tilespmem:s28+$0xFFFFFFF0];
	v2 =	vmul.f32 v2, v3  }
0x96: {  	s29 =	simm.s32 $0x2;
	v1 =	vmul.f32 v1, v3  }
0x97: {  	v63 =	vld [tilespmem:s28+$0xFFFFFFE0];
	v4 =	vmul.f32 v4, v3;
	[tilespmem:s28+$0xFFFFFF90] =	vst v2;
	v2 =	vmov s29  }
0x98: {  	v5 =	vmul.f32 v5, v3;
	[tilespmem:s28+$0xFFFFFFA0] =	vst v1;
	v1 =	vand.u32 $0xFFFFFFFE, v2  }
0x99: {  	[tilespmem:s28+$0xFFFFFF80] =	vst v4;
	v4 =	vmul.f32 v7, v3;
	v7 =	vld [tilespmem:s28+$0x0];
	v10 =	vbroadcast v1, $0x0  }
0x9a: {  	[tilespmem:s28+$0xFFFFFFB0] =	vst v5;
	v5 =	vmul.f32 v8, v3;
	v2 =	vmul.f32 v6, v3;
	v6 =	vld [tilespmem:s28+$0x60]  }
0x9b: {  	v1 =	vld [tilespmem:s28+$0x20];
	[tilespmem:s28+$0xFFFFFFD0] =	vst v4  }
0x9c: {  	v3 =	vmul.f32 v63, v3;
	[tilespmem:s28+$0xFFFFFFF0] =	vst v5;
	v4 =	vld [tilespmem:s28+$0x40]  }
0x9d: {  	v5 =	vld [tilespmem:s28+$0x10];
	[tilespmem:s28+$0xFFFFFFC0] =	vst v2  }
0x9e: {  	v2 =	vld [tilespmem:s28+$0x30];
	[tilespmem:s28+$0xFFFFFFE0] =	vst v3  }
0x9f: {  	s30 =	simm.s32 $0x4;
	s31 =	simm.s32 $0x2B80;
	s29 =	simm.s32 $0x0;
	v3 =	vld.idx.msk [tilespmem:v10+s20+$0x0], $0xffff  }
.LBB2_5:
0xa0: {  	p0 =	sne.s32 s30, $0x7C  }
0xa1: {  	v8 =	vld [tilespmem:s28+$0x50];
	s31 =	sadd.s32 $0x200, s31;
	s1 =	smov.u32 s30;
	s30 =	sadd.s32 $0x4, s30  }
0xa2: {  	v9 =	vld [tilespmem:s28+$0x70];
	_ =	sdelay $0x1  }
0xa3: {  	v6 =	vmul.f32 v6, v3;
	v7 =	vmul.f32 v7, v3  }
0xa4: {  	v4 =	vmul.f32 v4, v3;
	v5 =	vmul.f32 v5, v3  }
0xa5: {  	v1 =	vmul.f32 v1, v3;
	v2 =	vmul.f32 v2, v3;
	[tilespmem:s28+$0x60] =	vst v6  }
0xa6: {  	[tilespmem:s28+$0x40] =	vst v4;
	v4 =	vmul.f32 v8, v3;
	v3 =	vmul.f32 v9, v3  }
0xa7: {  	s2 =	sadd.s32 $0x3, s29;
	s29 =	smov.u32 s1;
	[tilespmem:s28+$0x20] =	vst v1;
	v6 =	vld [tilespmem:s28+$0x80]  }
0xa8: {  	v1 =	vld [tilespmem:s31+$0x20];
	[tilespmem:s28+$0x0] =	vst v7;
	v7 =	vmov s2  }
0xa9: {  	[tilespmem:s28+$0x50] =	vst v4;
	v4 =	vld [tilespmem:s28+$0xE0]  }
0xaa: {  	[tilespmem:s28+$0x30] =	vst v2;
	v8 =	vld [tilespmem:s28+$0xC0]  }
0xab: {  	v2 =	vld [tilespmem:s31+$0x30];
	[tilespmem:s28+$0x10] =	vst v5  }
0xac: {  	[tilespmem:s28+$0x70] =	vst v3;
	v3 =	vld [tilespmem:s28+$0xA0]  }
0xad: {  	v5 =	vld.idx.msk [tilespmem:v7+s20+$0x0], $0xffff  }
0xae: {  	v7 =	vld [tilespmem:s28+$0x90]  }
0xaf: {  	v9 =	vld [tilespmem:s28+$0xB0]  }
0xb0: {  	v10 =	vld [tilespmem:s28+$0xD0]  }
0xb1: {  	v11 =	vld [tilespmem:s28+$0xF0];
	_ =	sdelay $0x1  }
0xb2: {  	v6 =	vmul.f32 v6, v5;
	v7 =	vmul.f32 v7, v5  }
0xb3: {  	v3 =	vmul.f32 v3, v5;
	v9 =	vmul.f32 v9, v5  }
0xb4: {  	v12 =	vmov s29;
	[tilespmem:s28+$0x80] =	vst v6;
	v6 =	vmul.f32 v8, v5;
	v8 =	vmul.f32 v10, v5  }
0xb5: {  	v10 =	vand.u32 $0xFFFFFFFC, v12;
	[tilespmem:s28+$0xA0] =	vst v3;
	v3 =	vmul.f32 v4, v5;
	v4 =	vmul.f32 v11, v5  }
0xb6: {  	v5 =	vbroadcast v10, $0x0;
	[tilespmem:s28+$0xC0] =	vst v6  }
0xb7: {  	[tilespmem:s28+$0xF0] =	vst v4  }
0xb8: {  	v4 =	vld [tilespmem:s31+$0xFFFFFF40];
	[tilespmem:s28+$0xE0] =	vst v3  }
0xb9: {  	v3 =	vld [tilespmem:s31+$0xFFFFFF50];
	[tilespmem:s28+$0x90] =	vst v7  }
0xba: {  	v6 =	vld [tilespmem:s31+$0xFFFFFF60];
	[tilespmem:s28+$0xB0] =	vst v9  }
0xbb: {  	v7 =	vld [tilespmem:s31+$0xFFFFFF70];
	[tilespmem:s28+$0xD0] =	vst v8;
	s28 =	smov.u32 s31  }
0xbc: {  	v5 =	vld.idx.msk [tilespmem:v5+s20+$0x0], $0xffff  }
0xbd: {  	v8 =	vld [tilespmem:s31+$0xFFFFFF00]  }
0xbe: {  	v9 =	vld [tilespmem:s31+$0xFFFFFF20]  }
0xbf: {  	v10 =	vld [tilespmem:s31+$0xFFFFFF10]  }
0xc0: {  	v11 =	vld [tilespmem:s31+$0xFFFFFF30];
	_ =	sdelay $0x1  }
0xc1: {  	v7 =	vmul.f32 v7, v5;
	v8 =	vmul.f32 v8, v5  }
0xc2: {  	s1 =	sadd.s32 $0x1, s29;
	v6 =	vmul.f32 v6, v5;
	v9 =	vmul.f32 v9, v5  }
0xc3: {  	v3 =	vmul.f32 v3, v5;
	v10 =	vmul.f32 v10, v5;
	[tilespmem:s31+$0xFFFFFF70] =	vst v7;
	v7 =	vmov s1  }
0xc4: {  	v4 =	vmul.f32 v4, v5;
	[tilespmem:s31+$0xFFFFFF00] =	vst v8;
	v8 =	vmul.f32 v11, v5;
	v5 =	vand.u32 $0xFFFFFFFD, v7  }
0xc5: {  	[tilespmem:s31+$0xFFFFFF20] =	vst v9;
	v5 =	vbroadcast v5, $0x0  }
0xc6: {  	[tilespmem:s31+$0xFFFFFF50] =	vst v3  }
0xc7: {  	[tilespmem:s31+$0xFFFFFF40] =	vst v4;
	v3 =	vld [tilespmem:s31+$0xFFFFFFF0]  }
0xc8: {  	[tilespmem:s31+$0xFFFFFF60] =	vst v6;
	v4 =	vld [tilespmem:s31+$0xFFFFFFC0]  }
0xc9: {  	[tilespmem:s31+$0xFFFFFF30] =	vst v8;
	v6 =	vld [tilespmem:s31+$0xFFFFFFD0]  }
0xca: {  	[tilespmem:s31+$0xFFFFFF10] =	vst v10;
	v7 =	vld [tilespmem:s31+$0xFFFFFF90]  }
0xcb: {  	v5 =	vld.idx.msk [tilespmem:v5+s20+$0x0], $0xffff  }
0xcc: {  	v8 =	vld [tilespmem:s31+$0xFFFFFF80]  }
0xcd: {  	v9 =	vld [tilespmem:s31+$0xFFFFFFA0]  }
0xce: {  	v10 =	vld [tilespmem:s31+$0xFFFFFFB0]  }
0xcf: {  	v11 =	vld [tilespmem:s31+$0xFFFFFFE0];
	_ =	sdelay $0x1  }
0xd0: {  	v7 =	vmul.f32 v7, v5;
	v8 =	vmul.f32 v8, v5  }
0xd1: {  	s1 =	sadd.s32 $0x2, s29;
	v6 =	vmul.f32 v6, v5;
	v9 =	vmul.f32 v9, v5  }
0xd2: {  	v4 =	vmul.f32 v4, v5;
	[tilespmem:s31+$0xFFFFFF90] =	vst v7;
	v7 =	vmul.f32 v10, v5;
	v10 =	vmov s1  }
0xd3: {  	v3 =	vmul.f32 v3, v5;
	[tilespmem:s31+$0xFFFFFFA0] =	vst v9;
	v9 =	vmul.f32 v11, v5;
	v5 =	vand.u32 $0xFFFFFFFE, v10  }
0xd4: {  	[tilespmem:s31+$0xFFFFFF80] =	vst v8;
	v5 =	vbroadcast v5, $0x0  }
0xd5: {  	[tilespmem:s31+$0xFFFFFFB0] =	vst v7  }
0xd6: {  	[tilespmem:s31+$0xFFFFFFC0] =	vst v4  }
0xd7: {  	[tilespmem:s31+$0xFFFFFFD0] =	vst v6  }
.Ltmp1:
0xd8: {  	[tilespmem:s31+$0xFFFFFFF0] =	vst v3;
	v4 =	vld [tilespmem:s31+$0x40];
	(pc) =	sbr.rel @p0 .LBB2_5-.Ltmp1, $4  }
0xd9: {  	[tilespmem:s31+$0xFFFFFFE0] =	vst v9;
	v6 =	vld [tilespmem:s31+$0x60]  }
0xda: {  	v3 =	vld.idx.msk [tilespmem:v5+s20+$0x0], $0xffff  }
0xdb: {  	v7 =	vld [tilespmem:s31+$0x0]  }
0xdc: {  	v5 =	vld [tilespmem:s31+$0x10]  }
0xdd: {  	_ =	sdelay $0x1  }
0xde: {  	v6 =	vmul.f32 v6, v3  }
0xdf: {  	v8 =	vld [tilespmem:s28+$0x50];
	v4 =	vmul.f32 v4, v3  }
0xe0: {  	v9 =	vld [tilespmem:s28+$0x70];
	v1 =	vmul.f32 v1, v3;
	[tilespmem:s28+$0x60] =	vst v6  }
0xe1: {  	v54 =	vmul.f32 v7, v3;
	[tilespmem:s28+$0x40] =	vst v4  }
0xe2: {  	s1 =	sadd.s32 $0x3, s29;
	[tilespmem:s28+$0x20] =	vst v1;
	v1 =	vmul.f32 v2, v3  }
0xe3: {  	v56 =	vmov s1;
	v5 =	vmul.f32 v5, v3;
	[tilespmem:s28+$0x0] =	vst v54  }
0xe4: {  	v55 =	vmul.f32 v8, v3;
	[tilespmem:s28+$0x30] =	vst v1  }
0xe5: {  	v3 =	vmul.f32 v9, v3;
	[tilespmem:s28+$0x10] =	vst v5  }
0xe6: {  	[tilespmem:s28+$0x50] =	vst v55  }
0xe7: {  	v2 =	vld [tilespmem:s28+$0x80];
	[tilespmem:s28+$0x70] =	vst v3  }
0xe8: {  	v1 =	vld.idx.msk [tilespmem:v56+s20+$0x0], $0xffff  }
0xe9: {  	v3 =	vld [tilespmem:s28+$0xA0]  }
0xea: {  	v59 =	vld [tilespmem:s28+$0xE0]  }
0xeb: {  	v57 =	vld [tilespmem:s28+$0xC0]  }
0xec: {  	v58 =	vld [tilespmem:s28+$0xF0]  }
0xed: {  	v60 =	vld [tilespmem:s28+$0x90];
	v2 =	vmul.f32 v2, v1  }
0xee: {  	v61 =	vld [tilespmem:s28+$0xB0];
	v3 =	vmul.f32 v3, v1  }
0xef: {  	v62 =	vld [tilespmem:s28+$0xD0];
	v63 =	vmul.f32 v59, v1;
	[tilespmem:s28+$0x80] =	vst v2  }
0xf0: {  	v2 =	vmul.f32 v57, v1;
	[tilespmem:s28+$0xA0] =	vst v3  }
0xf1: {  	v3 =	vmul.f32 v58, v1;
	[tilespmem:s28+$0xE0] =	vst v63  }
0xf2: {  	[tilespmem:s28+$0xC0] =	vst v2;
	v2 =	vmul.f32 v60, v1  }
0xf3: {  	[tilespmem:s28+$0xF0] =	vst v3;
	v3 =	vmul.f32 v61, v1  }
0xf4: {  	s26 =	sadd.s32 $0x1, s26;
	v1 =	vmul.f32 v62, v1;
	[tilespmem:s28+$0x90] =	vst v2  }
0xf5: {  	p0 =	sne.s32 s26, $0x51;
	[tilespmem:s28+$0xB0] =	vst v3  }
.Ltmp2:
0xf6: {  	[tilespmem:s28+$0xD0] =	vst v1;
	(pc) =	sbr.rel @p0 .LBB2_4-.Ltmp2, $4  }
0xf7: {  	[spmem:s3] =	stream.indirect.scatter.add.f32 [tilespmem:s16], [sflag:$0x2], $0x80, s21, s18, $0xb8;
	[tilespmem:$0x1AA80] =	vst v63  }
0xf8: {  	_ =	swait.ge [sflag:s15], $0x4000  }
0xf9: {  	[sflag:s15] =	ssyncset.done $0x0  }
0xfa: {  	[sflag:s15] =	ssyncadd.s32 $0xFFFFC000  }
0xfb: {  	s24 =	sadd.s32 $0x1, s24  }
0xfc: {  	p0 =	sne.s32 s24, s14  }
.Ltmp3:
0xfd: {  	[bflag:$0x0] =	sbarrier.arrive $0xFFFF;
	(pc) =	sbr.rel @p0 .LBB2_1-.Ltmp3, $4  }
0xfe: {  	[hbm:s13], [sflag:s22] =	dma.local [spmem:s23], $0x2800  }
0xff: {  	_ =	swait.ge [sflag:s15], $0x2800  }
0x100: {  	[sflag:s15] =	ssyncset.done $0x0  }
0x101: {  	[sflag:s15] =	ssyncadd.s32 $0xFFFFD800  }
0x102: {  	_ =	sfence.sel $0x180000  }
0x103: {  	[bflag:$0x0] =	sbarrier.arrive $0xFFFF  }
0x104: {  	_ =	strace $0x9000004A  }
0x105: {  	s0 =	stileid.u32;
	[bflag:$0x2] =	sbarrier.arrive $0xFFFF  }
0x106: {  	p0 =	sne.s32 s0, $0x0;
	s0 =	rddreg [dreg:$0x3]  }
0x107: {  	s0 =	sadd.s32 @!p0 $0x100000, s0  }
0x108: {  	[sflag:s0] =	ssyncadd.tile.s32 @!p0 $0x1;
	_ =	shalt  }
.Lfunc_end2:
_tile_overlayer_lowered:
.L_overlay_start_2:
0x109: {  	(tag) =	ssettag $0x2  }
0x10a: {  	s0 =	rddreg [dreg:$0x0];
	s2 =	stileid.u32  }
0x10b: {  	s1 =	rddreg [dreg:$0x1];
	p0 =	sne.s32 s2, $0x0  }
0x10c: {  	s3 =	rddreg [dreg:$0x2];
	[bflag:$0x3] =	sbarrier.arrive $0xFFFF;
	s2 =	simm.s32 @!p0 $0x1C02  }
0x10d: {  	[timem:s3], [sflag:s2] =	dma.local @!p0 [hbm:s0], s1  }
0x10e: {  	s0 =	simm.s32 @!p0 $0x2  }
0x10f: {  	_ =	swait.ge @!p0 [sflag:s0], s1  }
0x110: {  	s1 =	ssub.s32 @!p0 $0x0, s1;
	[sflag:s0] =	ssyncset.done @!p0 $0x0  }
0x111: {  	[sflag:s0] =	ssyncadd.s32 @!p0 s1  }
0x112: {  	[bflag:$0x3] =	sbarrier.arrive $0xFFFF  }
0x113: {  	_ =	shalt  }

// kernel: kernel.14.cloned.1.call-start
scs
__scs_entry_jumppad:
0x0: {  	(pc) =	sbr.rel $0x88, $3  }
0x1: {  	(tag) =	ssettag $0x0;
	lr =	simm.s32 $0x1  }
0x2: {  	[smem:$0x3F8D] =	sst lr;
	_ =	strace $0xD0000000  }
0x3: {  	_ = 	snop  }
0x4: {  	_ = 	snop  }
0x5: {  	_ = 	snop  }
0x6: {  	_ = 	snop  }
0x7: {  	_ = 	snop  }
__scs_overlays_trampoline_lowered:
0x8: {  	[smem:$0x3F9C] =	sst s0  }
0x9: {  	[smem:$0x3F9D] =	sst s1  }
0xa: {  	[smem:$0x3F9E] =	sst s2  }
0xb: {  	[smem:$0x3F9F] =	sst s3  }
0xc: {  	[smem:$0x3FA0] =	sst s4  }
0xd: {  	[smem:$0x3FA1] =	sst s5  }
0xe: {  	[smem:$0x3FA2] =	sst s6  }
0xf: {  	[smem:$0x3FA3] =	sst s7  }
0x10: {  	[smem:$0x3FA4] =	sst s8  }
0x11: {  	[smem:$0x3FA5] =	sst s9;
	s0 =	simm.s32 @!p0 $0x0  }
0x12: {  	s1 =	sld [smem:$0x3F8B];
	s0 =	simm.s32 @p0 $0x1  }
0x13: {  	[smem:$0x3FA6] =	sst s0;
	s0 =	simm.s32 @!p1 $0x0  }
0x14: {  	s2 =	sld [smem:$0x3F8A];
	s0 =	simm.s32 @p1 $0x1  }
0x15: {  	[smem:$0x3FA7] =	sst s0;
	s0 =	simm.s32 @!p2 $0x0  }
0x16: {  	s3 =	sld [smem:$0x3FDB];
	s0 =	simm.s32 @p2 $0x1  }
0x17: {  	s4 =	simm.s32 $0x1BF5;
	[smem:$0x3FA9] =	sst s0  }
0x18: {  	s0 =	sld [smem:$0x3F8C];
	_ =	swait.ge [sflag:s4], $0x0  }
0x19: {  	s7 =	sld [smem:$0x3F8D]  }
0x1a: {  	s8 =	sadd.s32 $0xFFFFE003, lr  }
0x1b: {  	s9 =	sadd.s32 $0xFFFFFEF7, lr;
	s5 =	simm.s32 $0xFFFFFFFF;
	p2 =	slt.u32 s8, $0xFFFFF086  }
0x1c: {  	p1 =	slt.u32 s9, $0xF7A;
	s5 =	simm.s32 @!p2 $0x0  }
0x1d: {  	s5 =	simm.s32 @p1 $0x1;
	p0 =	seq.s32 s7, s2  }
0x1e: {  	s7 =	smul.u32 @!p0 $0xF7A, s2;
	p2 =	seq.s32 @!p0 s5, $0x0  }
0x1f: {  	s9 =	smul.u32 $0xF7A, s1;
	s8 =	simm.s32 @!p0 $0x1BF5;
	p2 =	por !p2, p0  }
0x20: {  	[sflag:s8] =	ssyncset.s32 @!p0 $0xFFFFF086;
	s6 =	sadd.s32 @!p0 s3, s7;
	s7 =	simm.s32 @!p0 $0x108  }
0x21: {  	s3 =	sadd.s32 s3, s9;
	s6 =	sadd.s32 @!p0 $0x88, s6;
	s7 =	simm.s32 @p2 $0x1082  }
0x22: {  	[simem:s7], [sflag:s8] =	dma.local @!p0 [hbm:s6], $0xF7A  }
0x23: {  	s9 =	sor.u32 $0xD0000000, s2;
	s6 =	simm.s32 $0x108;
	_ =	swait.ge @!p0 [sflag:s8], $0x0  }
0x24: {  	s3 =	sadd.s32 $0x88, s3;
	s6 =	simm.s32 @!p1 $0x1082;
	[sflag:s4] =	ssyncset.s32 $0xFFFFF086  }
0x25: {  	[simem:s6], [sflag:s4] =	dma.local [hbm:s3], $0xF7A  }
0x26: {  	[smem:$0x3F8D] =	sst s1;
	(tag) =	ssettag s2;
	_ =	strace s9  }
0x27: {  	s1 =	sld [smem:$0x3F9D]  }
0x28: {  	s2 =	sld [smem:$0x3F9E]  }
0x29: {  	s4 =	sld [smem:$0x3FA0]  }
0x2a: {  	p0 =	seq.s32 s5, $0x0;
	s5 =	sld [smem:$0x3FA1]  }
0x2b: {  	s6 =	sld [smem:$0x3FA2]  }
0x2c: {  	s7 =	sld [smem:$0x3FA3]  }
0x2d: {  	s3 =	simm.s32 $0x108;
	s8 =	sld [smem:$0x3FA4]  }
0x2e: {  	s3 =	simm.s32 @!p0 $0x1082;
	s9 =	sld [smem:$0x3FA5]  }
0x2f: {  	lr =	sadd.s32 s0, s3;
	s0 =	sld [smem:$0x3F9C]  }
0x30: {  	s3 =	sld [smem:$0x3F9F]  }
0x31: {  	[smem:$0x3FA8] =	sst s10  }
0x32: {  	s10 =	sld [smem:$0x3FA6];
	_ =	sdelay $0x3  }
0x33: {  	p0 =	seq.s32 s10, $0x1;
	s10 =	sld [smem:$0x3FA8];
	_ =	sdelay $0x3  }
0x34: {  	[smem:$0x3FA8] =	sst s10  }
0x35: {  	s10 =	sld [smem:$0x3FA7];
	_ =	sdelay $0x3  }
0x36: {  	p1 =	seq.s32 s10, $0x1;
	s10 =	sld [smem:$0x3FA8];
	_ =	sdelay $0x3  }
0x37: {  	[smem:$0x3FA8] =	sst s10  }
0x38: {  	s10 =	sld [smem:$0x3FA9]  }
0x39: {  	_ = 	snop;
	(pc) =	sbr.ind lr, $3  }
0x3a: {  	_ = 	snop  }
0x3b: {  	_ = 	snop  }
0x3c: {  	p2 =	seq.s32 s10, $0x1;
	s10 =	sld [smem:$0x3FA8]  }
0x3d: {  	_ =	shalt  }
0x3e: {  	_ =	shalt  }
0x3f: {  	_ =	shalt  }
0x40: {  	_ =	shalt  }
0x41: {  	_ =	shalt  }
0x42: {  	_ =	shalt  }
0x43: {  	_ =	shalt  }
0x44: {  	_ =	shalt  }
0x45: {  	_ =	shalt  }
0x46: {  	_ =	shalt  }
0x47: {  	_ =	shalt  }
0x48: {  	_ =	shalt  }
0x49: {  	_ =	shalt  }
0x4a: {  	_ =	shalt  }
0x4b: {  	_ =	shalt  }
0x4c: {  	_ =	shalt  }
0x4d: {  	_ =	shalt  }
0x4e: {  	_ =	shalt  }
0x4f: {  	_ =	shalt  }
0x50: {  	_ =	shalt  }
0x51: {  	_ =	shalt  }
0x52: {  	_ =	shalt  }
0x53: {  	_ =	shalt  }
0x54: {  	_ =	shalt  }
0x55: {  	_ =	shalt  }
0x56: {  	_ =	shalt  }
0x57: {  	_ =	shalt  }
0x58: {  	_ =	shalt  }
0x59: {  	_ =	shalt  }
0x5a: {  	_ =	shalt  }
0x5b: {  	_ =	shalt  }
0x5c: {  	_ =	shalt  }
0x5d: {  	_ =	shalt  }
0x5e: {  	_ =	shalt  }
0x5f: {  	_ =	shalt  }
0x60: {  	_ =	shalt  }
0x61: {  	_ =	shalt  }
0x62: {  	_ =	shalt  }
0x63: {  	_ =	shalt  }
0x64: {  	_ =	shalt  }
0x65: {  	_ =	shalt  }
0x66: {  	_ =	shalt  }
0x67: {  	_ =	shalt  }
0x68: {  	_ =	shalt  }
0x69: {  	_ =	shalt  }
0x6a: {  	_ =	shalt  }
0x6b: {  	_ =	shalt  }
0x6c: {  	_ =	shalt  }
0x6d: {  	_ =	shalt  }
0x6e: {  	_ =	shalt  }
0x6f: {  	_ =	shalt  }
0x70: {  	_ =	shalt  }
0x71: {  	_ =	shalt  }
0x72: {  	_ =	shalt  }
0x73: {  	_ =	shalt  }
0x74: {  	_ =	shalt  }
0x75: {  	_ =	shalt  }
0x76: {  	_ =	shalt  }
0x77: {  	_ =	shalt  }
0x78: {  	_ =	shalt  }
0x79: {  	_ =	shalt  }
0x7a: {  	_ =	shalt  }
0x7b: {  	_ =	shalt  }
0x7c: {  	_ =	shalt  }
0x7d: {  	_ =	shalt  }
0x7e: {  	_ =	shalt  }
0x7f: {  	_ =	shalt  }
0x80: {  	_ =	shalt  }
0x81: {  	_ =	shalt  }
0x82: {  	_ =	shalt  }
0x83: {  	_ =	shalt  }
0x84: {  	_ =	shalt  }
0x85: {  	_ =	shalt  }
0x86: {  	_ =	shalt  }
0x87: {  	_ =	shalt  }
.Lfunc_end0:
.L_simem_size_0:
called_computation.2_lowered:
.L_overlay_start_0:
0x88: {  	s2 =	sld [smem:$0x3FD9]  }
0x89: {  	s3 =	sld [smem:$0x3FFE];
	_ =	sdelay $0x1  }
0x8a: {  	s1 =	srdreg.scid  }
0x8b: {  	s0 =	sand.u32 $0x1, s1  }
0x8c: {  	s17 =	sshll.u32 s0, $0xA;
	s2 =	sadd.s32 s3, s2  }
0x8d: {  	s2 =	sadd.s32 s2, s17  }
0x8e: {  	[smem:$0x3FB4] =	sst s2  }
0x8f: {  	_ = 	snop  }
0x90: {  	s2 =	sld [smem:$0x3FD0];
	(tm) =	ssettm $0x1  }
0x91: {  	s18 =	sld [smem:$0x3FFB];
	_ =	sdelay $0x3  }
0x92: {  	_ =	strace s18  }
0x93: {  	s3 =	sld [smem:$0x3FFC];
	_ =	sdelay $0x3  }
0x94: {  	_ =	strace s3  }
0x95: {  	s3 =	sld [smem:$0x3FFD];
	_ =	sdelay $0x3  }
0x96: {  	_ =	strace s3  }
0x97: {  	_ =	strace $0x8FFFFFFF  }
0x98: {  	s19 =	sld [smem:$0x3FDB];
	_ =	sdelay $0x1  }
0x99: {  	s4 =	simm.s32 $_scs_section_size  }
0x9a: {  	s5 =	simm.s32 $_size__tile_overlayer_lowered;
	s6 =	simm.s32 $_tile_overlayer_lowered  }
0x9b: {  	s22 =	simm.s32 $0x1BFF;
	s21 =	sshll.u32 s6, $0x1;
	s3 =	sadd.s32 s4, s19  }
0x9c: {  	s7 =	simm.s32 $0x0;
	s20 =	sshll.u32 s5, $0x1;
	s5 =	sadd.s32 s21, s3  }
0x9d: {  	[timem:s7], [sflag:s22] =	dma.local [hbm:s5], s20  }
0x9e: {  	_ =	swait.ge [sflag:s22], s20  }
0x9f: {  	s4 =	ssub.s32 $0x0, s20;
	[sflag:s22] =	ssyncset.done $0x0  }
0xa0: {  	[sflag:s22] =	ssyncadd.s32 s4;
	_ =	sdelay $0x1  }
0xa1: {  	s23 =	simm.s32 $0x1B8B  }
0xa2: {  	_ =	swait.ge [sflag:s23], $0x1  }
0xa3: {  	[sflag:s23] =	ssyncset.done $0x0  }
0xa4: {  	s25 =	simm.s32 $0x1B8E;
	s24 =	sld [smem:$0x3FFE];
	[sflag:s23] =	ssyncadd.s32 $0xFFFFFFFF  }
0xa5: {  	s26 =	simm.s32 $execute0_lowered;
	[smem:$0x3FD2] =	sst s25  }
0xa6: {  	s5 =	sshll.u32 s26, $0x1;
	_ =	strace $0x8000004C;
	[dreg:$0x1] =	wrdreg $0xFFFFFFFF  }
0xa7: {  	s28 =	simm.s32 $_size_execute0_lowered;
	s3 =	sadd.s32 s3, s5;
	[dreg:$0x0] =	wrdreg $0x0  }
0xa8: {  	s5 =	sshll.u32 s28, $0x1;
	[dreg:$0x2] =	wrdreg s3  }
0xa9: {  	[dreg:$0x3] =	wrdreg s5  }
0xaa: {  	[dreg:$0x4] =	wrdreg $0xC0  }
0xab: {  	_ =	task [dreg:s7], $0x5FFFF  }
0xac: {  	[dreg:$0x1] =	wrdreg $0xFFFFFFFF  }
0xad: {  	[dreg:$0x0] =	wrdreg $0x60  }
0xae: {  	[dreg:$0x2] =	wrdreg s2  }
0xaf: {  	[dreg:$0x3] =	wrdreg s24  }
0xb0: {  	[dreg:$0x4] =	wrdreg $0x6A800  }
0xb1: {  	[dreg:$0x5] =	wrdreg $0x9  }
0xb2: {  	_ =	task.clear_ibuf [dreg:s7], $0x6FFFF;
	_ =	strace $0x9000004C  }
0xb3: {  	s29 =	simm.s32 $0x9;
	_ =	strace $0x8000004E  }
0xb4: {  	_ =	swait.ge [sflag:s29], $0x1  }
0xb5: {  	[sflag:s29] =	ssyncadd.s32 $0xFFFFFFFF  }
0xb6: {  	_ =	strace $0x9000004E  }
0xb7: {  	_ =	sfence  }
0xb8: {  	s30 =	sld [smem:$0x0];
	_ =	sdelay $0x2  }
0xb9: {  	s31 =	sshll.u32 s1, $0xD;
	s1 =	sshrl.u32 s1, $0x2  }
0xba: {  	s3 =	sand.u32 $0x4000, s31;
	s1 =	sadd.s32 s1, s30  }
0xbb: {  	s0 =	sor.u32 s3, s0;
	s1 =	sshll.u32 s1, $0x11  }
0xbc: {  	s0 =	sor.u32 s1, s0  }
0xbd: {  	s0 =	sadd.s32 $0x8F2B, s0  }
0xbe: {  	[sflag:s0] =	ssyncadd.remote.s32 $0x1  }
0xbf: {  	_ =	sfence.sel $0xFFFF  }
0xc0: {  	[dreg:$0x0] =	wrdreg $0xFFFFFFFF;
	(pc) =	sbr.abs _section_cstart, $3  }
0xc1: {  	[dreg:$0x1] =	wrdreg $0xFFFFFFFF  }
0xc2: {  	_ =	task.clear_ibuf [dreg:s7], $0x2FFFF;
	_ =	strace $0x9FFFFFFF  }
0xc3: {  	(tm) =	ssettm $0x7FFFFFFF  }
tec
execute0_lowered:
.L_overlay_start_1:
0x0: {  	(tag) =	ssettag $0x1  }
0x1: {  	s0 =	rddreg [dreg:$0x0]  }
0x2: {  	s7 =	rddreg [dreg:$0x1];
	s1 =	srdreg.scid  }
0x3: {  	s3 =	rddreg [dreg:$0x2];
	s29 =	stileid.u32;
	s4 =	simm.s32 $0x0  }
0x4: {  	s15 =	simm.s32 $0x2;
	s16 =	simm.s32 $0x2A80;
	s17 =	simm.s32 $0x2880  }
0x5: {  	s18 =	simm.s32 $0x80;
	s19 =	simm.s32 $0x1;
	s20 =	simm.s32 $0x2800  }
0x6: {  	s21 =	simm.s32 $0x2900;
	s24 =	simm.s32 $0x0;
	s6 =	smul.u32 $0x14000, s29  }
0x7: {  	s8 =	sand.u32 $0x1, s1;
	[smem:$0x7FF] =	sst s4;
	s10 =	smul.u32 $0x50000, s29  }
0x8: {  	s22 =	sshll.u32 s29, $0x6;
	s5 =	smul.u32 $0x140000, s8;
	_ =	strace $0x8000004D  }
0x9: {  	s30 =	ssub.s32 $0x2, s8;
	s8 =	sshll.u32 s8, $0x4;
	s22 =	sor.u32 $0x1C02, s22  }
0xa: {  	s31 =	sshrl.u32 s30, $0x1;
	s10 =	sshrl.u32 s10, $0x2;
	s12 =	sor.u32 s29, s8  }
0xb: {  	s6 =	sadd.s32 s6, s5;
	s5 =	sadd.s32 $0x41400, s7;
	s14 =	ssub.s32 s30, s31  }
0xc: {  	s12 =	smul.u32 $0xA200, s12;
	s9 =	sshrl.u32 s6, $0x3;
	s6 =	sadd.s32 $0x4C00, s7  }
0xd: {  	s14 =	smax.u32 s14, $0x1;
	s13 =	sadd.s32 s9, s7;
	s7 =	sadd.s32 s10, s3  }
0xe: {  	s8 =	sadd.s32 $0x4000, s7;
	s9 =	sadd.s32 $0x8000, s7;
	s10 =	sadd.s32 $0xC000, s7  }
0xf: {  	v0 =	vimm.f32 $0.0e+00;
	s11 =	sadd.s32 $0x10000, s7;
	s13 =	sadd.s32 $0x69C00, s13;
	s23 =	sshrl.u32 s7, $0x3  }
.LBB2_1:
0x10: {  	[tilespmem:s4], [sflag:$0x2] =	stream.linear.gather [hbm4b:s6+s4], $0x2800, $0x38;
	[tilespmem:$0x1AA80] =	vst v63  }
0x11: {  	_ =	swait.ge [sflag:s15], $0x2800  }
0x12: {  	[sflag:s15] =	ssyncset.done $0x0  }
0x13: {  	s25 =	simm.s32 $0x0;
	s26 =	simm.s32 $0x200;
	[sflag:s15] =	ssyncadd.s32 $0xFFFFD800  }
.LBB2_2:
0x14: {  	p0 =	sne.s32 s26, $0xFE00;
	[tilespmem:s25+$0x2AF0] =	vst v0  }
0x15: {  	[tilespmem:s25+$0x2A80] =	vst v0  }
0x16: {  	[tilespmem:s25+$0x2A90] =	vst v0  }
.Ltmp0:
0x17: {  	[tilespmem:s25+$0x2AA0] =	vst v0;
	(pc) =	sbr.rel @p0 .LBB2_2-.Ltmp0, $4  }
0x18: {  	[tilespmem:s25+$0x2AB0] =	vst v0  }
0x19: {  	[tilespmem:s25+$0x2AC0] =	vst v0  }
0x1a: {  	[tilespmem:s25+$0x2AD0] =	vst v0  }
0x1b: {  	[tilespmem:s25+$0x2AE0] =	vst v0;
	s25 =	sshra.s32 s26, $0x2;
	s26 =	sadd.s32 $0x200, s26  }
0x1c: {  	[tilespmem:s25+$0x2AF0] =	vst v0  }
0x1d: {  	[tilespmem:s25+$0x2A80] =	vst v0  }
0x1e: {  	[tilespmem:s25+$0x2A90] =	vst v0  }
0x1f: {  	[tilespmem:s25+$0x2AA0] =	vst v0  }
0x20: {  	[tilespmem:s25+$0x2AB0] =	vst v0  }
0x21: {  	[tilespmem:s25+$0x2AC0] =	vst v0  }
0x22: {  	[tilespmem:s25+$0x2AD0] =	vst v0  }
0x23: {  	[tilespmem:s25+$0x2AE0] =	vst v0  }
0x24: {  	[spmem:s7] =	stream.linear.scatter [tilespmem:s16], [sflag:$0x2], $0x4000, $0x38;
	[tilespmem:$0x1AA80] =	vst v63  }
0x25: {  	_ =	swait.ge [sflag:s15], $0x4000  }
0x26: {  	[sflag:s15] =	ssyncset.done $0x0  }
0x27: {  	[sflag:s15] =	ssyncadd.s32 $0xFFFFC000  }
0x28: {  	[spmem:s8] =	stream.linear.scatter [tilespmem:s16], [sflag:$0x2], $0x4000, $0x38;
	[tilespmem:$0x1AA80] =	vst v63  }
0x29: {  	_ =	swait.ge [sflag:s15], $0x4000  }
0x2a: {  	[sflag:s15] =	ssyncset.done $0x0  }
0x2b: {  	[sflag:s15] =	ssyncadd.s32 $0xFFFFC000  }
0x2c: {  	[spmem:s9] =	stream.linear.scatter [tilespmem:s16], [sflag:$0x2], $0x4000, $0x38;
	[tilespmem:$0x1AA80] =	vst v63  }
0x2d: {  	_ =	swait.ge [sflag:s15], $0x4000  }
0x2e: {  	[sflag:s15] =	ssyncset.done $0x0  }
0x2f: {  	[sflag:s15] =	ssyncadd.s32 $0xFFFFC000  }
0x30: {  	[spmem:s10] =	stream.linear.scatter [tilespmem:s16], [sflag:$0x2], $0x4000, $0x38;
	[tilespmem:$0x1AA80] =	vst v63  }
0x31: {  	_ =	swait.ge [sflag:s15], $0x4000  }
0x32: {  	[sflag:s15] =	ssyncset.done $0x0  }
0x33: {  	[sflag:s15] =	ssyncadd.s32 $0xFFFFC000  }
0x34: {  	[spmem:s11] =	stream.linear.scatter [tilespmem:s16], [sflag:$0x2], $0x4000, $0x38;
	[tilespmem:$0x1AA80] =	vst v63  }
0x35: {  	_ =	swait.ge [sflag:s15], $0x4000  }
0x36: {  	[sflag:s15] =	ssyncset.done $0x0  }
0x37: {  	[sflag:s15] =	ssyncadd.s32 $0xFFFFC000  }
0x38: {  	s25 =	simm.s32 $0x0;
	s26 =	simm.s32 $0x0;
	[bflag:$0x0] =	sbarrier.arrive $0xFFFF  }
.LBB2_4:
0x39: {  	s28 =	sshll.u32 s26, $0x9  }
0x3a: {  	s28 =	sadd.s32 s12, s28  }
0x3b: {  	s28 =	sshrl.u32 s28, $0x3  }
0x3c: {  	s28 =	sadd.s32 s5, s28  }
0x3d: {  	[tilespmem:s17], [sflag:$0x2] =	stream.linear.gather [hbm4b:s28+s25], $0x180, $0x38;
	[tilespmem:$0x1AA80] =	vst v63  }
0x3e: {  	_ =	swait.ge [sflag:s15], $0x180  }
0x3f: {  	[sflag:s15] =	ssyncset.done $0x0  }
0x40: {  	[sflag:s15] =	ssyncadd.s32 $0xFFFFFE80  }
0x41: {  	[tilespmem:s16], [sflag:$0x1] =	stream.indirect.gather [hbm4b:s0+s18], $0x80, s17, s18, $0xb8;
	[tilespmem:$0x1AA80] =	vst v63  }
0x42: {  	_ =	swait.ge [sflag:s19], $0x4000  }
0x43: {  	[sflag:s19] =	ssyncset.done $0x0  }
0x44: {  	[sflag:s19] =	ssyncadd.s32 $0xFFFFC000  }
0x45: {  	v1 =	vld [tilespmem:$0x2880];
	_ =	sdelay $0x1  }
0x46: {  	v2 =	vld [tilespmem:$0x2900];
	_ =	sdelay $0x4  }
0x47: {  	v3 =	vld [tilespmem:$0x2980]  }
0x48: {  	v1 =	vld.idx.msk [tilespmem:v1+s25+$0x0], $0xffff  }
0x49: {  	v4 =	vld [tilespmem:$0x2890]  }
0x4a: {  	v2 =	vld.idx.msk [tilespmem:v2+s25+$0x0], $0xffff  }
0x4b: {  	v5 =	vld [tilespmem:$0x2910];
	_ =	sdelay $0x1  }
0x4c: {  	v1 =	vmul.f32 v1, v3;
	_ =	sdelay $0x1  }
0x4d: {  	v1 =	vmul.f32 v2, v1;
	_ =	sdelay $0x1  }
0x4e: {  	[tilespmem:$0x2800] =	vst v1;
	v1 =	vld [tilespmem:$0x2990]  }
0x4f: {  	v2 =	vld.idx.msk [tilespmem:v4+s25+$0x0], $0xffff  }
0x50: {  	v3 =	vld.idx.msk [tilespmem:v5+s25+$0x0], $0xffff  }
0x51: {  	v4 =	vld [tilespmem:$0x28A0]  }
0x52: {  	v5 =	vld [tilespmem:$0x2920];
	_ =	sdelay $0x1  }
0x53: {  	v1 =	vmul.f32 v2, v1;
	_ =	sdelay $0x1  }
0x54: {  	v1 =	vmul.f32 v3, v1;
	_ =	sdelay $0x1  }
0x55: {  	[tilespmem:$0x2810] =	vst v1;
	v1 =	vld [tilespmem:$0x29A0]  }
0x56: {  	v2 =	vld.idx.msk [tilespmem:v4+s25+$0x0], $0xffff  }
0x57: {  	v3 =	vld.idx.msk [tilespmem:v5+s25+$0x0], $0xffff  }
0x58: {  	v4 =	vld [tilespmem:$0x28B0]  }
0x59: {  	v5 =	vld [tilespmem:$0x2930];
	_ =	sdelay $0x1  }
0x5a: {  	v1 =	vmul.f32 v2, v1;
	_ =	sdelay $0x1  }
0x5b: {  	v1 =	vmul.f32 v3, v1;
	_ =	sdelay $0x1  }
0x5c: {  	[tilespmem:$0x2820] =	vst v1;
	v1 =	vld [tilespmem:$0x29B0]  }
0x5d: {  	v2 =	vld.idx.msk [tilespmem:v4+s25+$0x0], $0xffff  }
0x5e: {  	v3 =	vld.idx.msk [tilespmem:v5+s25+$0x0], $0xffff  }
0x5f: {  	v4 =	vld [tilespmem:$0x28C0]  }
0x60: {  	v5 =	vld [tilespmem:$0x2940];
	_ =	sdelay $0x1  }
0x61: {  	v1 =	vmul.f32 v2, v1;
	_ =	sdelay $0x1  }
0x62: {  	v1 =	vmul.f32 v3, v1;
	_ =	sdelay $0x1  }
0x63: {  	[tilespmem:$0x2830] =	vst v1;
	v1 =	vld [tilespmem:$0x29C0]  }
0x64: {  	v2 =	vld.idx.msk [tilespmem:v4+s25+$0x0], $0xffff  }
0x65: {  	v3 =	vld.idx.msk [tilespmem:v5+s25+$0x0], $0xffff  }
0x66: {  	v4 =	vld [tilespmem:$0x28D0]  }
0x67: {  	v5 =	vld [tilespmem:$0x2950];
	_ =	sdelay $0x1  }
0x68: {  	v1 =	vmul.f32 v2, v1;
	_ =	sdelay $0x1  }
0x69: {  	v1 =	vmul.f32 v3, v1;
	_ =	sdelay $0x1  }
0x6a: {  	[tilespmem:$0x2840] =	vst v1;
	v1 =	vld [tilespmem:$0x29D0]  }
0x6b: {  	v2 =	vld.idx.msk [tilespmem:v4+s25+$0x0], $0xffff  }
0x6c: {  	v3 =	vld.idx.msk [tilespmem:v5+s25+$0x0], $0xffff  }
0x6d: {  	v4 =	vld [tilespmem:$0x28E0]  }
0x6e: {  	v5 =	vld [tilespmem:$0x2960];
	_ =	sdelay $0x1  }
0x6f: {  	v1 =	vmul.f32 v2, v1;
	_ =	sdelay $0x1  }
0x70: {  	v1 =	vmul.f32 v3, v1;
	_ =	sdelay $0x1  }
0x71: {  	[tilespmem:$0x2850] =	vst v1;
	v1 =	vld [tilespmem:$0x29E0]  }
0x72: {  	v2 =	vld.idx.msk [tilespmem:v4+s25+$0x0], $0xffff  }
0x73: {  	v3 =	vld.idx.msk [tilespmem:v5+s25+$0x0], $0xffff  }
0x74: {  	v4 =	vld [tilespmem:$0x28F0];
	_ =	sdelay $0x1  }
0x75: {  	v5 =	vld [tilespmem:$0x2970]  }
0x76: {  	v1 =	vmul.f32 v2, v1;
	_ =	sdelay $0x1  }
0x77: {  	v1 =	vmul.f32 v3, v1;
	_ =	sdelay $0x1  }
0x78: {  	[tilespmem:$0x2860] =	vst v1;
	v1 =	vld [tilespmem:$0x29F0]  }
0x79: {  	v2 =	vld.idx.msk [tilespmem:v4+s25+$0x0], $0xffff;
	_ =	sdelay $0x1  }
0x7a: {  	v3 =	vld.idx.msk [tilespmem:v5+s25+$0x0], $0xffff  }
0x7b: {  	v4 =	vmov s25  }
0x7c: {  	v4 =	vand.u32 $0xFFFFFFFC, v4  }
0x7d: {  	v1 =	vmul.f32 v2, v1;
	v2 =	vbroadcast v4, $0x0;
	_ =	sdelay $0x1  }
0x7e: {  	v1 =	vmul.f32 v3, v1;
	_ =	sdelay $0x1  }
0x7f: {  	s28 =	simm.s32 $0x2B80;
	[tilespmem:$0x2870] =	vst v1  }
0x80: {  	v1 =	vld [tilespmem:s28+$0xFFFFFF70]  }
0x81: {  	v2 =	vld.idx.msk [tilespmem:v2+s20+$0x0], $0xffff  }
0x82: {  	v3 =	vld [tilespmem:s28+$0xFFFFFF00]  }
0x83: {  	v4 =	vld [tilespmem:s28+$0xFFFFFF20]  }
0x84: {  	v5 =	vld [tilespmem:s28+$0xFFFFFF50]  }
0x85: {  	v6 =	vld [tilespmem:s28+$0xFFFFFF40]  }
0x86: {  	v7 =	vld [tilespmem:s28+$0xFFFFFF60];
	v1 =	vmul.f32 v1, v2  }
0x87: {  	s29 =	simm.s32 $0x1;
	v8 =	vld [tilespmem:s28+$0xFFFFFF30];
	v3 =	vmul.f32 v3, v2  }
0x88: {  	v9 =	vld [tilespmem:s28+$0xFFFFFF10];
	v4 =	vmul.f32 v4, v2;
	[tilespmem:s28+$0xFFFFFF70] =	vst v1;
	v1 =	vmov s29  }
0x89: {  	v5 =	vmul.f32 v5, v2;
	[tilespmem:s28+$0xFFFFFF00] =	vst v3;
	v1 =	vand.u32 $0xFFFFFFFD, v1  }
0x8a: {  	v3 =	vmul.f32 v6, v2;
	[tilespmem:s28+$0xFFFFFF20] =	vst v4;
	v1 =	vbroadcast v1, $0x0  }
0x8b: {  	v4 =	vmul.f32 v7, v2;
	[tilespmem:s28+$0xFFFFFF50] =	vst v5  }
0x8c: {  	v5 =	vmul.f32 v8, v2;
	[tilespmem:s28+$0xFFFFFF40] =	vst v3  }
0x8d: {  	v2 =	vmul.f32 v9, v2;
	[tilespmem:s28+$0xFFFFFF60] =	vst v4  }
0x8e: {  	v6 =	vld [tilespmem:s28+$0xFFFFFFC0];
	[tilespmem:s28+$0xFFFFFF30] =	vst v5  }
0x8f: {  	[tilespmem:s28+$0xFFFFFF10] =	vst v2;
	v2 =	vld [tilespmem:s28+$0xFFFFFF90]  }
0x90: {  	v3 =	vld.idx.msk [tilespmem:v1+s20+$0x0], $0xffff  }
0x91: {  	v1 =	vld [tilespmem:s28+$0xFFFFFFA0]  }
0x92: {  	v4 =	vld [tilespmem:s28+$0xFFFFFF80]  }
0x93: {  	v5 =	vld [tilespmem:s28+$0xFFFFFFB0]  }
0x94: {  	v7 =	vld [tilespmem:s28+$0xFFFFFFD0]  }
0x95: {  	v8 =	vld [tilespmem:s28+$0xFFFFFFF0];
	v2 =	vmul.f32 v2, v3  }
0x96: {  	s29 =	simm.s32 $0x2;
	v1 =	vmul.f32 v1, v3  }
0x97: {  	v63 =	vld [tilespmem:s28+$0xFFFFFFE0];
	v4 =	vmul.f32 v4, v3;
	[tilespmem:s28+$0xFFFFFF90] =	vst v2;
	v2 =	vmov s29  }
0x98: {  	v5 =	vmul.f32 v5, v3;
	[tilespmem:s28+$0xFFFFFFA0] =	vst v1;
	v1 =	vand.u32 $0xFFFFFFFE, v2  }
0x99: {  	[tilespmem:s28+$0xFFFFFF80] =	vst v4;
	v4 =	vmul.f32 v7, v3;
	v7 =	vld [tilespmem:s28+$0x0];
	v10 =	vbroadcast v1, $0x0  }
0x9a: {  	[tilespmem:s28+$0xFFFFFFB0] =	vst v5;
	v5 =	vmul.f32 v8, v3;
	v2 =	vmul.f32 v6, v3;
	v6 =	vld [tilespmem:s28+$0x60]  }
0x9b: {  	v1 =	vld [tilespmem:s28+$0x20];
	[tilespmem:s28+$0xFFFFFFD0] =	vst v4  }
0x9c: {  	v3 =	vmul.f32 v63, v3;
	[tilespmem:s28+$0xFFFFFFF0] =	vst v5;
	v4 =	vld [tilespmem:s28+$0x40]  }
0x9d: {  	v5 =	vld [tilespmem:s28+$0x10];
	[tilespmem:s28+$0xFFFFFFC0] =	vst v2  }
0x9e: {  	v2 =	vld [tilespmem:s28+$0x30];
	[tilespmem:s28+$0xFFFFFFE0] =	vst v3  }
0x9f: {  	s30 =	simm.s32 $0x4;
	s31 =	simm.s32 $0x2B80;
	s29 =	simm.s32 $0x0;
	v3 =	vld.idx.msk [tilespmem:v10+s20+$0x0], $0xffff  }
.LBB2_5:
0xa0: {  	p0 =	sne.s32 s30, $0x7C  }
0xa1: {  	v8 =	vld [tilespmem:s28+$0x50];
	s31 =	sadd.s32 $0x200, s31;
	s1 =	smov.u32 s30;
	s30 =	sadd.s32 $0x4, s30  }
0xa2: {  	v9 =	vld [tilespmem:s28+$0x70];
	_ =	sdelay $0x1  }
0xa3: {  	v6 =	vmul.f32 v6, v3;
	v7 =	vmul.f32 v7, v3  }
0xa4: {  	v4 =	vmul.f32 v4, v3;
	v5 =	vmul.f32 v5, v3  }
0xa5: {  	v1 =	vmul.f32 v1, v3;
	v2 =	vmul.f32 v2, v3;
	[tilespmem:s28+$0x60] =	vst v6  }
0xa6: {  	[tilespmem:s28+$0x40] =	vst v4;
	v4 =	vmul.f32 v8, v3;
	v3 =	vmul.f32 v9, v3  }
0xa7: {  	s2 =	sadd.s32 $0x3, s29;
	s29 =	smov.u32 s1;
	[tilespmem:s28+$0x20] =	vst v1;
	v6 =	vld [tilespmem:s28+$0x80]  }
0xa8: {  	v1 =	vld [tilespmem:s31+$0x20];
	[tilespmem:s28+$0x0] =	vst v7;
	v7 =	vmov s2  }
0xa9: {  	[tilespmem:s28+$0x50] =	vst v4;
	v4 =	vld [tilespmem:s28+$0xE0]  }
0xaa: {  	[tilespmem:s28+$0x30] =	vst v2;
	v8 =	vld [tilespmem:s28+$0xC0]  }
0xab: {  	v2 =	vld [tilespmem:s31+$0x30];
	[tilespmem:s28+$0x10] =	vst v5  }
0xac: {  	[tilespmem:s28+$0x70] =	vst v3;
	v3 =	vld [tilespmem:s28+$0xA0]  }
0xad: {  	v5 =	vld.idx.msk [tilespmem:v7+s20+$0x0], $0xffff  }
0xae: {  	v7 =	vld [tilespmem:s28+$0x90]  }
0xaf: {  	v9 =	vld [tilespmem:s28+$0xB0]  }
0xb0: {  	v10 =	vld [tilespmem:s28+$0xD0]  }
0xb1: {  	v11 =	vld [tilespmem:s28+$0xF0];
	_ =	sdelay $0x1  }
0xb2: {  	v6 =	vmul.f32 v6, v5;
	v7 =	vmul.f32 v7, v5  }
0xb3: {  	v3 =	vmul.f32 v3, v5;
	v9 =	vmul.f32 v9, v5  }
0xb4: {  	v12 =	vmov s29;
	[tilespmem:s28+$0x80] =	vst v6;
	v6 =	vmul.f32 v8, v5;
	v8 =	vmul.f32 v10, v5  }
0xb5: {  	v10 =	vand.u32 $0xFFFFFFFC, v12;
	[tilespmem:s28+$0xA0] =	vst v3;
	v3 =	vmul.f32 v4, v5;
	v4 =	vmul.f32 v11, v5  }
0xb6: {  	v5 =	vbroadcast v10, $0x0;
	[tilespmem:s28+$0xC0] =	vst v6  }
0xb7: {  	[tilespmem:s28+$0xF0] =	vst v4  }
0xb8: {  	v4 =	vld [tilespmem:s31+$0xFFFFFF40];
	[tilespmem:s28+$0xE0] =	vst v3  }
0xb9: {  	v3 =	vld [tilespmem:s31+$0xFFFFFF50];
	[tilespmem:s28+$0x90] =	vst v7  }
0xba: {  	v6 =	vld [tilespmem:s31+$0xFFFFFF60];
	[tilespmem:s28+$0xB0] =	vst v9  }
0xbb: {  	v7 =	vld [tilespmem:s31+$0xFFFFFF70];
	[tilespmem:s28+$0xD0] =	vst v8;
	s28 =	smov.u32 s31  }
0xbc: {  	v5 =	vld.idx.msk [tilespmem:v5+s20+$0x0], $0xffff  }
0xbd: {  	v8 =	vld [tilespmem:s31+$0xFFFFFF00]  }
0xbe: {  	v9 =	vld [tilespmem:s31+$0xFFFFFF20]  }
0xbf: {  	v10 =	vld [tilespmem:s31+$0xFFFFFF10]  }
0xc0: {  	v11 =	vld [tilespmem:s31+$0xFFFFFF30];
	_ =	sdelay $0x1  }
0xc1: {  	v7 =	vmul.f32 v7, v5;
	v8 =	vmul.f32 v8, v5  }
0xc2: {  	s1 =	sadd.s32 $0x1, s29;
	v6 =	vmul.f32 v6, v5;
	v9 =	vmul.f32 v9, v5  }
0xc3: {  	v3 =	vmul.f32 v3, v5;
	v10 =	vmul.f32 v10, v5;
	[tilespmem:s31+$0xFFFFFF70] =	vst v7;
	v7 =	vmov s1  }
0xc4: {  	v4 =	vmul.f32 v4, v5;
	[tilespmem:s31+$0xFFFFFF00] =	vst v8;
	v8 =	vmul.f32 v11, v5;
	v5 =	vand.u32 $0xFFFFFFFD, v7  }
0xc5: {  	[tilespmem:s31+$0xFFFFFF20] =	vst v9;
	v5 =	vbroadcast v5, $0x0  }
0xc6: {  	[tilespmem:s31+$0xFFFFFF50] =	vst v3  }
0xc7: {  	[tilespmem:s31+$0xFFFFFF40] =	vst v4;
	v3 =	vld [tilespmem:s31+$0xFFFFFFF0]  }
0xc8: {  	[tilespmem:s31+$0xFFFFFF60] =	vst v6;
	v4 =	vld [tilespmem:s31+$0xFFFFFFC0]  }
0xc9: {  	[tilespmem:s31+$0xFFFFFF30] =	vst v8;
	v6 =	vld [tilespmem:s31+$0xFFFFFFD0]  }
0xca: {  	[tilespmem:s31+$0xFFFFFF10] =	vst v10;
	v7 =	vld [tilespmem:s31+$0xFFFFFF90]  }
0xcb: {  	v5 =	vld.idx.msk [tilespmem:v5+s20+$0x0], $0xffff  }
0xcc: {  	v8 =	vld [tilespmem:s31+$0xFFFFFF80]  }
0xcd: {  	v9 =	vld [tilespmem:s31+$0xFFFFFFA0]  }
0xce: {  	v10 =	vld [tilespmem:s31+$0xFFFFFFB0]  }
0xcf: {  	v11 =	vld [tilespmem:s31+$0xFFFFFFE0];
	_ =	sdelay $0x1  }
0xd0: {  	v7 =	vmul.f32 v7, v5;
	v8 =	vmul.f32 v8, v5  }
0xd1: {  	s1 =	sadd.s32 $0x2, s29;
	v6 =	vmul.f32 v6, v5;
	v9 =	vmul.f32 v9, v5  }
0xd2: {  	v4 =	vmul.f32 v4, v5;
	[tilespmem:s31+$0xFFFFFF90] =	vst v7;
	v7 =	vmul.f32 v10, v5;
	v10 =	vmov s1  }
0xd3: {  	v3 =	vmul.f32 v3, v5;
	[tilespmem:s31+$0xFFFFFFA0] =	vst v9;
	v9 =	vmul.f32 v11, v5;
	v5 =	vand.u32 $0xFFFFFFFE, v10  }
0xd4: {  	[tilespmem:s31+$0xFFFFFF80] =	vst v8;
	v5 =	vbroadcast v5, $0x0  }
0xd5: {  	[tilespmem:s31+$0xFFFFFFB0] =	vst v7  }
0xd6: {  	[tilespmem:s31+$0xFFFFFFC0] =	vst v4  }
0xd7: {  	[tilespmem:s31+$0xFFFFFFD0] =	vst v6  }
.Ltmp1:
0xd8: {  	[tilespmem:s31+$0xFFFFFFF0] =	vst v3;
	v4 =	vld [tilespmem:s31+$0x40];
	(pc) =	sbr.rel @p0 .LBB2_5-.Ltmp1, $4  }
0xd9: {  	[tilespmem:s31+$0xFFFFFFE0] =	vst v9;
	v6 =	vld [tilespmem:s31+$0x60]  }
0xda: {  	v3 =	vld.idx.msk [tilespmem:v5+s20+$0x0], $0xffff  }
0xdb: {  	v7 =	vld [tilespmem:s31+$0x0]  }
0xdc: {  	v5 =	vld [tilespmem:s31+$0x10]  }
0xdd: {  	_ =	sdelay $0x1  }
0xde: {  	v6 =	vmul.f32 v6, v3  }
0xdf: {  	v8 =	vld [tilespmem:s28+$0x50];
	v4 =	vmul.f32 v4, v3  }
0xe0: {  	v9 =	vld [tilespmem:s28+$0x70];
	v1 =	vmul.f32 v1, v3;
	[tilespmem:s28+$0x60] =	vst v6  }
0xe1: {  	v54 =	vmul.f32 v7, v3;
	[tilespmem:s28+$0x40] =	vst v4  }
0xe2: {  	s1 =	sadd.s32 $0x3, s29;
	[tilespmem:s28+$0x20] =	vst v1;
	v1 =	vmul.f32 v2, v3  }
0xe3: {  	v56 =	vmov s1;
	v5 =	vmul.f32 v5, v3;
	[tilespmem:s28+$0x0] =	vst v54  }
0xe4: {  	v55 =	vmul.f32 v8, v3;
	[tilespmem:s28+$0x30] =	vst v1  }
0xe5: {  	v3 =	vmul.f32 v9, v3;
	[tilespmem:s28+$0x10] =	vst v5  }
0xe6: {  	[tilespmem:s28+$0x50] =	vst v55  }
0xe7: {  	v2 =	vld [tilespmem:s28+$0x80];
	[tilespmem:s28+$0x70] =	vst v3  }
0xe8: {  	v1 =	vld.idx.msk [tilespmem:v56+s20+$0x0], $0xffff  }
0xe9: {  	v3 =	vld [tilespmem:s28+$0xA0]  }
0xea: {  	v59 =	vld [tilespmem:s28+$0xE0]  }
0xeb: {  	v57 =	vld [tilespmem:s28+$0xC0]  }
0xec: {  	v58 =	vld [tilespmem:s28+$0xF0]  }
0xed: {  	v60 =	vld [tilespmem:s28+$0x90];
	v2 =	vmul.f32 v2, v1  }
0xee: {  	v61 =	vld [tilespmem:s28+$0xB0];
	v3 =	vmul.f32 v3, v1  }
0xef: {  	v62 =	vld [tilespmem:s28+$0xD0];
	v63 =	vmul.f32 v59, v1;
	[tilespmem:s28+$0x80] =	vst v2  }
0xf0: {  	v2 =	vmul.f32 v57, v1;
	[tilespmem:s28+$0xA0] =	vst v3  }
0xf1: {  	v3 =	vmul.f32 v58, v1;
	[tilespmem:s28+$0xE0] =	vst v63  }
0xf2: {  	[tilespmem:s28+$0xC0] =	vst v2;
	v2 =	vmul.f32 v60, v1  }
0xf3: {  	[tilespmem:s28+$0xF0] =	vst v3;
	v3 =	vmul.f32 v61, v1  }
0xf4: {  	s26 =	sadd.s32 $0x1, s26;
	v1 =	vmul.f32 v62, v1;
	[tilespmem:s28+$0x90] =	vst v2  }
0xf5: {  	p0 =	sne.s32 s26, $0x51;
	[tilespmem:s28+$0xB0] =	vst v3  }
.Ltmp2:
0xf6: {  	[tilespmem:s28+$0xD0] =	vst v1;
	(pc) =	sbr.rel @p0 .LBB2_4-.Ltmp2, $4  }
0xf7: {  	[spmem:s3] =	stream.indirect.scatter.add.f32 [tilespmem:s16], [sflag:$0x2], $0x80, s21, s18, $0xb8;
	[tilespmem:$0x1AA80] =	vst v63  }
0xf8: {  	_ =	swait.ge [sflag:s15], $0x4000  }
0xf9: {  	[sflag:s15] =	ssyncset.done $0x0  }
0xfa: {  	[sflag:s15] =	ssyncadd.s32 $0xFFFFC000  }
0xfb: {  	s24 =	sadd.s32 $0x1, s24  }
0xfc: {  	p0 =	sne.s32 s24, s14  }
.Ltmp3:
0xfd: {  	[bflag:$0x0] =	sbarrier.arrive $0xFFFF;
	(pc) =	sbr.rel @p0 .LBB2_1-.Ltmp3, $4  }
0xfe: {  	[hbm:s13], [sflag:s22] =	dma.local [spmem:s23], $0x2800  }
0xff: {  	_ =	swait.ge [sflag:s15], $0x2800  }
0x100: {  	[sflag:s15] =	ssyncset.done $0x0  }
0x101: {  	[sflag:s15] =	ssyncadd.s32 $0xFFFFD800  }
0x102: {  	_ =	sfence.sel $0x180000  }
0x103: {  	[bflag:$0x0] =	sbarrier.arrive $0xFFFF  }
0x104: {  	_ =	strace $0x9000004D  }
0x105: {  	s0 =	stileid.u32;
	[bflag:$0x2] =	sbarrier.arrive $0xFFFF  }
0x106: {  	p0 =	sne.s32 s0, $0x0;
	s0 =	rddreg [dreg:$0x3]  }
0x107: {  	s0 =	sadd.s32 @!p0 $0x100000, s0  }
0x108: {  	[sflag:s0] =	ssyncadd.tile.s32 @!p0 $0x1;
	_ =	shalt  }
.Lfunc_end2:
_tile_overlayer_lowered:
.L_overlay_start_2:
0x109: {  	(tag) =	ssettag $0x2  }
0x10a: {  	s0 =	rddreg [dreg:$0x0];
	s2 =	stileid.u32  }
0x10b: {  	s1 =	rddreg [dreg:$0x1];
	p0 =	sne.s32 s2, $0x0  }
0x10c: {  	s3 =	rddreg [dreg:$0x2];
	[bflag:$0x3] =	sbarrier.arrive $0xFFFF;
	s2 =	simm.s32 @!p0 $0x1C02  }
0x10d: {  	[timem:s3], [sflag:s2] =	dma.local @!p0 [hbm:s0], s1  }
0x10e: {  	s0 =	simm.s32 @!p0 $0x2  }
0x10f: {  	_ =	swait.ge @!p0 [sflag:s0], s1  }
0x110: {  	s1 =	ssub.s32 @!p0 $0x0, s1;
	[sflag:s0] =	ssyncset.done @!p0 $0x0  }
0x111: {  	[sflag:s0] =	ssyncadd.s32 @!p0 s1  }
0x112: {  	[bflag:$0x3] =	sbarrier.arrive $0xFFFF  }
0x113: {  	_ =	shalt  }

// kernel: kernel.8.cloned.1.call-start
scs
__scs_entry_jumppad:
0x0: {  	(pc) =	sbr.rel $0x88, $3  }
0x1: {  	(tag) =	ssettag $0x0;
	lr =	simm.s32 $0x1  }
0x2: {  	[smem:$0x3F8D] =	sst lr;
	_ =	strace $0xD0000000  }
0x3: {  	_ = 	snop  }
0x4: {  	_ = 	snop  }
0x5: {  	_ = 	snop  }
0x6: {  	_ = 	snop  }
0x7: {  	_ = 	snop  }
__scs_overlays_trampoline_lowered:
0x8: {  	[smem:$0x3F9C] =	sst s0  }
0x9: {  	[smem:$0x3F9D] =	sst s1  }
0xa: {  	[smem:$0x3F9E] =	sst s2  }
0xb: {  	[smem:$0x3F9F] =	sst s3  }
0xc: {  	[smem:$0x3FA0] =	sst s4  }
0xd: {  	[smem:$0x3FA1] =	sst s5  }
0xe: {  	[smem:$0x3FA2] =	sst s6  }
0xf: {  	[smem:$0x3FA3] =	sst s7  }
0x10: {  	[smem:$0x3FA4] =	sst s8  }
0x11: {  	[smem:$0x3FA5] =	sst s9;
	s0 =	simm.s32 @!p0 $0x0  }
0x12: {  	s1 =	sld [smem:$0x3F8B];
	s0 =	simm.s32 @p0 $0x1  }
0x13: {  	[smem:$0x3FA6] =	sst s0;
	s0 =	simm.s32 @!p1 $0x0  }
0x14: {  	s2 =	sld [smem:$0x3F8A];
	s0 =	simm.s32 @p1 $0x1  }
0x15: {  	[smem:$0x3FA7] =	sst s0;
	s0 =	simm.s32 @!p2 $0x0  }
0x16: {  	s3 =	sld [smem:$0x3FDB];
	s0 =	simm.s32 @p2 $0x1  }
0x17: {  	s4 =	simm.s32 $0x1BF5;
	[smem:$0x3FA9] =	sst s0  }
0x18: {  	s0 =	sld [smem:$0x3F8C];
	_ =	swait.ge [sflag:s4], $0x0  }
0x19: {  	s7 =	sld [smem:$0x3F8D]  }
0x1a: {  	s8 =	sadd.s32 $0xFFFFE003, lr  }
0x1b: {  	s9 =	sadd.s32 $0xFFFFFEF7, lr;
	s5 =	simm.s32 $0xFFFFFFFF;
	p2 =	slt.u32 s8, $0xFFFFF086  }
0x1c: {  	p1 =	slt.u32 s9, $0xF7A;
	s5 =	simm.s32 @!p2 $0x0  }
0x1d: {  	s5 =	simm.s32 @p1 $0x1;
	p0 =	seq.s32 s7, s2  }
0x1e: {  	s7 =	smul.u32 @!p0 $0xF7A, s2;
	p2 =	seq.s32 @!p0 s5, $0x0  }
0x1f: {  	s9 =	smul.u32 $0xF7A, s1;
	s8 =	simm.s32 @!p0 $0x1BF5;
	p2 =	por !p2, p0  }
0x20: {  	[sflag:s8] =	ssyncset.s32 @!p0 $0xFFFFF086;
	s6 =	sadd.s32 @!p0 s3, s7;
	s7 =	simm.s32 @!p0 $0x108  }
0x21: {  	s3 =	sadd.s32 s3, s9;
	s6 =	sadd.s32 @!p0 $0x88, s6;
	s7 =	simm.s32 @p2 $0x1082  }
0x22: {  	[simem:s7], [sflag:s8] =	dma.local @!p0 [hbm:s6], $0xF7A  }
0x23: {  	s9 =	sor.u32 $0xD0000000, s2;
	s6 =	simm.s32 $0x108;
	_ =	swait.ge @!p0 [sflag:s8], $0x0  }
0x24: {  	s3 =	sadd.s32 $0x88, s3;
	s6 =	simm.s32 @!p1 $0x1082;
	[sflag:s4] =	ssyncset.s32 $0xFFFFF086  }
0x25: {  	[simem:s6], [sflag:s4] =	dma.local [hbm:s3], $0xF7A  }
0x26: {  	[smem:$0x3F8D] =	sst s1;
	(tag) =	ssettag s2;
	_ =	strace s9  }
0x27: {  	s1 =	sld [smem:$0x3F9D]  }
0x28: {  	s2 =	sld [smem:$0x3F9E]  }
0x29: {  	s4 =	sld [smem:$0x3FA0]  }
0x2a: {  	p0 =	seq.s32 s5, $0x0;
	s5 =	sld [smem:$0x3FA1]  }
0x2b: {  	s6 =	sld [smem:$0x3FA2]  }
0x2c: {  	s7 =	sld [smem:$0x3FA3]  }
0x2d: {  	s3 =	simm.s32 $0x108;
	s8 =	sld [smem:$0x3FA4]  }
0x2e: {  	s3 =	simm.s32 @!p0 $0x1082;
	s9 =	sld [smem:$0x3FA5]  }
0x2f: {  	lr =	sadd.s32 s0, s3;
	s0 =	sld [smem:$0x3F9C]  }
0x30: {  	s3 =	sld [smem:$0x3F9F]  }
0x31: {  	[smem:$0x3FA8] =	sst s10  }
0x32: {  	s10 =	sld [smem:$0x3FA6];
	_ =	sdelay $0x3  }
0x33: {  	p0 =	seq.s32 s10, $0x1;
	s10 =	sld [smem:$0x3FA8];
	_ =	sdelay $0x3  }
0x34: {  	[smem:$0x3FA8] =	sst s10  }
0x35: {  	s10 =	sld [smem:$0x3FA7];
	_ =	sdelay $0x3  }
0x36: {  	p1 =	seq.s32 s10, $0x1;
	s10 =	sld [smem:$0x3FA8];
	_ =	sdelay $0x3  }
0x37: {  	[smem:$0x3FA8] =	sst s10  }
0x38: {  	s10 =	sld [smem:$0x3FA9]  }
0x39: {  	_ = 	snop;
	(pc) =	sbr.ind lr, $3  }
0x3a: {  	_ = 	snop  }
0x3b: {  	_ = 	snop  }
0x3c: {  	p2 =	seq.s32 s10, $0x1;
	s10 =	sld [smem:$0x3FA8]  }
0x3d: {  	_ =	shalt  }
0x3e: {  	_ =	shalt  }
0x3f: {  	_ =	shalt  }
0x40: {  	_ =	shalt  }
0x41: {  	_ =	shalt  }
0x42: {  	_ =	shalt  }
0x43: {  	_ =	shalt  }
0x44: {  	_ =	shalt  }
0x45: {  	_ =	shalt  }
0x46: {  	_ =	shalt  }
0x47: {  	_ =	shalt  }
0x48: {  	_ =	shalt  }
0x49: {  	_ =	shalt  }
0x4a: {  	_ =	shalt  }
0x4b: {  	_ =	shalt  }
0x4c: {  	_ =	shalt  }
0x4d: {  	_ =	shalt  }
0x4e: {  	_ =	shalt  }
0x4f: {  	_ =	shalt  }
0x50: {  	_ =	shalt  }
0x51: {  	_ =	shalt  }
0x52: {  	_ =	shalt  }
0x53: {  	_ =	shalt  }
0x54: {  	_ =	shalt  }
0x55: {  	_ =	shalt  }
0x56: {  	_ =	shalt  }
0x57: {  	_ =	shalt  }
0x58: {  	_ =	shalt  }
0x59: {  	_ =	shalt  }
0x5a: {  	_ =	shalt  }
0x5b: {  	_ =	shalt  }
0x5c: {  	_ =	shalt  }
0x5d: {  	_ =	shalt  }
0x5e: {  	_ =	shalt  }
0x5f: {  	_ =	shalt  }
0x60: {  	_ =	shalt  }
0x61: {  	_ =	shalt  }
0x62: {  	_ =	shalt  }
0x63: {  	_ =	shalt  }
0x64: {  	_ =	shalt  }
0x65: {  	_ =	shalt  }
0x66: {  	_ =	shalt  }
0x67: {  	_ =	shalt  }
0x68: {  	_ =	shalt  }
0x69: {  	_ =	shalt  }
0x6a: {  	_ =	shalt  }
0x6b: {  	_ =	shalt  }
0x6c: {  	_ =	shalt  }
0x6d: {  	_ =	shalt  }
0x6e: {  	_ =	shalt  }
0x6f: {  	_ =	shalt  }
0x70: {  	_ =	shalt  }
0x71: {  	_ =	shalt  }
0x72: {  	_ =	shalt  }
0x73: {  	_ =	shalt  }
0x74: {  	_ =	shalt  }
0x75: {  	_ =	shalt  }
0x76: {  	_ =	shalt  }
0x77: {  	_ =	shalt  }
0x78: {  	_ =	shalt  }
0x79: {  	_ =	shalt  }
0x7a: {  	_ =	shalt  }
0x7b: {  	_ =	shalt  }
0x7c: {  	_ =	shalt  }
0x7d: {  	_ =	shalt  }
0x7e: {  	_ =	shalt  }
0x7f: {  	_ =	shalt  }
0x80: {  	_ =	shalt  }
0x81: {  	_ =	shalt  }
0x82: {  	_ =	shalt  }
0x83: {  	_ =	shalt  }
0x84: {  	_ =	shalt  }
0x85: {  	_ =	shalt  }
0x86: {  	_ =	shalt  }
0x87: {  	_ =	shalt  }
.Lfunc_end0:
.L_simem_size_0:
called_computation_lowered:
.L_overlay_start_0:
0x88: {  	s2 =	sld [smem:$0x3FD9]  }
0x89: {  	s3 =	sld [smem:$0x3FFE];
	_ =	sdelay $0x1  }
0x8a: {  	s1 =	srdreg.scid  }
0x8b: {  	s0 =	sand.u32 $0x1, s1  }
0x8c: {  	s17 =	sshll.u32 s0, $0xA;
	s2 =	sadd.s32 s3, s2  }
0x8d: {  	s2 =	sadd.s32 s2, s17  }
0x8e: {  	[smem:$0x3FB4] =	sst s2  }
0x8f: {  	_ = 	snop  }
0x90: {  	s2 =	sld [smem:$0x3FB8]  }
0x91: {  	s18 =	sld [smem:$0x3FD0];
	(tm) =	ssettm $0x1  }
0x92: {  	s4 =	sld [smem:$0x3FFB];
	_ =	sdelay $0x3  }
0x93: {  	_ =	strace s4  }
0x94: {  	s4 =	sld [smem:$0x3FFC];
	_ =	sdelay $0x3  }
0x95: {  	_ =	strace s4  }
0x96: {  	s4 =	sld [smem:$0x3FFD];
	_ =	sdelay $0x3  }
0x97: {  	_ =	strace s4  }
0x98: {  	_ =	strace $0x8FFFFFFF  }
0x99: {  	s19 =	sld [smem:$0x3FDB];
	_ =	sdelay $0x1  }
0x9a: {  	s5 =	simm.s32 $_scs_section_size  }
0x9b: {  	s6 =	simm.s32 $_size__tile_overlayer_lowered;
	s7 =	simm.s32 $_tile_overlayer_lowered  }
0x9c: {  	s22 =	simm.s32 $0x1BFF;
	s21 =	sshll.u32 s7, $0x1;
	s4 =	sadd.s32 s5, s19  }
0x9d: {  	s8 =	simm.s32 $0x0;
	s20 =	sshll.u32 s6, $0x1;
	s6 =	sadd.s32 s21, s4  }
0x9e: {  	[timem:s8], [sflag:s22] =	dma.local [hbm:s6], s20  }
0x9f: {  	_ =	swait.ge [sflag:s22], s20  }
0xa0: {  	s5 =	ssub.s32 $0x0, s20;
	[sflag:s22] =	ssyncset.done $0x0  }
0xa1: {  	[sflag:s22] =	ssyncadd.s32 s5;
	_ =	sdelay $0x1  }
0xa2: {  	s23 =	simm.s32 $0x1B8B  }
0xa3: {  	_ =	swait.ge [sflag:s23], $0x1  }
0xa4: {  	[sflag:s23] =	ssyncset.done $0x0  }
0xa5: {  	s25 =	simm.s32 $0x1B8E;
	s24 =	sld [smem:$0x3FFE];
	[sflag:s23] =	ssyncadd.s32 $0xFFFFFFFF  }
0xa6: {  	s26 =	simm.s32 $execute0_lowered;
	[smem:$0x3FD2] =	sst s25  }
0xa7: {  	s6 =	sshll.u32 s26, $0x1;
	_ =	strace $0x80000046;
	[dreg:$0x1] =	wrdreg $0xFFFFFFFF  }
0xa8: {  	s28 =	simm.s32 $_size_execute0_lowered;
	s4 =	sadd.s32 s4, s6;
	[dreg:$0x0] =	wrdreg $0x0  }
0xa9: {  	s6 =	sshll.u32 s28, $0x1;
	[dreg:$0x2] =	wrdreg s4  }
0xaa: {  	[dreg:$0x3] =	wrdreg s6  }
0xab: {  	[dreg:$0x4] =	wrdreg $0xC0  }
0xac: {  	_ =	task [dreg:s8], $0x5FFFF  }
0xad: {  	[dreg:$0x1] =	wrdreg $0xFFFFFFFF  }
0xae: {  	[dreg:$0x0] =	wrdreg $0x60  }
0xaf: {  	[dreg:$0x2] =	wrdreg s18  }
0xb0: {  	[dreg:$0x3] =	wrdreg s24  }
0xb1: {  	[dreg:$0x4] =	wrdreg s2  }
0xb2: {  	[dreg:$0x5] =	wrdreg $0x9  }
0xb3: {  	_ =	task.clear_ibuf [dreg:s8], $0x6FFFF;
	_ =	strace $0x90000046  }
0xb4: {  	s29 =	simm.s32 $0x9;
	_ =	strace $0x80000048  }
0xb5: {  	_ =	swait.ge [sflag:s29], $0x1  }
0xb6: {  	[sflag:s29] =	ssyncadd.s32 $0xFFFFFFFF  }
0xb7: {  	_ =	strace $0x90000048  }
0xb8: {  	_ =	sfence  }
0xb9: {  	s30 =	sld [smem:$0x0];
	_ =	sdelay $0x2  }
0xba: {  	s31 =	sshll.u32 s1, $0xD;
	s1 =	sshrl.u32 s1, $0x2  }
0xbb: {  	s3 =	sand.u32 $0x4000, s31;
	s1 =	sadd.s32 s1, s30  }
0xbc: {  	s0 =	sor.u32 s3, s0;
	s1 =	sshll.u32 s1, $0x11  }
0xbd: {  	s0 =	sor.u32 s1, s0  }
0xbe: {  	s0 =	sadd.s32 $0x8F2B, s0  }
0xbf: {  	[sflag:s0] =	ssyncadd.remote.s32 $0x1  }
0xc0: {  	_ =	sfence.sel $0xFFFF  }
0xc1: {  	[dreg:$0x0] =	wrdreg $0xFFFFFFFF;
	(pc) =	sbr.abs _section_cstart, $3  }
0xc2: {  	[dreg:$0x1] =	wrdreg $0xFFFFFFFF  }
0xc3: {  	_ =	task.clear_ibuf [dreg:s8], $0x2FFFF;
	_ =	strace $0x9FFFFFFF  }
0xc4: {  	(tm) =	ssettm $0x7FFFFFFF  }
0xc5: {  	_ =	shalt  }
tec
execute0_lowered:
.L_overlay_start_1:
0x0: {  	(tag) =	ssettag $0x1  }
0x1: {  	s13 =	rddreg [dreg:$0x0]  }
0x2: {  	s0 =	srdreg.scid;
	s4 =	rddreg [dreg:$0x1]  }
0x3: {  	s2 =	rddreg [dreg:$0x2];
	s1 =	stileid.u32  }
0x4: {  	s21 =	simm.s32 $0x50;
	s22 =	simm.s32 $0x2980;
	s5 =	sand.u32 $0x1, s0  }
0x5: {  	s0 =	rddreg [dreg:$0x3];
	s8 =	sshll.u32 s1, $0x7;
	s12 =	sadd.s32 $0x4C00, s4  }
0x6: {  	s16 =	sadd.s32 $0x19400, s4;
	s20 =	smul.u32 $0x510, s1;
	s3 =	sshll.u32 s5, $0x4  }
0x7: {  	s14 =	smul.u32 $0x5100, s5;
	s8 =	sand.u32 $0x380, s8;
	s5 =	ssub.s32 $0x2, s5  }
0x8: {  	s6 =	sor.u32 s1, s3;
	s3 =	simm.s32 $0x0;
	s23 =	sshrl.u32 s5, $0x1  }
0x9: {  	s7 =	sshrl.u32 s6, $0x3;
	[smem:$0x7FF] =	sst s3;
	s10 =	smul.u32 $0x140, s6  }
0xa: {  	s15 =	sadd.s32 s14, s4;
	s24 =	ssub.s32 s5, s23;
	s9 =	smul.u32 $0x1400, s6  }
0xb: {  	s31 =	sadd.s32 s14, s13;
	s23 =	simm.s32 $0x1;
	s7 =	smul.u32 $0x14000, s7  }
0xc: {  	_ =	strace $0x80000047;
	s6 =	smax.u32 s24, $0x1;
	s15 =	sadd.s32 s20, s15  }
0xd: {  	s24 =	simm.s32 $0x0;
	s25 =	sshrl.u32 s10, $0x3;
	s11 =	sadd.s32 $0x50, s10  }
0xe: {  	s29 =	sadd.s32 $0xA0, s10;
	s18 =	sadd.s32 $0xF0, s10;
	s14 =	sadd.s32 $0x5200, s15  }
0xf: {  	s15 =	sadd.s32 s20, s31;
	s20 =	simm.s32 $0x2900;
	s7 =	sor.u32 s8, s7  }
0x10: {  	s5 =	sadd.s32 s12, s25;
	s26 =	sshrl.u32 s11, $0x3;
	s28 =	sshll.u32 s11, $0x4  }
0x11: {  	s17 =	sshrl.u32 s29, $0x3;
	s11 =	sshll.u32 s29, $0x4;
	s19 =	sshrl.u32 s18, $0x3  }
0x12: {  	s30 =	sshll.u32 s18, $0x4;
	s18 =	simm.s32 $0x100;
	s7 =	sshrl.u32 s7, $0x3  }
0x13: {  	s8 =	sadd.s32 s12, s26;
	s10 =	sadd.s32 s12, s17;
	s11 =	sadd.s32 s16, s11  }
0x14: {  	s12 =	sadd.s32 s12, s19;
	s13 =	sadd.s32 s16, s30;
	s7 =	sadd.s32 s7, s4  }
0x15: {  	s17 =	simm.s32 $0x80;
	s19 =	simm.s32 $0x400;
	s4 =	sadd.s32 $0xF400, s7  }
0x16: {  	v0 =	vimm.f32 $0.0e+00;
	s7 =	sadd.s32 s16, s9;
	s9 =	sadd.s32 s16, s28;
	s16 =	simm.s32 $0x2  }
.LBB2_1:
0x17: {  	s25 =	simm.s32 $0x0  }
.LBB2_2:
0x18: {  	p0 =	sne.s32 s25, $0x9FC0  }
.Ltmp0:
0x19: {  	_ = 	snop;
	(pc) =	sbr.rel @p0 .LBB2_2-.Ltmp0, $3  }
0x1a: {  	_ =	sdelay $0x1  }
0x1b: {  	s26 =	sshra.s32 s25, $0x2  }
0x1c: {  	s25 =	sadd.s32 $0x40, s25;
	[tilespmem:s26+$0x100] =	vst v0  }
0x1d: {  	s25 =	simm.s32 $0x0  }
.LBB2_4:
0x1e: {  	s26 =	sadd.s32 s25, s15  }
0x1f: {  	[tilespmem:s3], [sflag:$0x2] =	stream.linear.gather [hbm4b:s26+s3], $0x80, $0x38;
	[tilespmem:$0x5180] =	vst v63  }
0x20: {  	_ =	swait.ge [sflag:s16], $0x80  }
0x21: {  	[sflag:s16] =	ssyncset.done $0x0  }
0x22: {  	s31 =	sadd.s32 s25, s14;
	[sflag:s16] =	ssyncadd.s32 $0xFFFFFF80  }
0x23: {  	[tilespmem:s17], [sflag:$0x2] =	stream.linear.gather [hbm4b:s31+s3], $0x80, $0x38;
	[tilespmem:$0x5180] =	vst v63  }
0x24: {  	_ =	swait.ge [sflag:s16], $0x80  }
0x25: {  	[sflag:s16] =	ssyncset.done $0x0  }
0x26: {  	[sflag:s16] =	ssyncadd.s32 $0xFFFFFF80  }
0x27: {  	v1 =	vld [tilespmem:$0x0];
	_ =	sdelay $0x2  }
0x28: {  	v2 =	vld [tilespmem:$0x80];
	_ =	sdelay $0x4  }
0x29: {  	[tilespmem:v1+s18+$0x0] =	vst.idx.add.f32.msk $0xffff, v2  }
0x2a: {  	v1 =	vld [tilespmem:$0x10];
	_ =	sdelay $0x2  }
0x2b: {  	v2 =	vld [tilespmem:$0x90];
	_ =	sdelay $0x4  }
0x2c: {  	[tilespmem:v1+s18+$0x0] =	vst.idx.add.f32.msk $0xffff, v2  }
0x2d: {  	v1 =	vld [tilespmem:$0x20];
	_ =	sdelay $0x2  }
0x2e: {  	v2 =	vld [tilespmem:$0xA0];
	_ =	sdelay $0x4  }
0x2f: {  	[tilespmem:v1+s18+$0x0] =	vst.idx.add.f32.msk $0xffff, v2  }
0x30: {  	v1 =	vld [tilespmem:$0x30];
	_ =	sdelay $0x2  }
0x31: {  	v2 =	vld [tilespmem:$0xB0];
	_ =	sdelay $0x4  }
0x32: {  	[tilespmem:v1+s18+$0x0] =	vst.idx.add.f32.msk $0xffff, v2  }
0x33: {  	v1 =	vld [tilespmem:$0x40];
	_ =	sdelay $0x2  }
0x34: {  	v2 =	vld [tilespmem:$0xC0];
	_ =	sdelay $0x4  }
0x35: {  	[tilespmem:v1+s18+$0x0] =	vst.idx.add.f32.msk $0xffff, v2  }
0x36: {  	v1 =	vld [tilespmem:$0x50];
	_ =	sdelay $0x2  }
0x37: {  	v2 =	vld [tilespmem:$0xD0];
	_ =	sdelay $0x4  }
0x38: {  	[tilespmem:v1+s18+$0x0] =	vst.idx.add.f32.msk $0xffff, v2  }
0x39: {  	v1 =	vld [tilespmem:$0x60];
	_ =	sdelay $0x2  }
0x3a: {  	v2 =	vld [tilespmem:$0xE0];
	_ =	sdelay $0x4  }
0x3b: {  	[tilespmem:v1+s18+$0x0] =	vst.idx.add.f32.msk $0xffff, v2  }
0x3c: {  	v1 =	vld [tilespmem:$0x70];
	_ =	sdelay $0x2  }
0x3d: {  	p0 =	sne.s32 s25, $0x500;
	v2 =	vld [tilespmem:$0xF0]  }
.Ltmp1:
0x3e: {  	_ = 	snop;
	(pc) =	sbr.rel @p0 .LBB2_4-.Ltmp1, $2  }
0x3f: {  	_ =	sdelay $0x2  }
0x40: {  	s25 =	sadd.s32 $0x10, s25;
	[tilespmem:v1+s18+$0x0] =	vst.idx.add.f32.msk $0xffff, v2  }
0x41: {  	[hbm4b:s4+s17] =	stream.strided.scatter [tilespmem:s18], [sflag:$0x2], $0x2800, s19, s17, $0x38;
	[tilespmem:$0x5180] =	vst v63  }
0x42: {  	_ =	swait.ge [sflag:s16], $0x2800  }
0x43: {  	[sflag:s16] =	ssyncset.done $0x0  }
0x44: {  	[sflag:s16] =	ssyncadd.s32 $0xFFFFD800  }
0x45: {  	[tilespmem:s20], [sflag:$0x2] =	stream.linear.gather [hbm4b:s5+s3], $0x50, $0x38;
	[tilespmem:$0x5180] =	vst v63  }
0x46: {  	_ =	swait.ge [sflag:s16], $0x50  }
0x47: {  	[sflag:s16] =	ssyncset.done $0x0  }
0x48: {  	[sflag:s16] =	ssyncadd.s32 $0xFFFFFFB0  }
0x49: {  	[tilespmem:s22], [sflag:$0x1] =	stream.indirect.gather [hbm4b:s2+s21], $0x80, s20, s21, $0xb8;
	[tilespmem:$0x5180] =	vst v63  }
0x4a: {  	_ =	swait.ge [sflag:s23], $0x2800  }
0x4b: {  	[sflag:s23] =	ssyncset.done $0x0  }
0x4c: {  	[sflag:s23] =	ssyncadd.s32 $0xFFFFD800  }
0x4d: {  	[hbm4b:s7+s3] =	stream.linear.scatter [tilespmem:s22], [sflag:$0x2], $0x2800, $0x38;
	[tilespmem:$0x5180] =	vst v63  }
0x4e: {  	_ =	swait.ge [sflag:s16], $0x2800  }
0x4f: {  	[sflag:s16] =	ssyncset.done $0x0  }
0x50: {  	[sflag:s16] =	ssyncadd.s32 $0xFFFFD800  }
0x51: {  	[tilespmem:s20], [sflag:$0x2] =	stream.linear.gather [hbm4b:s8+s3], $0x50, $0x38;
	[tilespmem:$0x5180] =	vst v63  }
0x52: {  	_ =	swait.ge [sflag:s16], $0x50  }
0x53: {  	[sflag:s16] =	ssyncset.done $0x0  }
0x54: {  	[sflag:s16] =	ssyncadd.s32 $0xFFFFFFB0  }
0x55: {  	[tilespmem:s22], [sflag:$0x1] =	stream.indirect.gather [hbm4b:s2+s21], $0x80, s20, s21, $0xb8;
	[tilespmem:$0x5180] =	vst v63  }
0x56: {  	_ =	swait.ge [sflag:s23], $0x2800  }
0x57: {  	[sflag:s23] =	ssyncset.done $0x0  }
0x58: {  	[sflag:s23] =	ssyncadd.s32 $0xFFFFD800  }
0x59: {  	[hbm4b:s9+s3] =	stream.linear.scatter [tilespmem:s22], [sflag:$0x2], $0x2800, $0x38;
	[tilespmem:$0x5180] =	vst v63  }
0x5a: {  	_ =	swait.ge [sflag:s16], $0x2800  }
0x5b: {  	[sflag:s16] =	ssyncset.done $0x0  }
0x5c: {  	[sflag:s16] =	ssyncadd.s32 $0xFFFFD800  }
0x5d: {  	[tilespmem:s20], [sflag:$0x2] =	stream.linear.gather [hbm4b:s10+s3], $0x50, $0x38;
	[tilespmem:$0x5180] =	vst v63  }
0x5e: {  	_ =	swait.ge [sflag:s16], $0x50  }
0x5f: {  	[sflag:s16] =	ssyncset.done $0x0  }
0x60: {  	[sflag:s16] =	ssyncadd.s32 $0xFFFFFFB0  }
0x61: {  	[tilespmem:s22], [sflag:$0x1] =	stream.indirect.gather [hbm4b:s2+s21], $0x80, s20, s21, $0xb8;
	[tilespmem:$0x5180] =	vst v63  }
0x62: {  	_ =	swait.ge [sflag:s23], $0x2800  }
0x63: {  	[sflag:s23] =	ssyncset.done $0x0  }
0x64: {  	[sflag:s23] =	ssyncadd.s32 $0xFFFFD800  }
0x65: {  	[hbm4b:s11+s3] =	stream.linear.scatter [tilespmem:s22], [sflag:$0x2], $0x2800, $0x38;
	[tilespmem:$0x5180] =	vst v63  }
0x66: {  	_ =	swait.ge [sflag:s16], $0x2800  }
0x67: {  	[sflag:s16] =	ssyncset.done $0x0  }
0x68: {  	[sflag:s16] =	ssyncadd.s32 $0xFFFFD800  }
0x69: {  	[tilespmem:s20], [sflag:$0x2] =	stream.linear.gather [hbm4b:s12+s3], $0x50, $0x38;
	[tilespmem:$0x5180] =	vst v63  }
0x6a: {  	_ =	swait.ge [sflag:s16], $0x50  }
0x6b: {  	[sflag:s16] =	ssyncset.done $0x0  }
0x6c: {  	[sflag:s16] =	ssyncadd.s32 $0xFFFFFFB0  }
0x6d: {  	[tilespmem:s22], [sflag:$0x1] =	stream.indirect.gather [hbm4b:s2+s21], $0x80, s20, s21, $0xb8;
	[tilespmem:$0x5180] =	vst v63  }
0x6e: {  	s24 =	sadd.s32 $0x1, s24;
	_ =	swait.ge [sflag:s23], $0x2800  }
0x6f: {  	p0 =	sne.s32 s24, s6;
	[sflag:s23] =	ssyncset.done $0x0  }
.Ltmp2:
0x70: {  	[sflag:s23] =	ssyncadd.s32 $0xFFFFD800;
	(pc) =	sbr.rel @p0 .LBB2_1-.Ltmp2, $4  }
0x71: {  	[hbm4b:s13+s3] =	stream.linear.scatter [tilespmem:s22], [sflag:$0x2], $0x2800, $0x38;
	[tilespmem:$0x5180] =	vst v63  }
0x72: {  	_ =	swait.ge [sflag:s16], $0x2800  }
0x73: {  	[sflag:s16] =	ssyncset.done $0x0  }
0x74: {  	[sflag:s16] =	ssyncadd.s32 $0xFFFFD800  }
0x75: {  	_ =	sfence.sel $0x180000  }
0x76: {  	[bflag:$0x0] =	sbarrier.arrive $0xFFFF  }
0x77: {  	p0 =	sne.s32 s1, $0x0;
	_ =	strace $0x90000047  }
0x78: {  	s0 =	sadd.s32 @!p0 $0x100000, s0;
	[bflag:$0x2] =	sbarrier.arrive $0xFFFF  }
0x79: {  	[sflag:s0] =	ssyncadd.tile.s32 @!p0 $0x1;
	_ =	shalt  }
.Lfunc_end2:
_tile_overlayer_lowered:
.L_overlay_start_2:
0x7a: {  	(tag) =	ssettag $0x2  }
0x7b: {  	s0 =	rddreg [dreg:$0x0];
	s2 =	stileid.u32  }
0x7c: {  	s1 =	rddreg [dreg:$0x1];
	p0 =	sne.s32 s2, $0x0  }
0x7d: {  	s3 =	rddreg [dreg:$0x2];
	[bflag:$0x3] =	sbarrier.arrive $0xFFFF;
	s2 =	simm.s32 @!p0 $0x1C02  }
0x7e: {  	[timem:s3], [sflag:s2] =	dma.local @!p0 [hbm:s0], s1  }
0x7f: {  	s0 =	simm.s32 @!p0 $0x2  }
0x80: {  	_ =	swait.ge @!p0 [sflag:s0], s1  }
0x81: {  	s1 =	ssub.s32 @!p0 $0x0, s1;
	[sflag:s0] =	ssyncset.done @!p0 $0x0  }
0x82: {  	[sflag:s0] =	ssyncadd.s32 @!p0 s1  }
0x83: {  	[bflag:$0x3] =	sbarrier.arrive $0xFFFF  }
0x84: {  	_ =	shalt  }

</sc_bundles>
